<compile_context>
chip_gen: v7x
topology: tpu7x:2x2x1
jax: 0.10.2.dev20260603
libtpu: 0.0.44.dev20260713+nightly
codegen_flags: <defaults>
</compile_context>

<pallas_src>
import jax
import jax.numpy as jnp
from jax import lax
from jax.experimental import pallas as pl
from jax.experimental.pallas import tpu as pltpu
from jax.experimental.pallas import tpu_sc as plsc

N, D = 10000, 256
E = 160000
BLK = 5000
NB = N // BLK

DH = D // 2
NSUB = 16
CHUNK = 100
EDGES_PER_TILE = E // NSUB
CHUNKS_PER_TILE = EDGES_PER_TILE // CHUNK
STAGE_CHUNKS = 50
NSTAGE = CHUNKS_PER_TILE // STAGE_CHUNKS
NPAD = 10240
ROWS_PER_TILE = NPAD // NSUB



def _agg_body(xlo, xhi, src_h, dst_h, zer_h, agglo, agghi,
              sidx, didx, rows, acc, gsem):
    cid = lax.axis_index("c")
    sid = lax.axis_index("s")
    rbase = sid * ROWS_PER_TILE
    pltpu.sync_copy(zer_h, acc.at[pl.ds(rbase, ROWS_PER_TILE)])
    plsc.subcore_barrier()

    def gissue(c, buf):
        @pl.when(cid == 0)
        def _():
            pltpu.async_copy(xlo.at[sidx.at[c]], buf, gsem)

        @pl.when(cid == 1)
        def _():
            pltpu.async_copy(xhi.at[sidx.at[c]], buf, gsem)

    def gwait(c, buf):
        pltpu.make_async_copy(xlo.at[sidx.at[c]], buf, gsem).wait()

    def pair(i, carry):
        c0 = 2 * i
        c1 = c0 + 1
        gissue(c1, rows.at[1])
        gwait(c0, rows.at[0])
        pltpu.sync_copy(rows.at[0], acc.at[didx.at[c0]], add=True)

        @pl.when(c0 + 2 < STAGE_CHUNKS)
        def _():
            gissue(c0 + 2, rows.at[0])

        gwait(c1, rows.at[1])
        pltpu.sync_copy(rows.at[1], acc.at[didx.at[c1]], add=True)
        return carry

    for stage in range(NSTAGE):
        pltpu.sync_copy(src_h.at[sid, stage], sidx)
        pltpu.sync_copy(dst_h.at[sid, stage], didx)
        gissue(0, rows.at[0])
        lax.fori_loop(0, STAGE_CHUNKS // 2, pair, 0)
    plsc.subcore_barrier()

    @pl.when(cid == 0)
    def _():
        pltpu.sync_copy(acc.at[pl.ds(rbase, ROWS_PER_TILE)],
                        agglo.at[pl.ds(rbase, ROWS_PER_TILE)])

    @pl.when(cid == 1)
    def _():
        pltpu.sync_copy(acc.at[pl.ds(rbase, ROWS_PER_TILE)],
                        agghi.at[pl.ds(rbase, ROWS_PER_TILE)])


_sc_agg = pl.kernel(
    _agg_body,
    out_type=(
        jax.ShapeDtypeStruct((NPAD, DH), jnp.float32),
        jax.ShapeDtypeStruct((NPAD, DH), jnp.float32),
    ),
    mesh=plsc.VectorSubcoreMesh(core_axis_name="c", subcore_axis_name="s"),
    scratch_types=[
        pltpu.VMEM((STAGE_CHUNKS, CHUNK), jnp.int32),
        pltpu.VMEM((STAGE_CHUNKS, CHUNK), jnp.int32),
        pltpu.VMEM((2, CHUNK, DH), jnp.float32),
        pltpu.VMEM_SHARED((NPAD, DH), jnp.float32),
        pltpu.SemaphoreType.DMA,
    ],
)



def _mlp_pass(i, x, agglo_ref, agghi_ref, w1_ref, b1_ref, w2_ref, b2_ref,
              eps_ref, h_scr, stats_scr):
    agg = jnp.concatenate([agglo_ref[...], agghi_ref[...]], axis=1)
    h = (1.0 + eps_ref[0, 0]) * x + agg
    h = jnp.dot(h, w1_ref[...], preferred_element_type=jnp.float32) \
        + b1_ref[...]
    h = jnp.maximum(h, 0.0)
    h = jnp.dot(h, w2_ref[...], preferred_element_type=jnp.float32) \
        + b2_ref[...]
    h_scr[pl.ds(i * BLK, BLK), :] = h
    s = jnp.sum(h, axis=0, keepdims=True)
    sq = jnp.sum(h * h, axis=0, keepdims=True)
    blk = jnp.concatenate([s, sq], axis=0)

    @pl.when(i == 0)
    def _():
        stats_scr[...] = blk

    @pl.when(i != 0)
    def _():
        stats_scr[...] = stats_scr[...] + blk


def _bn_from_scr(i, gamma_ref, beta_ref, h_scr, stats_scr):
    h = h_scr[pl.ds(i * BLK, BLK), :]
    mean = stats_scr[0:1, :] * (1.0 / N)
    var = stats_scr[1:2, :] * (1.0 / N) - mean * mean
    return (h - mean) * lax.rsqrt(var + 1e-5) * gamma_ref[...] + beta_ref[...]


def _layer0_body(x_ref, agglo_ref, agghi_ref, w1_ref, b1_ref, w2_ref,
                 b2_ref, eps_ref, gamma_ref, beta_ref, wout_ref,
                 out_ref, xlo_ref, xhi_ref, h_scr, stats_scr):
    p = pl.program_id(0)
    i = pl.program_id(1)

    @pl.when(p == 0)
    def _():
        _mlp_pass(i, x_ref[...], agglo_ref, agghi_ref, w1_ref, b1_ref,
                  w2_ref, b2_ref, eps_ref, h_scr, stats_scr)

    @pl.when(p == 1)
    def _():
        hn = _bn_from_scr(i, gamma_ref, beta_ref, h_scr, stats_scr)
        out_ref[...] = jnp.dot(hn, wout_ref[...],
                               preferred_element_type=jnp.float32)
        xn = jnp.maximum(hn, 0.0)
        xlo_ref[...] = xn[:, :DH]
        xhi_ref[...] = xn[:, DH:]


def _layer1_body(xlo_ref, xhi_ref, agglo_ref, agghi_ref, w1_ref, b1_ref,
                 w2_ref, b2_ref, eps_ref, gamma_ref, beta_ref, wout_ref,
                 outin_ref, out_ref, h_scr, stats_scr):
    p = pl.program_id(0)
    i = pl.program_id(1)

    @pl.when(p == 0)
    def _():
        x = jnp.concatenate([xlo_ref[...], xhi_ref[...]], axis=1)
        _mlp_pass(i, x, agglo_ref, agghi_ref, w1_ref, b1_ref,
                  w2_ref, b2_ref, eps_ref, h_scr, stats_scr)

    @pl.when(p == 1)
    def _():
        hn = _bn_from_scr(i, gamma_ref, beta_ref, h_scr, stats_scr)
        out_ref[...] = outin_ref[...] + jnp.dot(
            hn, wout_ref[...], preferred_element_type=jnp.float32)


def _p0_spec(cols=D):
    return pl.BlockSpec((BLK, cols), lambda p, i: (i * (1 - p), 0))


def _p1_spec(cols=D):
    return pl.BlockSpec((BLK, cols), lambda p, i: (i * p, 0))


def _full_spec(shape):
    return pl.BlockSpec(shape, lambda p, i: tuple(0 for _ in shape))


_W_SPECS = [_full_spec((D, D)), _full_spec((1, D)),
            _full_spec((D, D)), _full_spec((1, D)), _full_spec((1, 1)),
            _full_spec((1, D)), _full_spec((1, D)), _full_spec((D, D))]

_SCRATCH = [pltpu.VMEM((N, D), jnp.float32), pltpu.VMEM((2, D), jnp.float32)]

_layer0 = pl.pallas_call(
    _layer0_body,
    grid=(2, NB),
    in_specs=[_p0_spec(), _p0_spec(DH), _p0_spec(DH)] + _W_SPECS,
    out_specs=(_p1_spec(), _p1_spec(DH), _p1_spec(DH)),
    out_shape=(jax.ShapeDtypeStruct((N, D), jnp.float32),
               jax.ShapeDtypeStruct((N, DH), jnp.float32),
               jax.ShapeDtypeStruct((N, DH), jnp.float32)),
    scratch_shapes=_SCRATCH,
)

_layer1 = pl.pallas_call(
    _layer1_body,
    grid=(2, NB),
    in_specs=[_p0_spec(DH), _p0_spec(DH), _p0_spec(DH), _p0_spec(DH)]
             + _W_SPECS + [_p1_spec()],
    out_specs=_p1_spec(),
    out_shape=jax.ShapeDtypeStruct((N, D), jnp.float32),
    scratch_shapes=_SCRATCH,
)


def kernel(x, edge_index, W1_0, b1_0, W2_0, b2_0, eps_0, gamma_0, beta_0,
           Wout_0, W1_1, b1_1, W2_1, b2_1, eps_1, gamma_1, beta_1, Wout_1):
    src3d = edge_index[0].reshape(NSUB, NSTAGE, STAGE_CHUNKS, CHUNK)
    dst3d = edge_index[1].reshape(NSUB, NSTAGE, STAGE_CHUNKS, CHUNK)
    zer = jnp.zeros((ROWS_PER_TILE, DH), jnp.float32)

    x_lo = x[:, :DH]
    x_hi = x[:, DH:]

    agg0_lo, agg0_hi = _sc_agg(x_lo, x_hi, src3d, dst3d, zer)
    out0, x1_lo, x1_hi = _layer0(
        x, agg0_lo, agg0_hi, W1_0, b1_0.reshape(1, D), W2_0,
        b2_0.reshape(1, D), eps_0.reshape(1, 1), gamma_0.reshape(1, D),
        beta_0.reshape(1, D), Wout_0)

    agg1_lo, agg1_hi = _sc_agg(x1_lo, x1_hi, src3d, dst3d, zer)
    out = _layer1(
        x1_lo, x1_hi, agg1_lo, agg1_hi, W1_1, b1_1.reshape(1, D), W2_1,
        b2_1.reshape(1, D), eps_1.reshape(1, 1), gamma_1.reshape(1, D),
        beta_1.reshape(1, D), Wout_1, out0)
    return out

# --- scband reference (transcript-rebuilt; emitter-appended) ---
"""Pipeline reference for scband-structure-extractor-37177236914785 (READ-ONLY COPY).

The authoritative reference and input builder live on the scoring server;
editing this copy changes nothing except your own understanding.
"""

import jax, jax.numpy as jnp
import numpy as np

N, D, E, L = 10000, 256, 160000, 2


def setup_inputs(seed: int = 0) -> dict:
    key = jax.random.key(seed)
    ks = jax.random.split(key, 32)
    inp = {}
    inp["x"] = jax.random.normal(ks[0], (N, D), dtype=jnp.float32)
    inp["edge_index"] = jax.random.randint(ks[1], (2, E), 0, N, dtype=jnp.int32)
    s = float(1.0 / np.sqrt(D))
    k = 2
    for i in range(L):
        inp[f"W1_{i}"] = jax.random.uniform(ks[k], (D, D), jnp.float32, -s, s); k += 1
        inp[f"b1_{i}"] = jax.random.uniform(ks[k], (D,), jnp.float32, -s, s); k += 1
        inp[f"W2_{i}"] = jax.random.uniform(ks[k], (D, D), jnp.float32, -s, s); k += 1
        inp[f"b2_{i}"] = jax.random.uniform(ks[k], (D,), jnp.float32, -s, s); k += 1
        inp[f"eps_{i}"] = jnp.zeros((), jnp.float32)
        inp[f"gamma_{i}"] = jnp.ones((D,), jnp.float32)
        inp[f"beta_{i}"] = jnp.zeros((D,), jnp.float32)
        inp[f"Wout_{i}"] = jax.random.uniform(ks[k], (D, D), jnp.float32, -s, s); k += 1
    return inp


def _forward(x, edge_index, params):
    # StructureExtractor with gnn_type='gin' (GINConv with 2-layer MLP, train_eps init 0)
    src = edge_index[0]
    dst = edge_index[1]
    out = jnp.zeros_like(x)
    for i, (W1, b1, W2, b2, eps, gamma, beta, Wout) in enumerate(params):
        # GINConv: mlp((1+eps)*x + sum_{j in N(i)} x_j), aggregated at dst
        agg = jnp.zeros_like(x).at[dst].add(x[src])
        h = (1.0 + eps) * x + agg
        h = jnp.maximum(h @ W1 + b1, 0.0) @ W2 + b2
        # BatchNorm1d (training-mode batch statistics)
        mean = jnp.mean(h, axis=0)
        var = jnp.var(h, axis=0)
        h = (h - mean) / jnp.sqrt(var + 1e-5) * gamma + beta
        out = out + h @ Wout
        if i < L - 1:
            x = jnp.maximum(h, 0.0)  # relu between layers (not gatedgcn/pifold)
    return out


def reference(x, edge_index, W1_0, b1_0, W2_0, b2_0, eps_0, gamma_0, beta_0, Wout_0, W1_1, b1_1, W2_1, b2_1, eps_1, gamma_1, beta_1, Wout_1):
    params = [
        (W1_0, b1_0, W2_0, b2_0, eps_0, gamma_0, beta_0, Wout_0),
        (W1_1, b1_1, W2_1, b2_1, eps_1, gamma_1, beta_1, Wout_1),
    ]
    return _forward(x, edge_index, params)

if __name__ == "__main__":
    import jax
    _d = setup_inputs()
    print(jax.jit(kernel)(*tuple(_d.values())))

</pallas_src>

<mosaic_0001>
#map = affine_map<(d0, d1) -> (0, 0)>
#map1 = affine_map<(d0, d1) -> (0, 0, 0, 0)>
module attributes {stable_mosaic.version = 14 : i64} {
  func.func @_agg_body(%arg0: i32, %arg1: i32, %arg2: memref<10000x128xf32, #tpu.memory_space<hbm>>, %arg3: memref<10000x128xf32, #tpu.memory_space<hbm>>, %arg4: memref<16x2x50x100xi32, #tpu.memory_space<hbm>>, %arg5: memref<16x2x50x100xi32, #tpu.memory_space<hbm>>, %arg6: memref<640x128xf32, #tpu.memory_space<hbm>>, %arg7: memref<10240x128xf32, #tpu.memory_space<hbm>>, %arg8: memref<10240x128xf32, #tpu.memory_space<hbm>>, %arg9: memref<50x100xi32, #tpu.memory_space<vmem>>, %arg10: memref<50x100xi32, #tpu.memory_space<vmem>>, %arg11: memref<2x100x128xf32, #tpu.memory_space<vmem>>, %arg12: memref<10240x128xf32, #tpu.memory_space<vmem_shared>>, %arg13: memref<!tpu.dma_semaphore, #tpu.memory_space<semaphore_mem>>) attributes {dimension_semantics = [#tpu.dimension_semantics<core_parallel>, #tpu.dimension_semantics<subcore_parallel>], iteration_bounds = array<i64: 2, 16>, scalar_prefetch = 0 : i64, scratch_operands = 5 : i64, tpu.core_type = #tpu.core_type<sc_vector_subcore>, window_params = [{transform_indices = #map}, {transform_indices = #map}, {transform_indices = #map1}, {transform_indices = #map1}, {transform_indices = #map}, {transform_indices = #map}, {transform_indices = #map}]} {
    %mul3A = arith.constant 640 : i32
    %mul3A_0 = arith.muli %arg1, %mul3A : i32
    "tpu.region"() ({
      %run_scoped3A_47 = tpu.sem_alloc : memref<!tpu.dma_semaphore, #tpu.memory_space<semaphore_mem>>
      %dma_start3A = arith.constant 0 : i32
      %dma_start3A_48 = tpu.memref_slice %arg12[%mul3A_0, %dma_start3A] : memref<10240x128xf32, #tpu.memory_space<vmem_shared>> -> memref<640x128xf32, #tpu.memory_space<vmem_shared>>
      tpu.enqueue_dma source(%arg6 : memref<640x128xf32, #tpu.memory_space<hbm>>) target(%dma_start3A_48 : memref<640x128xf32, #tpu.memory_space<vmem_shared>>) target_semaphore(%run_scoped3A_47 : memref<!tpu.dma_semaphore, #tpu.memory_space<semaphore_mem>>)
      %dma_wait3A = arith.constant 0 : i32
      %dma_wait3A_49 = tpu.memref_slice %arg12[%mul3A_0, %dma_wait3A] : memref<10240x128xf32, #tpu.memory_space<vmem_shared>> -> memref<640x128xf32, #tpu.memory_space<vmem_shared>>
      tpu.wait_dma2 semaphore(%run_scoped3A_47 : memref<!tpu.dma_semaphore, #tpu.memory_space<semaphore_mem>>) src(%arg6 : memref<640x128xf32, #tpu.memory_space<hbm>>) dst(%dma_wait3A_49 : memref<640x128xf32, #tpu.memory_space<vmem_shared>>)
      tpu.yield
    }) : () -> ()
    %barrier3A = arith.constant 0 : index
    tpu.barrier barrier_id(%barrier3A)
    %run_scoped3A = arith.constant 0 : i32
    "tpu.region"() ({
      %run_scoped3A_47 = tpu.sem_alloc : memref<!tpu.dma_semaphore, #tpu.memory_space<semaphore_mem>>
      %dma_start3A = arith.constant 0 : i32
      %dma_start3A_48 = arith.constant 0 : i32
      %dma_start3A_49 = tpu.memref_slice %arg4[%arg1, %run_scoped3A, %dma_start3A, %dma_start3A_48] : memref<16x2x50x100xi32, #tpu.memory_space<hbm>> -> memref<1x1x50x100xi32, #tpu.memory_space<hbm>>
      %dma_start3A_50 = tpu.memref_squeeze %dma_start3A_49 : memref<1x1x50x100xi32, #tpu.memory_space<hbm>> -> memref<50x100xi32, #tpu.memory_space<hbm>>
      %dma_start3A_51 = arith.constant 0 : i32
      %dma_start3A_52 = arith.constant 0 : i32
      %dma_start3A_53 = tpu.memref_slice %arg4[%arg1, %run_scoped3A, %dma_start3A_51, %dma_start3A_52] : memref<16x2x50x100xi32, #tpu.memory_space<hbm>> -> memref<1x1x50x100xi32, #tpu.memory_space<hbm>>
      %dma_start3A_54 = tpu.memref_squeeze %dma_start3A_53 : memref<1x1x50x100xi32, #tpu.memory_space<hbm>> -> memref<50x100xi32, #tpu.memory_space<hbm>>
      tpu.enqueue_dma source(%dma_start3A_54 : memref<50x100xi32, #tpu.memory_space<hbm>>) target(%arg9 : memref<50x100xi32, #tpu.memory_space<vmem>>) target_semaphore(%run_scoped3A_47 : memref<!tpu.dma_semaphore, #tpu.memory_space<semaphore_mem>>)
      %dma_wait3A = arith.constant 0 : i32
      %dma_wait3A_55 = arith.constant 0 : i32
      %dma_wait3A_56 = tpu.memref_slice %arg4[%arg1, %run_scoped3A, %dma_wait3A, %dma_wait3A_55] : memref<16x2x50x100xi32, #tpu.memory_space<hbm>> -> memref<1x1x50x100xi32, #tpu.memory_space<hbm>>
      %dma_wait3A_57 = tpu.memref_squeeze %dma_wait3A_56 : memref<1x1x50x100xi32, #tpu.memory_space<hbm>> -> memref<50x100xi32, #tpu.memory_space<hbm>>
      %dma_wait3A_58 = arith.constant 0 : i32
      %dma_wait3A_59 = arith.constant 0 : i32
      %dma_wait3A_60 = tpu.memref_slice %arg4[%arg1, %run_scoped3A, %dma_wait3A_58, %dma_wait3A_59] : memref<16x2x50x100xi32, #tpu.memory_space<hbm>> -> memref<1x1x50x100xi32, #tpu.memory_space<hbm>>
      %dma_wait3A_61 = tpu.memref_squeeze %dma_wait3A_60 : memref<1x1x50x100xi32, #tpu.memory_space<hbm>> -> memref<50x100xi32, #tpu.memory_space<hbm>>
      tpu.wait_dma2 semaphore(%run_scoped3A_47 : memref<!tpu.dma_semaphore, #tpu.memory_space<semaphore_mem>>) src(%dma_wait3A_61 : memref<50x100xi32, #tpu.memory_space<hbm>>) dst(%arg9 : memref<50x100xi32, #tpu.memory_space<vmem>>)
      tpu.yield
    }) : () -> ()
    %run_scoped3A_1 = arith.constant 0 : i32
    "tpu.region"() ({
      %run_scoped3A_47 = tpu.sem_alloc : memref<!tpu.dma_semaphore, #tpu.memory_space<semaphore_mem>>
      %dma_start3A = arith.constant 0 : i32
      %dma_start3A_48 = arith.constant 0 : i32
      %dma_start3A_49 = tpu.memref_slice %arg5[%arg1, %run_scoped3A_1, %dma_start3A, %dma_start3A_48] : memref<16x2x50x100xi32, #tpu.memory_space<hbm>> -> memref<1x1x50x100xi32, #tpu.memory_space<hbm>>
      %dma_start3A_50 = tpu.memref_squeeze %dma_start3A_49 : memref<1x1x50x100xi32, #tpu.memory_space<hbm>> -> memref<50x100xi32, #tpu.memory_space<hbm>>
      %dma_start3A_51 = arith.constant 0 : i32
      %dma_start3A_52 = arith.constant 0 : i32
      %dma_start3A_53 = tpu.memref_slice %arg5[%arg1, %run_scoped3A_1, %dma_start3A_51, %dma_start3A_52] : memref<16x2x50x100xi32, #tpu.memory_space<hbm>> -> memref<1x1x50x100xi32, #tpu.memory_space<hbm>>
      %dma_start3A_54 = tpu.memref_squeeze %dma_start3A_53 : memref<1x1x50x100xi32, #tpu.memory_space<hbm>> -> memref<50x100xi32, #tpu.memory_space<hbm>>
      tpu.enqueue_dma source(%dma_start3A_54 : memref<50x100xi32, #tpu.memory_space<hbm>>) target(%arg10 : memref<50x100xi32, #tpu.memory_space<vmem>>) target_semaphore(%run_scoped3A_47 : memref<!tpu.dma_semaphore, #tpu.memory_space<semaphore_mem>>)
      %dma_wait3A = arith.constant 0 : i32
      %dma_wait3A_55 = arith.constant 0 : i32
      %dma_wait3A_56 = tpu.memref_slice %arg5[%arg1, %run_scoped3A_1, %dma_wait3A, %dma_wait3A_55] : memref<16x2x50x100xi32, #tpu.memory_space<hbm>> -> memref<1x1x50x100xi32, #tpu.memory_space<hbm>>
      %dma_wait3A_57 = tpu.memref_squeeze %dma_wait3A_56 : memref<1x1x50x100xi32, #tpu.memory_space<hbm>> -> memref<50x100xi32, #tpu.memory_space<hbm>>
      %dma_wait3A_58 = arith.constant 0 : i32
      %dma_wait3A_59 = arith.constant 0 : i32
      %dma_wait3A_60 = tpu.memref_slice %arg5[%arg1, %run_scoped3A_1, %dma_wait3A_58, %dma_wait3A_59] : memref<16x2x50x100xi32, #tpu.memory_space<hbm>> -> memref<1x1x50x100xi32, #tpu.memory_space<hbm>>
      %dma_wait3A_61 = tpu.memref_squeeze %dma_wait3A_60 : memref<1x1x50x100xi32, #tpu.memory_space<hbm>> -> memref<50x100xi32, #tpu.memory_space<hbm>>
      tpu.wait_dma2 semaphore(%run_scoped3A_47 : memref<!tpu.dma_semaphore, #tpu.memory_space<semaphore_mem>>) src(%dma_wait3A_61 : memref<50x100xi32, #tpu.memory_space<hbm>>) dst(%arg10 : memref<50x100xi32, #tpu.memory_space<vmem>>)
      tpu.yield
    }) : () -> ()
    %eq3A = arith.constant 0 : i32
    %eq3A_2 = arith.cmpi eq, %arg0, %eq3A : i32
    %convert_element_type3A = arith.extui %eq3A_2 : i1 to i32
    %cond3A = arith.constant 0 : i32
    %cond3A_3 = arith.constant 0 : i32
    %cond3A_4 = arith.cmpi ne, %convert_element_type3A, %cond3A_3 : i32
    scf.if %cond3A_4 {
      %dma_start3A = arith.constant 0 : i32
      %dma_start3A_47 = arith.constant 0 : i32
      %dma_start3A_48 = arith.constant 0 : i32
      %dma_start3A_49 = tpu.memref_slice %arg11[%cond3A, %dma_start3A_47, %dma_start3A_48] : memref<2x100x128xf32, #tpu.memory_space<vmem>> -> memref<1x100x128xf32, #tpu.memory_space<vmem>>
      %dma_start3A_50 = tpu.memref_squeeze %dma_start3A_49 : memref<1x100x128xf32, #tpu.memory_space<vmem>> -> memref<100x128xf32, #tpu.memory_space<vmem>>
      %dma_start3A_51 = arith.constant 0 : i32
      %dma_start3A_52 = tpu.memref_slice %arg9[%dma_start3A, %dma_start3A_51] : memref<50x100xi32, #tpu.memory_space<vmem>> -> memref<1x100xi32, #tpu.memory_space<vmem>>
      %dma_start3A_53 = tpu.memref_squeeze %dma_start3A_52 : memref<1x100xi32, #tpu.memory_space<vmem>> -> memref<100xi32, #tpu.memory_space<vmem>>
      %dma_start3A_54 = arith.constant 0 : i32
      %dma_start3A_55 = arith.constant 0 : i32
      %dma_start3A_56 = tpu.memref_slice %arg2[%dma_start3A_54, %dma_start3A_55] : memref<10000x128xf32, #tpu.memory_space<hbm>> -> memref<10000x128xf32, #tpu.memory_space<hbm>>
      tpu.enqueue_indirect_dma source(%dma_start3A_56 : memref<10000x128xf32, #tpu.memory_space<hbm>>) target(%dma_start3A_50 : memref<100x128xf32, #tpu.memory_space<vmem>>) offsets(%dma_start3A_53 : memref<100xi32, #tpu.memory_space<vmem>>) semaphore(%arg13 : memref<!tpu.dma_semaphore, #tpu.memory_space<semaphore_mem>>)
    } else {
    }
    %eq3A_5 = arith.constant 1 : i32
    %eq3A_6 = arith.cmpi eq, %arg0, %eq3A_5 : i32
    %convert_element_type3A_7 = arith.extui %eq3A_6 : i1 to i32
    %cond3A_8 = arith.constant 0 : i32
    %cond3A_9 = arith.constant 0 : i32
    %cond3A_10 = arith.cmpi ne, %convert_element_type3A_7, %cond3A_9 : i32
    scf.if %cond3A_10 {
      %dma_start3A = arith.constant 0 : i32
      %dma_start3A_47 = arith.constant 0 : i32
      %dma_start3A_48 = arith.constant 0 : i32
      %dma_start3A_49 = tpu.memref_slice %arg11[%cond3A_8, %dma_start3A_47, %dma_start3A_48] : memref<2x100x128xf32, #tpu.memory_space<vmem>> -> memref<1x100x128xf32, #tpu.memory_space<vmem>>
      %dma_start3A_50 = tpu.memref_squeeze %dma_start3A_49 : memref<1x100x128xf32, #tpu.memory_space<vmem>> -> memref<100x128xf32, #tpu.memory_space<vmem>>
      %dma_start3A_51 = arith.constant 0 : i32
      %dma_start3A_52 = tpu.memref_slice %arg9[%dma_start3A, %dma_start3A_51] : memref<50x100xi32, #tpu.memory_space<vmem>> -> memref<1x100xi32, #tpu.memory_space<vmem>>
      %dma_start3A_53 = tpu.memref_squeeze %dma_start3A_52 : memref<1x100xi32, #tpu.memory_space<vmem>> -> memref<100xi32, #tpu.memory_space<vmem>>
      %dma_start3A_54 = arith.constant 0 : i32
      %dma_start3A_55 = arith.constant 0 : i32
      %dma_start3A_56 = tpu.memref_slice %arg3[%dma_start3A_54, %dma_start3A_55] : memref<10000x128xf32, #tpu.memory_space<hbm>> -> memref<10000x128xf32, #tpu.memory_space<hbm>>
      tpu.enqueue_indirect_dma source(%dma_start3A_56 : memref<10000x128xf32, #tpu.memory_space<hbm>>) target(%dma_start3A_50 : memref<100x128xf32, #tpu.memory_space<vmem>>) offsets(%dma_start3A_53 : memref<100xi32, #tpu.memory_space<vmem>>) semaphore(%arg13 : memref<!tpu.dma_semaphore, #tpu.memory_space<semaphore_mem>>)
    } else {
    }
    %scan3A = arith.constant 0 : i32
    %scan3A_11 = arith.constant 0 : i32
    %scan3A_12 = arith.constant 25 : i32
    %scan3A_13 = arith.addi %scan3A_11, %scan3A_12 : i32
    %scan3A_14 = arith.constant 1 : i32
    scf.for %scan3A_47 = %scan3A_11 to %scan3A_13 step %scan3A_14  : i32 {
      %mul3A_48 = arith.constant 2 : i32
      %mul3A_49 = arith.muli %mul3A_48, %scan3A_47 : i32
      %add3A = arith.constant 1 : i32
      %add3A_50 = arith.addi %mul3A_49, %add3A : i32
      %eq3A_51 = arith.constant 0 : i32
      %eq3A_52 = arith.cmpi eq, %arg0, %eq3A_51 : i32
      %convert_element_type3A_53 = arith.extui %eq3A_52 : i1 to i32
      %cond3A_54 = arith.constant 1 : i32
      %cond3A_55 = arith.constant 0 : i32
      %cond3A_56 = arith.cmpi ne, %convert_element_type3A_53, %cond3A_55 : i32
      scf.if %cond3A_56 {
        %dma_start3A = arith.constant 0 : i32
        %dma_start3A_92 = arith.constant 0 : i32
        %dma_start3A_93 = tpu.memref_slice %arg11[%cond3A_54, %dma_start3A, %dma_start3A_92] : memref<2x100x128xf32, #tpu.memory_space<vmem>> -> memref<1x100x128xf32, #tpu.memory_space<vmem>>
        %dma_start3A_94 = tpu.memref_squeeze %dma_start3A_93 : memref<1x100x128xf32, #tpu.memory_space<vmem>> -> memref<100x128xf32, #tpu.memory_space<vmem>>
        %dma_start3A_95 = arith.constant 0 : i32
        %dma_start3A_96 = tpu.memref_slice %arg9[%add3A_50, %dma_start3A_95] : memref<50x100xi32, #tpu.memory_space<vmem>> -> memref<1x100xi32, #tpu.memory_space<vmem>>
        %dma_start3A_97 = tpu.memref_squeeze %dma_start3A_96 : memref<1x100xi32, #tpu.memory_space<vmem>> -> memref<100xi32, #tpu.memory_space<vmem>>
        %dma_start3A_98 = arith.constant 0 : i32
        %dma_start3A_99 = arith.constant 0 : i32
        %dma_start3A_100 = tpu.memref_slice %arg2[%dma_start3A_98, %dma_start3A_99] : memref<10000x128xf32, #tpu.memory_space<hbm>> -> memref<10000x128xf32, #tpu.memory_space<hbm>>
        tpu.enqueue_indirect_dma source(%dma_start3A_100 : memref<10000x128xf32, #tpu.memory_space<hbm>>) target(%dma_start3A_94 : memref<100x128xf32, #tpu.memory_space<vmem>>) offsets(%dma_start3A_97 : memref<100xi32, #tpu.memory_space<vmem>>) semaphore(%arg13 : memref<!tpu.dma_semaphore, #tpu.memory_space<semaphore_mem>>)
      } else {
      }
      %eq3A_57 = arith.constant 1 : i32
      %eq3A_58 = arith.cmpi eq, %arg0, %eq3A_57 : i32
      %convert_element_type3A_59 = arith.extui %eq3A_58 : i1 to i32
      %cond3A_60 = arith.constant 1 : i32
      %cond3A_61 = arith.constant 0 : i32
      %cond3A_62 = arith.cmpi ne, %convert_element_type3A_59, %cond3A_61 : i32
      scf.if %cond3A_62 {
        %dma_start3A = arith.constant 0 : i32
        %dma_start3A_92 = arith.constant 0 : i32
        %dma_start3A_93 = tpu.memref_slice %arg11[%cond3A_60, %dma_start3A, %dma_start3A_92] : memref<2x100x128xf32, #tpu.memory_space<vmem>> -> memref<1x100x128xf32, #tpu.memory_space<vmem>>
        %dma_start3A_94 = tpu.memref_squeeze %dma_start3A_93 : memref<1x100x128xf32, #tpu.memory_space<vmem>> -> memref<100x128xf32, #tpu.memory_space<vmem>>
        %dma_start3A_95 = arith.constant 0 : i32
        %dma_start3A_96 = tpu.memref_slice %arg9[%add3A_50, %dma_start3A_95] : memref<50x100xi32, #tpu.memory_space<vmem>> -> memref<1x100xi32, #tpu.memory_space<vmem>>
        %dma_start3A_97 = tpu.memref_squeeze %dma_start3A_96 : memref<1x100xi32, #tpu.memory_space<vmem>> -> memref<100xi32, #tpu.memory_space<vmem>>
        %dma_start3A_98 = arith.constant 0 : i32
        %dma_start3A_99 = arith.constant 0 : i32
        %dma_start3A_100 = tpu.memref_slice %arg3[%dma_start3A_98, %dma_start3A_99] : memref<10000x128xf32, #tpu.memory_space<hbm>> -> memref<10000x128xf32, #tpu.memory_space<hbm>>
        tpu.enqueue_indirect_dma source(%dma_start3A_100 : memref<10000x128xf32, #tpu.memory_space<hbm>>) target(%dma_start3A_94 : memref<100x128xf32, #tpu.memory_space<vmem>>) offsets(%dma_start3A_97 : memref<100xi32, #tpu.memory_space<vmem>>) semaphore(%arg13 : memref<!tpu.dma_semaphore, #tpu.memory_space<semaphore_mem>>)
      } else {
      }
      %dma_wait3A = arith.constant 0 : i32
      %dma_wait3A_63 = arith.constant 0 : i32
      %dma_wait3A_64 = arith.constant 0 : i32
      %dma_wait3A_65 = tpu.memref_slice %arg11[%dma_wait3A, %dma_wait3A_63, %dma_wait3A_64] : memref<2x100x128xf32, #tpu.memory_space<vmem>> -> memref<1x100x128xf32, #tpu.memory_space<vmem>>
      %dma_wait3A_66 = tpu.memref_squeeze %dma_wait3A_65 : memref<1x100x128xf32, #tpu.memory_space<vmem>> -> memref<100x128xf32, #tpu.memory_space<vmem>>
      %dma_wait3A_67 = arith.constant 0 : i32
      %dma_wait3A_68 = tpu.memref_slice %arg9[%mul3A_49, %dma_wait3A_67] : memref<50x100xi32, #tpu.memory_space<vmem>> -> memref<1x100xi32, #tpu.memory_space<vmem>>
      %dma_wait3A_69 = tpu.memref_squeeze %dma_wait3A_68 : memref<1x100xi32, #tpu.memory_space<vmem>> -> memref<100xi32, #tpu.memory_space<vmem>>
      %dma_wait3A_70 = arith.constant 0 : i32
      %dma_wait3A_71 = arith.constant 0 : i32
      %dma_wait3A_72 = tpu.memref_slice %arg2[%dma_wait3A_70, %dma_wait3A_71] : memref<10000x128xf32, #tpu.memory_space<hbm>> -> memref<10000x128xf32, #tpu.memory_space<hbm>>
      tpu.wait_indirect_dma semaphore(%arg13 : memref<!tpu.dma_semaphore, #tpu.memory_space<semaphore_mem>>) src(%dma_wait3A_72 : memref<10000x128xf32, #tpu.memory_space<hbm>>) dst(%dma_wait3A_66 : memref<100x128xf32, #tpu.memory_space<vmem>>)
      %run_scoped3A_73 = arith.constant 0 : i32
      "tpu.region"() ({
        %run_scoped3A_92 = tpu.sem_alloc : memref<!tpu.dma_semaphore, #tpu.memory_space<semaphore_mem>>
        %dma_start3A = arith.constant 0 : i32
        %dma_start3A_93 = arith.constant 0 : i32
        %dma_start3A_94 = tpu.memref_slice %arg11[%run_scoped3A_73, %dma_start3A, %dma_start3A_93] : memref<2x100x128xf32, #tpu.memory_space<vmem>> -> memref<1x100x128xf32, #tpu.memory_space<vmem>>
        %dma_start3A_95 = tpu.memref_squeeze %dma_start3A_94 : memref<1x100x128xf32, #tpu.memory_space<vmem>> -> memref<100x128xf32, #tpu.memory_space<vmem>>
        %dma_start3A_96 = arith.constant 0 : i32
        %dma_start3A_97 = tpu.memref_slice %arg10[%mul3A_49, %dma_start3A_96] : memref<50x100xi32, #tpu.memory_space<vmem>> -> memref<1x100xi32, #tpu.memory_space<vmem>>
        %dma_start3A_98 = tpu.memref_squeeze %dma_start3A_97 : memref<1x100xi32, #tpu.memory_space<vmem>> -> memref<100xi32, #tpu.memory_space<vmem>>
        %dma_start3A_99 = arith.constant 0 : i32
        %dma_start3A_100 = arith.constant 0 : i32
        %dma_start3A_101 = tpu.memref_slice %arg12[%dma_start3A_99, %dma_start3A_100] : memref<10240x128xf32, #tpu.memory_space<vmem_shared>> -> memref<10240x128xf32, #tpu.memory_space<vmem_shared>>
        tpu.enqueue_indirect_dma source(%dma_start3A_95 : memref<100x128xf32, #tpu.memory_space<vmem>>) target(%dma_start3A_101 : memref<10240x128xf32, #tpu.memory_space<vmem_shared>>) offsets(%dma_start3A_98 : memref<100xi32, #tpu.memory_space<vmem>>) semaphore(%run_scoped3A_92 : memref<!tpu.dma_semaphore, #tpu.memory_space<semaphore_mem>>) {add = true}
        %dma_wait3A_102 = arith.constant 0 : i32
        %dma_wait3A_103 = arith.constant 0 : i32
        %dma_wait3A_104 = tpu.memref_slice %arg11[%run_scoped3A_73, %dma_wait3A_102, %dma_wait3A_103] : memref<2x100x128xf32, #tpu.memory_space<vmem>> -> memref<1x100x128xf32, #tpu.memory_space<vmem>>
        %dma_wait3A_105 = tpu.memref_squeeze %dma_wait3A_104 : memref<1x100x128xf32, #tpu.memory_space<vmem>> -> memref<100x128xf32, #tpu.memory_space<vmem>>
        %dma_wait3A_106 = arith.constant 0 : i32
        %dma_wait3A_107 = tpu.memref_slice %arg10[%mul3A_49, %dma_wait3A_106] : memref<50x100xi32, #tpu.memory_space<vmem>> -> memref<1x100xi32, #tpu.memory_space<vmem>>
        %dma_wait3A_108 = tpu.memref_squeeze %dma_wait3A_107 : memref<1x100xi32, #tpu.memory_space<vmem>> -> memref<100xi32, #tpu.memory_space<vmem>>
        %dma_wait3A_109 = arith.constant 0 : i32
        %dma_wait3A_110 = arith.constant 0 : i32
        %dma_wait3A_111 = tpu.memref_slice %arg12[%dma_wait3A_109, %dma_wait3A_110] : memref<10240x128xf32, #tpu.memory_space<vmem_shared>> -> memref<10240x128xf32, #tpu.memory_space<vmem_shared>>
        tpu.wait_indirect_dma semaphore(%run_scoped3A_92 : memref<!tpu.dma_semaphore, #tpu.memory_space<semaphore_mem>>) src(%dma_wait3A_105 : memref<100x128xf32, #tpu.memory_space<vmem>>) dst(%dma_wait3A_111 : memref<10240x128xf32, #tpu.memory_space<vmem_shared>>)
        tpu.yield
      }) : () -> ()
      %add3A_74 = arith.constant 2 : i32
      %add3A_75 = arith.addi %mul3A_49, %add3A_74 : i32
      %lt3A = arith.constant 50 : i32
      %lt3A_76 = arith.cmpi slt, %add3A_75, %lt3A : i32
      %convert_element_type3A_77 = arith.extui %lt3A_76 : i1 to i32
      %cond3A_78 = arith.constant 0 : i32
      %cond3A_79 = arith.cmpi ne, %convert_element_type3A_77, %cond3A_78 : i32
      scf.if %cond3A_79 {
        %add3A_92 = arith.constant 2 : i32
        %add3A_93 = arith.addi %mul3A_49, %add3A_92 : i32
        %eq3A_94 = arith.constant 0 : i32
        %eq3A_95 = arith.cmpi eq, %arg0, %eq3A_94 : i32
        %convert_element_type3A_96 = arith.extui %eq3A_95 : i1 to i32
        %cond3A_97 = arith.constant 0 : i32
        %cond3A_98 = arith.constant 0 : i32
        %cond3A_99 = arith.cmpi ne, %convert_element_type3A_96, %cond3A_98 : i32
        scf.if %cond3A_99 {
          %dma_start3A = arith.constant 0 : i32
          %dma_start3A_106 = arith.constant 0 : i32
          %dma_start3A_107 = tpu.memref_slice %arg11[%cond3A_97, %dma_start3A, %dma_start3A_106] : memref<2x100x128xf32, #tpu.memory_space<vmem>> -> memref<1x100x128xf32, #tpu.memory_space<vmem>>
          %dma_start3A_108 = tpu.memref_squeeze %dma_start3A_107 : memref<1x100x128xf32, #tpu.memory_space<vmem>> -> memref<100x128xf32, #tpu.memory_space<vmem>>
          %dma_start3A_109 = arith.constant 0 : i32
          %dma_start3A_110 = tpu.memref_slice %arg9[%add3A_93, %dma_start3A_109] : memref<50x100xi32, #tpu.memory_space<vmem>> -> memref<1x100xi32, #tpu.memory_space<vmem>>
          %dma_start3A_111 = tpu.memref_squeeze %dma_start3A_110 : memref<1x100xi32, #tpu.memory_space<vmem>> -> memref<100xi32, #tpu.memory_space<vmem>>
          %dma_start3A_112 = arith.constant 0 : i32
          %dma_start3A_113 = arith.constant 0 : i32
          %dma_start3A_114 = tpu.memref_slice %arg2[%dma_start3A_112, %dma_start3A_113] : memref<10000x128xf32, #tpu.memory_space<hbm>> -> memref<10000x128xf32, #tpu.memory_space<hbm>>
          tpu.enqueue_indirect_dma source(%dma_start3A_114 : memref<10000x128xf32, #tpu.memory_space<hbm>>) target(%dma_start3A_108 : memref<100x128xf32, #tpu.memory_space<vmem>>) offsets(%dma_start3A_111 : memref<100xi32, #tpu.memory_space<vmem>>) semaphore(%arg13 : memref<!tpu.dma_semaphore, #tpu.memory_space<semaphore_mem>>)
        } else {
        }
        %eq3A_100 = arith.constant 1 : i32
        %eq3A_101 = arith.cmpi eq, %arg0, %eq3A_100 : i32
        %convert_element_type3A_102 = arith.extui %eq3A_101 : i1 to i32
        %cond3A_103 = arith.constant 0 : i32
        %cond3A_104 = arith.constant 0 : i32
        %cond3A_105 = arith.cmpi ne, %convert_element_type3A_102, %cond3A_104 : i32
        scf.if %cond3A_105 {
          %dma_start3A = arith.constant 0 : i32
          %dma_start3A_106 = arith.constant 0 : i32
          %dma_start3A_107 = tpu.memref_slice %arg11[%cond3A_103, %dma_start3A, %dma_start3A_106] : memref<2x100x128xf32, #tpu.memory_space<vmem>> -> memref<1x100x128xf32, #tpu.memory_space<vmem>>
          %dma_start3A_108 = tpu.memref_squeeze %dma_start3A_107 : memref<1x100x128xf32, #tpu.memory_space<vmem>> -> memref<100x128xf32, #tpu.memory_space<vmem>>
          %dma_start3A_109 = arith.constant 0 : i32
          %dma_start3A_110 = tpu.memref_slice %arg9[%add3A_93, %dma_start3A_109] : memref<50x100xi32, #tpu.memory_space<vmem>> -> memref<1x100xi32, #tpu.memory_space<vmem>>
          %dma_start3A_111 = tpu.memref_squeeze %dma_start3A_110 : memref<1x100xi32, #tpu.memory_space<vmem>> -> memref<100xi32, #tpu.memory_space<vmem>>
          %dma_start3A_112 = arith.constant 0 : i32
          %dma_start3A_113 = arith.constant 0 : i32
          %dma_start3A_114 = tpu.memref_slice %arg3[%dma_start3A_112, %dma_start3A_113] : memref<10000x128xf32, #tpu.memory_space<hbm>> -> memref<10000x128xf32, #tpu.memory_space<hbm>>
          tpu.enqueue_indirect_dma source(%dma_start3A_114 : memref<10000x128xf32, #tpu.memory_space<hbm>>) target(%dma_start3A_108 : memref<100x128xf32, #tpu.memory_space<vmem>>) offsets(%dma_start3A_111 : memref<100xi32, #tpu.memory_space<vmem>>) semaphore(%arg13 : memref<!tpu.dma_semaphore, #tpu.memory_space<semaphore_mem>>)
        } else {
        }
      } else {
      }
      %dma_wait3A_80 = arith.constant 1 : i32
      %dma_wait3A_81 = arith.constant 0 : i32
      %dma_wait3A_82 = arith.constant 0 : i32
      %dma_wait3A_83 = tpu.memref_slice %arg11[%dma_wait3A_80, %dma_wait3A_81, %dma_wait3A_82] : memref<2x100x128xf32, #tpu.memory_space<vmem>> -> memref<1x100x128xf32, #tpu.memory_space<vmem>>
      %dma_wait3A_84 = tpu.memref_squeeze %dma_wait3A_83 : memref<1x100x128xf32, #tpu.memory_space<vmem>> -> memref<100x128xf32, #tpu.memory_space<vmem>>
      %dma_wait3A_85 = arith.constant 0 : i32
      %dma_wait3A_86 = tpu.memref_slice %arg9[%add3A_50, %dma_wait3A_85] : memref<50x100xi32, #tpu.memory_space<vmem>> -> memref<1x100xi32, #tpu.memory_space<vmem>>
      %dma_wait3A_87 = tpu.memref_squeeze %dma_wait3A_86 : memref<1x100xi32, #tpu.memory_space<vmem>> -> memref<100xi32, #tpu.memory_space<vmem>>
      %dma_wait3A_88 = arith.constant 0 : i32
      %dma_wait3A_89 = arith.constant 0 : i32
      %dma_wait3A_90 = tpu.memref_slice %arg2[%dma_wait3A_88, %dma_wait3A_89] : memref<10000x128xf32, #tpu.memory_space<hbm>> -> memref<10000x128xf32, #tpu.memory_space<hbm>>
      tpu.wait_indirect_dma semaphore(%arg13 : memref<!tpu.dma_semaphore, #tpu.memory_space<semaphore_mem>>) src(%dma_wait3A_90 : memref<10000x128xf32, #tpu.memory_space<hbm>>) dst(%dma_wait3A_84 : memref<100x128xf32, #tpu.memory_space<vmem>>)
      %run_scoped3A_91 = arith.constant 1 : i32
      "tpu.region"() ({
        %run_scoped3A_92 = tpu.sem_alloc : memref<!tpu.dma_semaphore, #tpu.memory_space<semaphore_mem>>
        %dma_start3A = arith.constant 0 : i32
        %dma_start3A_93 = arith.constant 0 : i32
        %dma_start3A_94 = tpu.memref_slice %arg11[%run_scoped3A_91, %dma_start3A, %dma_start3A_93] : memref<2x100x128xf32, #tpu.memory_space<vmem>> -> memref<1x100x128xf32, #tpu.memory_space<vmem>>
        %dma_start3A_95 = tpu.memref_squeeze %dma_start3A_94 : memref<1x100x128xf32, #tpu.memory_space<vmem>> -> memref<100x128xf32, #tpu.memory_space<vmem>>
        %dma_start3A_96 = arith.constant 0 : i32
        %dma_start3A_97 = tpu.memref_slice %arg10[%add3A_50, %dma_start3A_96] : memref<50x100xi32, #tpu.memory_space<vmem>> -> memref<1x100xi32, #tpu.memory_space<vmem>>
        %dma_start3A_98 = tpu.memref_squeeze %dma_start3A_97 : memref<1x100xi32, #tpu.memory_space<vmem>> -> memref<100xi32, #tpu.memory_space<vmem>>
        %dma_start3A_99 = arith.constant 0 : i32
        %dma_start3A_100 = arith.constant 0 : i32
        %dma_start3A_101 = tpu.memref_slice %arg12[%dma_start3A_99, %dma_start3A_100] : memref<10240x128xf32, #tpu.memory_space<vmem_shared>> -> memref<10240x128xf32, #tpu.memory_space<vmem_shared>>
        tpu.enqueue_indirect_dma source(%dma_start3A_95 : memref<100x128xf32, #tpu.memory_space<vmem>>) target(%dma_start3A_101 : memref<10240x128xf32, #tpu.memory_space<vmem_shared>>) offsets(%dma_start3A_98 : memref<100xi32, #tpu.memory_space<vmem>>) semaphore(%run_scoped3A_92 : memref<!tpu.dma_semaphore, #tpu.memory_space<semaphore_mem>>) {add = true}
        %dma_wait3A_102 = arith.constant 0 : i32
        %dma_wait3A_103 = arith.constant 0 : i32
        %dma_wait3A_104 = tpu.memref_slice %arg11[%run_scoped3A_91, %dma_wait3A_102, %dma_wait3A_103] : memref<2x100x128xf32, #tpu.memory_space<vmem>> -> memref<1x100x128xf32, #tpu.memory_space<vmem>>
        %dma_wait3A_105 = tpu.memref_squeeze %dma_wait3A_104 : memref<1x100x128xf32, #tpu.memory_space<vmem>> -> memref<100x128xf32, #tpu.memory_space<vmem>>
        %dma_wait3A_106 = arith.constant 0 : i32
        %dma_wait3A_107 = tpu.memref_slice %arg10[%add3A_50, %dma_wait3A_106] : memref<50x100xi32, #tpu.memory_space<vmem>> -> memref<1x100xi32, #tpu.memory_space<vmem>>
        %dma_wait3A_108 = tpu.memref_squeeze %dma_wait3A_107 : memref<1x100xi32, #tpu.memory_space<vmem>> -> memref<100xi32, #tpu.memory_space<vmem>>
        %dma_wait3A_109 = arith.constant 0 : i32
        %dma_wait3A_110 = arith.constant 0 : i32
        %dma_wait3A_111 = tpu.memref_slice %arg12[%dma_wait3A_109, %dma_wait3A_110] : memref<10240x128xf32, #tpu.memory_space<vmem_shared>> -> memref<10240x128xf32, #tpu.memory_space<vmem_shared>>
        tpu.wait_indirect_dma semaphore(%run_scoped3A_92 : memref<!tpu.dma_semaphore, #tpu.memory_space<semaphore_mem>>) src(%dma_wait3A_105 : memref<100x128xf32, #tpu.memory_space<vmem>>) dst(%dma_wait3A_111 : memref<10240x128xf32, #tpu.memory_space<vmem_shared>>)
        tpu.yield
      }) : () -> ()
    }
    %scan3A_15 = arith.constant 25 : i32
    %run_scoped3A_16 = arith.constant 1 : i32
    "tpu.region"() ({
      %run_scoped3A_47 = tpu.sem_alloc : memref<!tpu.dma_semaphore, #tpu.memory_space<semaphore_mem>>
      %dma_start3A = arith.constant 0 : i32
      %dma_start3A_48 = arith.constant 0 : i32
      %dma_start3A_49 = tpu.memref_slice %arg4[%arg1, %run_scoped3A_16, %dma_start3A, %dma_start3A_48] : memref<16x2x50x100xi32, #tpu.memory_space<hbm>> -> memref<1x1x50x100xi32, #tpu.memory_space<hbm>>
      %dma_start3A_50 = tpu.memref_squeeze %dma_start3A_49 : memref<1x1x50x100xi32, #tpu.memory_space<hbm>> -> memref<50x100xi32, #tpu.memory_space<hbm>>
      %dma_start3A_51 = arith.constant 0 : i32
      %dma_start3A_52 = arith.constant 0 : i32
      %dma_start3A_53 = tpu.memref_slice %arg4[%arg1, %run_scoped3A_16, %dma_start3A_51, %dma_start3A_52] : memref<16x2x50x100xi32, #tpu.memory_space<hbm>> -> memref<1x1x50x100xi32, #tpu.memory_space<hbm>>
      %dma_start3A_54 = tpu.memref_squeeze %dma_start3A_53 : memref<1x1x50x100xi32, #tpu.memory_space<hbm>> -> memref<50x100xi32, #tpu.memory_space<hbm>>
      tpu.enqueue_dma source(%dma_start3A_54 : memref<50x100xi32, #tpu.memory_space<hbm>>) target(%arg9 : memref<50x100xi32, #tpu.memory_space<vmem>>) target_semaphore(%run_scoped3A_47 : memref<!tpu.dma_semaphore, #tpu.memory_space<semaphore_mem>>)
      %dma_wait3A = arith.constant 0 : i32
      %dma_wait3A_55 = arith.constant 0 : i32
      %dma_wait3A_56 = tpu.memref_slice %arg4[%arg1, %run_scoped3A_16, %dma_wait3A, %dma_wait3A_55] : memref<16x2x50x100xi32, #tpu.memory_space<hbm>> -> memref<1x1x50x100xi32, #tpu.memory_space<hbm>>
      %dma_wait3A_57 = tpu.memref_squeeze %dma_wait3A_56 : memref<1x1x50x100xi32, #tpu.memory_space<hbm>> -> memref<50x100xi32, #tpu.memory_space<hbm>>
      %dma_wait3A_58 = arith.constant 0 : i32
      %dma_wait3A_59 = arith.constant 0 : i32
      %dma_wait3A_60 = tpu.memref_slice %arg4[%arg1, %run_scoped3A_16, %dma_wait3A_58, %dma_wait3A_59] : memref<16x2x50x100xi32, #tpu.memory_space<hbm>> -> memref<1x1x50x100xi32, #tpu.memory_space<hbm>>
      %dma_wait3A_61 = tpu.memref_squeeze %dma_wait3A_60 : memref<1x1x50x100xi32, #tpu.memory_space<hbm>> -> memref<50x100xi32, #tpu.memory_space<hbm>>
      tpu.wait_dma2 semaphore(%run_scoped3A_47 : memref<!tpu.dma_semaphore, #tpu.memory_space<semaphore_mem>>) src(%dma_wait3A_61 : memref<50x100xi32, #tpu.memory_space<hbm>>) dst(%arg9 : memref<50x100xi32, #tpu.memory_space<vmem>>)
      tpu.yield
    }) : () -> ()
    %run_scoped3A_17 = arith.constant 1 : i32
    "tpu.region"() ({
      %run_scoped3A_47 = tpu.sem_alloc : memref<!tpu.dma_semaphore, #tpu.memory_space<semaphore_mem>>
      %dma_start3A = arith.constant 0 : i32
      %dma_start3A_48 = arith.constant 0 : i32
      %dma_start3A_49 = tpu.memref_slice %arg5[%arg1, %run_scoped3A_17, %dma_start3A, %dma_start3A_48] : memref<16x2x50x100xi32, #tpu.memory_space<hbm>> -> memref<1x1x50x100xi32, #tpu.memory_space<hbm>>
      %dma_start3A_50 = tpu.memref_squeeze %dma_start3A_49 : memref<1x1x50x100xi32, #tpu.memory_space<hbm>> -> memref<50x100xi32, #tpu.memory_space<hbm>>
      %dma_start3A_51 = arith.constant 0 : i32
      %dma_start3A_52 = arith.constant 0 : i32
      %dma_start3A_53 = tpu.memref_slice %arg5[%arg1, %run_scoped3A_17, %dma_start3A_51, %dma_start3A_52] : memref<16x2x50x100xi32, #tpu.memory_space<hbm>> -> memref<1x1x50x100xi32, #tpu.memory_space<hbm>>
      %dma_start3A_54 = tpu.memref_squeeze %dma_start3A_53 : memref<1x1x50x100xi32, #tpu.memory_space<hbm>> -> memref<50x100xi32, #tpu.memory_space<hbm>>
      tpu.enqueue_dma source(%dma_start3A_54 : memref<50x100xi32, #tpu.memory_space<hbm>>) target(%arg10 : memref<50x100xi32, #tpu.memory_space<vmem>>) target_semaphore(%run_scoped3A_47 : memref<!tpu.dma_semaphore, #tpu.memory_space<semaphore_mem>>)
      %dma_wait3A = arith.constant 0 : i32
      %dma_wait3A_55 = arith.constant 0 : i32
      %dma_wait3A_56 = tpu.memref_slice %arg5[%arg1, %run_scoped3A_17, %dma_wait3A, %dma_wait3A_55] : memref<16x2x50x100xi32, #tpu.memory_space<hbm>> -> memref<1x1x50x100xi32, #tpu.memory_space<hbm>>
      %dma_wait3A_57 = tpu.memref_squeeze %dma_wait3A_56 : memref<1x1x50x100xi32, #tpu.memory_space<hbm>> -> memref<50x100xi32, #tpu.memory_space<hbm>>
      %dma_wait3A_58 = arith.constant 0 : i32
      %dma_wait3A_59 = arith.constant 0 : i32
      %dma_wait3A_60 = tpu.memref_slice %arg5[%arg1, %run_scoped3A_17, %dma_wait3A_58, %dma_wait3A_59] : memref<16x2x50x100xi32, #tpu.memory_space<hbm>> -> memref<1x1x50x100xi32, #tpu.memory_space<hbm>>
      %dma_wait3A_61 = tpu.memref_squeeze %dma_wait3A_60 : memref<1x1x50x100xi32, #tpu.memory_space<hbm>> -> memref<50x100xi32, #tpu.memory_space<hbm>>
      tpu.wait_dma2 semaphore(%run_scoped3A_47 : memref<!tpu.dma_semaphore, #tpu.memory_space<semaphore_mem>>) src(%dma_wait3A_61 : memref<50x100xi32, #tpu.memory_space<hbm>>) dst(%arg10 : memref<50x100xi32, #tpu.memory_space<vmem>>)
      tpu.yield
    }) : () -> ()
    %eq3A_18 = arith.constant 0 : i32
    %eq3A_19 = arith.cmpi eq, %arg0, %eq3A_18 : i32
    %convert_element_type3A_20 = arith.extui %eq3A_19 : i1 to i32
    %cond3A_21 = arith.constant 0 : i32
    %cond3A_22 = arith.constant 0 : i32
    %cond3A_23 = arith.cmpi ne, %convert_element_type3A_20, %cond3A_22 : i32
    scf.if %cond3A_23 {
      %dma_start3A = arith.constant 0 : i32
      %dma_start3A_47 = arith.constant 0 : i32
      %dma_start3A_48 = arith.constant 0 : i32
      %dma_start3A_49 = tpu.memref_slice %arg11[%cond3A_21, %dma_start3A_47, %dma_start3A_48] : memref<2x100x128xf32, #tpu.memory_space<vmem>> -> memref<1x100x128xf32, #tpu.memory_space<vmem>>
      %dma_start3A_50 = tpu.memref_squeeze %dma_start3A_49 : memref<1x100x128xf32, #tpu.memory_space<vmem>> -> memref<100x128xf32, #tpu.memory_space<vmem>>
      %dma_start3A_51 = arith.constant 0 : i32
      %dma_start3A_52 = tpu.memref_slice %arg9[%dma_start3A, %dma_start3A_51] : memref<50x100xi32, #tpu.memory_space<vmem>> -> memref<1x100xi32, #tpu.memory_space<vmem>>
      %dma_start3A_53 = tpu.memref_squeeze %dma_start3A_52 : memref<1x100xi32, #tpu.memory_space<vmem>> -> memref<100xi32, #tpu.memory_space<vmem>>
      %dma_start3A_54 = arith.constant 0 : i32
      %dma_start3A_55 = arith.constant 0 : i32
      %dma_start3A_56 = tpu.memref_slice %arg2[%dma_start3A_54, %dma_start3A_55] : memref<10000x128xf32, #tpu.memory_space<hbm>> -> memref<10000x128xf32, #tpu.memory_space<hbm>>
      tpu.enqueue_indirect_dma source(%dma_start3A_56 : memref<10000x128xf32, #tpu.memory_space<hbm>>) target(%dma_start3A_50 : memref<100x128xf32, #tpu.memory_space<vmem>>) offsets(%dma_start3A_53 : memref<100xi32, #tpu.memory_space<vmem>>) semaphore(%arg13 : memref<!tpu.dma_semaphore, #tpu.memory_space<semaphore_mem>>)
    } else {
    }
    %eq3A_24 = arith.constant 1 : i32
    %eq3A_25 = arith.cmpi eq, %arg0, %eq3A_24 : i32
    %convert_element_type3A_26 = arith.extui %eq3A_25 : i1 to i32
    %cond3A_27 = arith.constant 0 : i32
    %cond3A_28 = arith.constant 0 : i32
    %cond3A_29 = arith.cmpi ne, %convert_element_type3A_26, %cond3A_28 : i32
    scf.if %cond3A_29 {
      %dma_start3A = arith.constant 0 : i32
      %dma_start3A_47 = arith.constant 0 : i32
      %dma_start3A_48 = arith.constant 0 : i32
      %dma_start3A_49 = tpu.memref_slice %arg11[%cond3A_27, %dma_start3A_47, %dma_start3A_48] : memref<2x100x128xf32, #tpu.memory_space<vmem>> -> memref<1x100x128xf32, #tpu.memory_space<vmem>>
      %dma_start3A_50 = tpu.memref_squeeze %dma_start3A_49 : memref<1x100x128xf32, #tpu.memory_space<vmem>> -> memref<100x128xf32, #tpu.memory_space<vmem>>
      %dma_start3A_51 = arith.constant 0 : i32
      %dma_start3A_52 = tpu.memref_slice %arg9[%dma_start3A, %dma_start3A_51] : memref<50x100xi32, #tpu.memory_space<vmem>> -> memref<1x100xi32, #tpu.memory_space<vmem>>
      %dma_start3A_53 = tpu.memref_squeeze %dma_start3A_52 : memref<1x100xi32, #tpu.memory_space<vmem>> -> memref<100xi32, #tpu.memory_space<vmem>>
      %dma_start3A_54 = arith.constant 0 : i32
      %dma_start3A_55 = arith.constant 0 : i32
      %dma_start3A_56 = tpu.memref_slice %arg3[%dma_start3A_54, %dma_start3A_55] : memref<10000x128xf32, #tpu.memory_space<hbm>> -> memref<10000x128xf32, #tpu.memory_space<hbm>>
      tpu.enqueue_indirect_dma source(%dma_start3A_56 : memref<10000x128xf32, #tpu.memory_space<hbm>>) target(%dma_start3A_50 : memref<100x128xf32, #tpu.memory_space<vmem>>) offsets(%dma_start3A_53 : memref<100xi32, #tpu.memory_space<vmem>>) semaphore(%arg13 : memref<!tpu.dma_semaphore, #tpu.memory_space<semaphore_mem>>)
    } else {
    }
    %scan3A_30 = arith.constant 0 : i32
    %scan3A_31 = arith.constant 0 : i32
    %scan3A_32 = arith.constant 25 : i32
    %scan3A_33 = arith.addi %scan3A_31, %scan3A_32 : i32
    %scan3A_34 = arith.constant 1 : i32
    scf.for %scan3A_47 = %scan3A_31 to %scan3A_33 step %scan3A_34  : i32 {
      %mul3A_48 = arith.constant 2 : i32
      %mul3A_49 = arith.muli %mul3A_48, %scan3A_47 : i32
      %add3A = arith.constant 1 : i32
      %add3A_50 = arith.addi %mul3A_49, %add3A : i32
      %eq3A_51 = arith.constant 0 : i32
      %eq3A_52 = arith.cmpi eq, %arg0, %eq3A_51 : i32
      %convert_element_type3A_53 = arith.extui %eq3A_52 : i1 to i32
      %cond3A_54 = arith.constant 1 : i32
      %cond3A_55 = arith.constant 0 : i32
      %cond3A_56 = arith.cmpi ne, %convert_element_type3A_53, %cond3A_55 : i32
      scf.if %cond3A_56 {
        %dma_start3A = arith.constant 0 : i32
        %dma_start3A_92 = arith.constant 0 : i32
        %dma_start3A_93 = tpu.memref_slice %arg11[%cond3A_54, %dma_start3A, %dma_start3A_92] : memref<2x100x128xf32, #tpu.memory_space<vmem>> -> memref<1x100x128xf32, #tpu.memory_space<vmem>>
        %dma_start3A_94 = tpu.memref_squeeze %dma_start3A_93 : memref<1x100x128xf32, #tpu.memory_space<vmem>> -> memref<100x128xf32, #tpu.memory_space<vmem>>
        %dma_start3A_95 = arith.constant 0 : i32
        %dma_start3A_96 = tpu.memref_slice %arg9[%add3A_50, %dma_start3A_95] : memref<50x100xi32, #tpu.memory_space<vmem>> -> memref<1x100xi32, #tpu.memory_space<vmem>>
        %dma_start3A_97 = tpu.memref_squeeze %dma_start3A_96 : memref<1x100xi32, #tpu.memory_space<vmem>> -> memref<100xi32, #tpu.memory_space<vmem>>
        %dma_start3A_98 = arith.constant 0 : i32
        %dma_start3A_99 = arith.constant 0 : i32
        %dma_start3A_100 = tpu.memref_slice %arg2[%dma_start3A_98, %dma_start3A_99] : memref<10000x128xf32, #tpu.memory_space<hbm>> -> memref<10000x128xf32, #tpu.memory_space<hbm>>
        tpu.enqueue_indirect_dma source(%dma_start3A_100 : memref<10000x128xf32, #tpu.memory_space<hbm>>) target(%dma_start3A_94 : memref<100x128xf32, #tpu.memory_space<vmem>>) offsets(%dma_start3A_97 : memref<100xi32, #tpu.memory_space<vmem>>) semaphore(%arg13 : memref<!tpu.dma_semaphore, #tpu.memory_space<semaphore_mem>>)
      } else {
      }
      %eq3A_57 = arith.constant 1 : i32
      %eq3A_58 = arith.cmpi eq, %arg0, %eq3A_57 : i32
      %convert_element_type3A_59 = arith.extui %eq3A_58 : i1 to i32
      %cond3A_60 = arith.constant 1 : i32
      %cond3A_61 = arith.constant 0 : i32
      %cond3A_62 = arith.cmpi ne, %convert_element_type3A_59, %cond3A_61 : i32
      scf.if %cond3A_62 {
        %dma_start3A = arith.constant 0 : i32
        %dma_start3A_92 = arith.constant 0 : i32
        %dma_start3A_93 = tpu.memref_slice %arg11[%cond3A_60, %dma_start3A, %dma_start3A_92] : memref<2x100x128xf32, #tpu.memory_space<vmem>> -> memref<1x100x128xf32, #tpu.memory_space<vmem>>
        %dma_start3A_94 = tpu.memref_squeeze %dma_start3A_93 : memref<1x100x128xf32, #tpu.memory_space<vmem>> -> memref<100x128xf32, #tpu.memory_space<vmem>>
        %dma_start3A_95 = arith.constant 0 : i32
        %dma_start3A_96 = tpu.memref_slice %arg9[%add3A_50, %dma_start3A_95] : memref<50x100xi32, #tpu.memory_space<vmem>> -> memref<1x100xi32, #tpu.memory_space<vmem>>
        %dma_start3A_97 = tpu.memref_squeeze %dma_start3A_96 : memref<1x100xi32, #tpu.memory_space<vmem>> -> memref<100xi32, #tpu.memory_space<vmem>>
        %dma_start3A_98 = arith.constant 0 : i32
        %dma_start3A_99 = arith.constant 0 : i32
        %dma_start3A_100 = tpu.memref_slice %arg3[%dma_start3A_98, %dma_start3A_99] : memref<10000x128xf32, #tpu.memory_space<hbm>> -> memref<10000x128xf32, #tpu.memory_space<hbm>>
        tpu.enqueue_indirect_dma source(%dma_start3A_100 : memref<10000x128xf32, #tpu.memory_space<hbm>>) target(%dma_start3A_94 : memref<100x128xf32, #tpu.memory_space<vmem>>) offsets(%dma_start3A_97 : memref<100xi32, #tpu.memory_space<vmem>>) semaphore(%arg13 : memref<!tpu.dma_semaphore, #tpu.memory_space<semaphore_mem>>)
      } else {
      }
      %dma_wait3A = arith.constant 0 : i32
      %dma_wait3A_63 = arith.constant 0 : i32
      %dma_wait3A_64 = arith.constant 0 : i32
      %dma_wait3A_65 = tpu.memref_slice %arg11[%dma_wait3A, %dma_wait3A_63, %dma_wait3A_64] : memref<2x100x128xf32, #tpu.memory_space<vmem>> -> memref<1x100x128xf32, #tpu.memory_space<vmem>>
      %dma_wait3A_66 = tpu.memref_squeeze %dma_wait3A_65 : memref<1x100x128xf32, #tpu.memory_space<vmem>> -> memref<100x128xf32, #tpu.memory_space<vmem>>
      %dma_wait3A_67 = arith.constant 0 : i32
      %dma_wait3A_68 = tpu.memref_slice %arg9[%mul3A_49, %dma_wait3A_67] : memref<50x100xi32, #tpu.memory_space<vmem>> -> memref<1x100xi32, #tpu.memory_space<vmem>>
      %dma_wait3A_69 = tpu.memref_squeeze %dma_wait3A_68 : memref<1x100xi32, #tpu.memory_space<vmem>> -> memref<100xi32, #tpu.memory_space<vmem>>
      %dma_wait3A_70 = arith.constant 0 : i32
      %dma_wait3A_71 = arith.constant 0 : i32
      %dma_wait3A_72 = tpu.memref_slice %arg2[%dma_wait3A_70, %dma_wait3A_71] : memref<10000x128xf32, #tpu.memory_space<hbm>> -> memref<10000x128xf32, #tpu.memory_space<hbm>>
      tpu.wait_indirect_dma semaphore(%arg13 : memref<!tpu.dma_semaphore, #tpu.memory_space<semaphore_mem>>) src(%dma_wait3A_72 : memref<10000x128xf32, #tpu.memory_space<hbm>>) dst(%dma_wait3A_66 : memref<100x128xf32, #tpu.memory_space<vmem>>)
      %run_scoped3A_73 = arith.constant 0 : i32
      "tpu.region"() ({
        %run_scoped3A_92 = tpu.sem_alloc : memref<!tpu.dma_semaphore, #tpu.memory_space<semaphore_mem>>
        %dma_start3A = arith.constant 0 : i32
        %dma_start3A_93 = arith.constant 0 : i32
        %dma_start3A_94 = tpu.memref_slice %arg11[%run_scoped3A_73, %dma_start3A, %dma_start3A_93] : memref<2x100x128xf32, #tpu.memory_space<vmem>> -> memref<1x100x128xf32, #tpu.memory_space<vmem>>
        %dma_start3A_95 = tpu.memref_squeeze %dma_start3A_94 : memref<1x100x128xf32, #tpu.memory_space<vmem>> -> memref<100x128xf32, #tpu.memory_space<vmem>>
        %dma_start3A_96 = arith.constant 0 : i32
        %dma_start3A_97 = tpu.memref_slice %arg10[%mul3A_49, %dma_start3A_96] : memref<50x100xi32, #tpu.memory_space<vmem>> -> memref<1x100xi32, #tpu.memory_space<vmem>>
        %dma_start3A_98 = tpu.memref_squeeze %dma_start3A_97 : memref<1x100xi32, #tpu.memory_space<vmem>> -> memref<100xi32, #tpu.memory_space<vmem>>
        %dma_start3A_99 = arith.constant 0 : i32
        %dma_start3A_100 = arith.constant 0 : i32
        %dma_start3A_101 = tpu.memref_slice %arg12[%dma_start3A_99, %dma_start3A_100] : memref<10240x128xf32, #tpu.memory_space<vmem_shared>> -> memref<10240x128xf32, #tpu.memory_space<vmem_shared>>
        tpu.enqueue_indirect_dma source(%dma_start3A_95 : memref<100x128xf32, #tpu.memory_space<vmem>>) target(%dma_start3A_101 : memref<10240x128xf32, #tpu.memory_space<vmem_shared>>) offsets(%dma_start3A_98 : memref<100xi32, #tpu.memory_space<vmem>>) semaphore(%run_scoped3A_92 : memref<!tpu.dma_semaphore, #tpu.memory_space<semaphore_mem>>) {add = true}
        %dma_wait3A_102 = arith.constant 0 : i32
        %dma_wait3A_103 = arith.constant 0 : i32
        %dma_wait3A_104 = tpu.memref_slice %arg11[%run_scoped3A_73, %dma_wait3A_102, %dma_wait3A_103] : memref<2x100x128xf32, #tpu.memory_space<vmem>> -> memref<1x100x128xf32, #tpu.memory_space<vmem>>
        %dma_wait3A_105 = tpu.memref_squeeze %dma_wait3A_104 : memref<1x100x128xf32, #tpu.memory_space<vmem>> -> memref<100x128xf32, #tpu.memory_space<vmem>>
        %dma_wait3A_106 = arith.constant 0 : i32
        %dma_wait3A_107 = tpu.memref_slice %arg10[%mul3A_49, %dma_wait3A_106] : memref<50x100xi32, #tpu.memory_space<vmem>> -> memref<1x100xi32, #tpu.memory_space<vmem>>
        %dma_wait3A_108 = tpu.memref_squeeze %dma_wait3A_107 : memref<1x100xi32, #tpu.memory_space<vmem>> -> memref<100xi32, #tpu.memory_space<vmem>>
        %dma_wait3A_109 = arith.constant 0 : i32
        %dma_wait3A_110 = arith.constant 0 : i32
        %dma_wait3A_111 = tpu.memref_slice %arg12[%dma_wait3A_109, %dma_wait3A_110] : memref<10240x128xf32, #tpu.memory_space<vmem_shared>> -> memref<10240x128xf32, #tpu.memory_space<vmem_shared>>
        tpu.wait_indirect_dma semaphore(%run_scoped3A_92 : memref<!tpu.dma_semaphore, #tpu.memory_space<semaphore_mem>>) src(%dma_wait3A_105 : memref<100x128xf32, #tpu.memory_space<vmem>>) dst(%dma_wait3A_111 : memref<10240x128xf32, #tpu.memory_space<vmem_shared>>)
        tpu.yield
      }) : () -> ()
      %add3A_74 = arith.constant 2 : i32
      %add3A_75 = arith.addi %mul3A_49, %add3A_74 : i32
      %lt3A = arith.constant 50 : i32
      %lt3A_76 = arith.cmpi slt, %add3A_75, %lt3A : i32
      %convert_element_type3A_77 = arith.extui %lt3A_76 : i1 to i32
      %cond3A_78 = arith.constant 0 : i32
      %cond3A_79 = arith.cmpi ne, %convert_element_type3A_77, %cond3A_78 : i32
      scf.if %cond3A_79 {
        %add3A_92 = arith.constant 2 : i32
        %add3A_93 = arith.addi %mul3A_49, %add3A_92 : i32
        %eq3A_94 = arith.constant 0 : i32
        %eq3A_95 = arith.cmpi eq, %arg0, %eq3A_94 : i32
        %convert_element_type3A_96 = arith.extui %eq3A_95 : i1 to i32
        %cond3A_97 = arith.constant 0 : i32
        %cond3A_98 = arith.constant 0 : i32
        %cond3A_99 = arith.cmpi ne, %convert_element_type3A_96, %cond3A_98 : i32
        scf.if %cond3A_99 {
          %dma_start3A = arith.constant 0 : i32
          %dma_start3A_106 = arith.constant 0 : i32
          %dma_start3A_107 = tpu.memref_slice %arg11[%cond3A_97, %dma_start3A, %dma_start3A_106] : memref<2x100x128xf32, #tpu.memory_space<vmem>> -> memref<1x100x128xf32, #tpu.memory_space<vmem>>
          %dma_start3A_108 = tpu.memref_squeeze %dma_start3A_107 : memref<1x100x128xf32, #tpu.memory_space<vmem>> -> memref<100x128xf32, #tpu.memory_space<vmem>>
          %dma_start3A_109 = arith.constant 0 : i32
          %dma_start3A_110 = tpu.memref_slice %arg9[%add3A_93, %dma_start3A_109] : memref<50x100xi32, #tpu.memory_space<vmem>> -> memref<1x100xi32, #tpu.memory_space<vmem>>
          %dma_start3A_111 = tpu.memref_squeeze %dma_start3A_110 : memref<1x100xi32, #tpu.memory_space<vmem>> -> memref<100xi32, #tpu.memory_space<vmem>>
          %dma_start3A_112 = arith.constant 0 : i32
          %dma_start3A_113 = arith.constant 0 : i32
          %dma_start3A_114 = tpu.memref_slice %arg2[%dma_start3A_112, %dma_start3A_113] : memref<10000x128xf32, #tpu.memory_space<hbm>> -> memref<10000x128xf32, #tpu.memory_space<hbm>>
          tpu.enqueue_indirect_dma source(%dma_start3A_114 : memref<10000x128xf32, #tpu.memory_space<hbm>>) target(%dma_start3A_108 : memref<100x128xf32, #tpu.memory_space<vmem>>) offsets(%dma_start3A_111 : memref<100xi32, #tpu.memory_space<vmem>>) semaphore(%arg13 : memref<!tpu.dma_semaphore, #tpu.memory_space<semaphore_mem>>)
        } else {
        }
        %eq3A_100 = arith.constant 1 : i32
        %eq3A_101 = arith.cmpi eq, %arg0, %eq3A_100 : i32
        %convert_element_type3A_102 = arith.extui %eq3A_101 : i1 to i32
        %cond3A_103 = arith.constant 0 : i32
        %cond3A_104 = arith.constant 0 : i32
        %cond3A_105 = arith.cmpi ne, %convert_element_type3A_102, %cond3A_104 : i32
        scf.if %cond3A_105 {
          %dma_start3A = arith.constant 0 : i32
          %dma_start3A_106 = arith.constant 0 : i32
          %dma_start3A_107 = tpu.memref_slice %arg11[%cond3A_103, %dma_start3A, %dma_start3A_106] : memref<2x100x128xf32, #tpu.memory_space<vmem>> -> memref<1x100x128xf32, #tpu.memory_space<vmem>>
          %dma_start3A_108 = tpu.memref_squeeze %dma_start3A_107 : memref<1x100x128xf32, #tpu.memory_space<vmem>> -> memref<100x128xf32, #tpu.memory_space<vmem>>
          %dma_start3A_109 = arith.constant 0 : i32
          %dma_start3A_110 = tpu.memref_slice %arg9[%add3A_93, %dma_start3A_109] : memref<50x100xi32, #tpu.memory_space<vmem>> -> memref<1x100xi32, #tpu.memory_space<vmem>>
          %dma_start3A_111 = tpu.memref_squeeze %dma_start3A_110 : memref<1x100xi32, #tpu.memory_space<vmem>> -> memref<100xi32, #tpu.memory_space<vmem>>
          %dma_start3A_112 = arith.constant 0 : i32
          %dma_start3A_113 = arith.constant 0 : i32
          %dma_start3A_114 = tpu.memref_slice %arg3[%dma_start3A_112, %dma_start3A_113] : memref<10000x128xf32, #tpu.memory_space<hbm>> -> memref<10000x128xf32, #tpu.memory_space<hbm>>
          tpu.enqueue_indirect_dma source(%dma_start3A_114 : memref<10000x128xf32, #tpu.memory_space<hbm>>) target(%dma_start3A_108 : memref<100x128xf32, #tpu.memory_space<vmem>>) offsets(%dma_start3A_111 : memref<100xi32, #tpu.memory_space<vmem>>) semaphore(%arg13 : memref<!tpu.dma_semaphore, #tpu.memory_space<semaphore_mem>>)
        } else {
        }
      } else {
      }
      %dma_wait3A_80 = arith.constant 1 : i32
      %dma_wait3A_81 = arith.constant 0 : i32
      %dma_wait3A_82 = arith.constant 0 : i32
      %dma_wait3A_83 = tpu.memref_slice %arg11[%dma_wait3A_80, %dma_wait3A_81, %dma_wait3A_82] : memref<2x100x128xf32, #tpu.memory_space<vmem>> -> memref<1x100x128xf32, #tpu.memory_space<vmem>>
      %dma_wait3A_84 = tpu.memref_squeeze %dma_wait3A_83 : memref<1x100x128xf32, #tpu.memory_space<vmem>> -> memref<100x128xf32, #tpu.memory_space<vmem>>
      %dma_wait3A_85 = arith.constant 0 : i32
      %dma_wait3A_86 = tpu.memref_slice %arg9[%add3A_50, %dma_wait3A_85] : memref<50x100xi32, #tpu.memory_space<vmem>> -> memref<1x100xi32, #tpu.memory_space<vmem>>
      %dma_wait3A_87 = tpu.memref_squeeze %dma_wait3A_86 : memref<1x100xi32, #tpu.memory_space<vmem>> -> memref<100xi32, #tpu.memory_space<vmem>>
      %dma_wait3A_88 = arith.constant 0 : i32
      %dma_wait3A_89 = arith.constant 0 : i32
      %dma_wait3A_90 = tpu.memref_slice %arg2[%dma_wait3A_88, %dma_wait3A_89] : memref<10000x128xf32, #tpu.memory_space<hbm>> -> memref<10000x128xf32, #tpu.memory_space<hbm>>
      tpu.wait_indirect_dma semaphore(%arg13 : memref<!tpu.dma_semaphore, #tpu.memory_space<semaphore_mem>>) src(%dma_wait3A_90 : memref<10000x128xf32, #tpu.memory_space<hbm>>) dst(%dma_wait3A_84 : memref<100x128xf32, #tpu.memory_space<vmem>>)
      %run_scoped3A_91 = arith.constant 1 : i32
      "tpu.region"() ({
        %run_scoped3A_92 = tpu.sem_alloc : memref<!tpu.dma_semaphore, #tpu.memory_space<semaphore_mem>>
        %dma_start3A = arith.constant 0 : i32
        %dma_start3A_93 = arith.constant 0 : i32
        %dma_start3A_94 = tpu.memref_slice %arg11[%run_scoped3A_91, %dma_start3A, %dma_start3A_93] : memref<2x100x128xf32, #tpu.memory_space<vmem>> -> memref<1x100x128xf32, #tpu.memory_space<vmem>>
        %dma_start3A_95 = tpu.memref_squeeze %dma_start3A_94 : memref<1x100x128xf32, #tpu.memory_space<vmem>> -> memref<100x128xf32, #tpu.memory_space<vmem>>
        %dma_start3A_96 = arith.constant 0 : i32
        %dma_start3A_97 = tpu.memref_slice %arg10[%add3A_50, %dma_start3A_96] : memref<50x100xi32, #tpu.memory_space<vmem>> -> memref<1x100xi32, #tpu.memory_space<vmem>>
        %dma_start3A_98 = tpu.memref_squeeze %dma_start3A_97 : memref<1x100xi32, #tpu.memory_space<vmem>> -> memref<100xi32, #tpu.memory_space<vmem>>
        %dma_start3A_99 = arith.constant 0 : i32
        %dma_start3A_100 = arith.constant 0 : i32
        %dma_start3A_101 = tpu.memref_slice %arg12[%dma_start3A_99, %dma_start3A_100] : memref<10240x128xf32, #tpu.memory_space<vmem_shared>> -> memref<10240x128xf32, #tpu.memory_space<vmem_shared>>
        tpu.enqueue_indirect_dma source(%dma_start3A_95 : memref<100x128xf32, #tpu.memory_space<vmem>>) target(%dma_start3A_101 : memref<10240x128xf32, #tpu.memory_space<vmem_shared>>) offsets(%dma_start3A_98 : memref<100xi32, #tpu.memory_space<vmem>>) semaphore(%run_scoped3A_92 : memref<!tpu.dma_semaphore, #tpu.memory_space<semaphore_mem>>) {add = true}
        %dma_wait3A_102 = arith.constant 0 : i32
        %dma_wait3A_103 = arith.constant 0 : i32
        %dma_wait3A_104 = tpu.memref_slice %arg11[%run_scoped3A_91, %dma_wait3A_102, %dma_wait3A_103] : memref<2x100x128xf32, #tpu.memory_space<vmem>> -> memref<1x100x128xf32, #tpu.memory_space<vmem>>
        %dma_wait3A_105 = tpu.memref_squeeze %dma_wait3A_104 : memref<1x100x128xf32, #tpu.memory_space<vmem>> -> memref<100x128xf32, #tpu.memory_space<vmem>>
        %dma_wait3A_106 = arith.constant 0 : i32
        %dma_wait3A_107 = tpu.memref_slice %arg10[%add3A_50, %dma_wait3A_106] : memref<50x100xi32, #tpu.memory_space<vmem>> -> memref<1x100xi32, #tpu.memory_space<vmem>>
        %dma_wait3A_108 = tpu.memref_squeeze %dma_wait3A_107 : memref<1x100xi32, #tpu.memory_space<vmem>> -> memref<100xi32, #tpu.memory_space<vmem>>
        %dma_wait3A_109 = arith.constant 0 : i32
        %dma_wait3A_110 = arith.constant 0 : i32
        %dma_wait3A_111 = tpu.memref_slice %arg12[%dma_wait3A_109, %dma_wait3A_110] : memref<10240x128xf32, #tpu.memory_space<vmem_shared>> -> memref<10240x128xf32, #tpu.memory_space<vmem_shared>>
        tpu.wait_indirect_dma semaphore(%run_scoped3A_92 : memref<!tpu.dma_semaphore, #tpu.memory_space<semaphore_mem>>) src(%dma_wait3A_105 : memref<100x128xf32, #tpu.memory_space<vmem>>) dst(%dma_wait3A_111 : memref<10240x128xf32, #tpu.memory_space<vmem_shared>>)
        tpu.yield
      }) : () -> ()
    }
    %scan3A_35 = arith.constant 25 : i32
    %barrier3A_36 = arith.constant 0 : index
    tpu.barrier barrier_id(%barrier3A_36)
    %eq3A_37 = arith.constant 0 : i32
    %eq3A_38 = arith.cmpi eq, %arg0, %eq3A_37 : i32
    %convert_element_type3A_39 = arith.extui %eq3A_38 : i1 to i32
    %cond3A_40 = arith.constant 0 : i32
    %cond3A_41 = arith.cmpi ne, %convert_element_type3A_39, %cond3A_40 : i32
    scf.if %cond3A_41 {
      "tpu.region"() ({
        %run_scoped3A_47 = tpu.sem_alloc : memref<!tpu.dma_semaphore, #tpu.memory_space<semaphore_mem>>
        %dma_start3A = arith.constant 0 : i32
        %dma_start3A_48 = tpu.memref_slice %arg7[%mul3A_0, %dma_start3A] : memref<10240x128xf32, #tpu.memory_space<hbm>> -> memref<640x128xf32, #tpu.memory_space<hbm>>
        %dma_start3A_49 = arith.constant 0 : i32
        %dma_start3A_50 = tpu.memref_slice %arg12[%mul3A_0, %dma_start3A_49] : memref<10240x128xf32, #tpu.memory_space<vmem_shared>> -> memref<640x128xf32, #tpu.memory_space<vmem_shared>>
        tpu.enqueue_dma source(%dma_start3A_50 : memref<640x128xf32, #tpu.memory_space<vmem_shared>>) target(%dma_start3A_48 : memref<640x128xf32, #tpu.memory_space<hbm>>) target_semaphore(%run_scoped3A_47 : memref<!tpu.dma_semaphore, #tpu.memory_space<semaphore_mem>>)
        %dma_wait3A = arith.constant 0 : i32
        %dma_wait3A_51 = tpu.memref_slice %arg7[%mul3A_0, %dma_wait3A] : memref<10240x128xf32, #tpu.memory_space<hbm>> -> memref<640x128xf32, #tpu.memory_space<hbm>>
        %dma_wait3A_52 = arith.constant 0 : i32
        %dma_wait3A_53 = tpu.memref_slice %arg12[%mul3A_0, %dma_wait3A_52] : memref<10240x128xf32, #tpu.memory_space<vmem_shared>> -> memref<640x128xf32, #tpu.memory_space<vmem_shared>>
        tpu.wait_dma2 semaphore(%run_scoped3A_47 : memref<!tpu.dma_semaphore, #tpu.memory_space<semaphore_mem>>) src(%dma_wait3A_53 : memref<640x128xf32, #tpu.memory_space<vmem_shared>>) dst(%dma_wait3A_51 : memref<640x128xf32, #tpu.memory_space<hbm>>)
        tpu.yield
      }) : () -> ()
    } else {
    }
    %eq3A_42 = arith.constant 1 : i32
    %eq3A_43 = arith.cmpi eq, %arg0, %eq3A_42 : i32
    %convert_element_type3A_44 = arith.extui %eq3A_43 : i1 to i32
    %cond3A_45 = arith.constant 0 : i32
    %cond3A_46 = arith.cmpi ne, %convert_element_type3A_44, %cond3A_45 : i32
    scf.if %cond3A_46 {
      "tpu.region"() ({
        %run_scoped3A_47 = tpu.sem_alloc : memref<!tpu.dma_semaphore, #tpu.memory_space<semaphore_mem>>
        %dma_start3A = arith.constant 0 : i32
        %dma_start3A_48 = tpu.memref_slice %arg8[%mul3A_0, %dma_start3A] : memref<10240x128xf32, #tpu.memory_space<hbm>> -> memref<640x128xf32, #tpu.memory_space<hbm>>
        %dma_start3A_49 = arith.constant 0 : i32
        %dma_start3A_50 = tpu.memref_slice %arg12[%mul3A_0, %dma_start3A_49] : memref<10240x128xf32, #tpu.memory_space<vmem_shared>> -> memref<640x128xf32, #tpu.memory_space<vmem_shared>>
        tpu.enqueue_dma source(%dma_start3A_50 : memref<640x128xf32, #tpu.memory_space<vmem_shared>>) target(%dma_start3A_48 : memref<640x128xf32, #tpu.memory_space<hbm>>) target_semaphore(%run_scoped3A_47 : memref<!tpu.dma_semaphore, #tpu.memory_space<semaphore_mem>>)
        %dma_wait3A = arith.constant 0 : i32
        %dma_wait3A_51 = tpu.memref_slice %arg8[%mul3A_0, %dma_wait3A] : memref<10240x128xf32, #tpu.memory_space<hbm>> -> memref<640x128xf32, #tpu.memory_space<hbm>>
        %dma_wait3A_52 = arith.constant 0 : i32
        %dma_wait3A_53 = tpu.memref_slice %arg12[%mul3A_0, %dma_wait3A_52] : memref<10240x128xf32, #tpu.memory_space<vmem_shared>> -> memref<640x128xf32, #tpu.memory_space<vmem_shared>>
        tpu.wait_dma2 semaphore(%run_scoped3A_47 : memref<!tpu.dma_semaphore, #tpu.memory_space<semaphore_mem>>) src(%dma_wait3A_53 : memref<640x128xf32, #tpu.memory_space<vmem_shared>>) dst(%dma_wait3A_51 : memref<640x128xf32, #tpu.memory_space<hbm>>)
        tpu.yield
      }) : () -> ()
    } else {
    }
    return
  }
}

#map = affine_map<(d0, d1) -> (0, 0)>
#map1 = affine_map<(d0, d1) -> (0, 0, 0, 0)>
module attributes {stable_mosaic.version = 14 : i64} {
  func.func @_agg_body(%arg0: i32, %arg1: i32, %arg2: memref<10000x128xf32, #tpu.memory_space<hbm>>, %arg3: memref<10000x128xf32, #tpu.memory_space<hbm>>, %arg4: memref<16x2x50x100xi32, #tpu.memory_space<hbm>>, %arg5: memref<16x2x50x100xi32, #tpu.memory_space<hbm>>, %arg6: memref<640x128xf32, #tpu.memory_space<hbm>>, %arg7: memref<10240x128xf32, #tpu.memory_space<hbm>>, %arg8: memref<10240x128xf32, #tpu.memory_space<hbm>>, %arg9: memref<50x100xi32, #tpu.memory_space<vmem>>, %arg10: memref<50x100xi32, #tpu.memory_space<vmem>>, %arg11: memref<2x100x128xf32, #tpu.memory_space<vmem>>, %arg12: memref<10240x128xf32, #tpu.memory_space<vmem_shared>>, %arg13: memref<!tpu.dma_semaphore, #tpu.memory_space<semaphore_mem>>) attributes {dimension_semantics = [#tpu.dimension_semantics<core_parallel>, #tpu.dimension_semantics<subcore_parallel>], iteration_bounds = array<i64: 2, 16>, scalar_prefetch = 0 : i64, scratch_operands = 5 : i64, tpu.core_type = #tpu.core_type<sc_vector_subcore>, window_params = [{transform_indices = #map}, {transform_indices = #map}, {transform_indices = #map1}, {transform_indices = #map1}, {transform_indices = #map}, {transform_indices = #map}, {transform_indices = #map}]} {
    %mul3A = arith.constant 640 : i32
    %mul3A_0 = arith.muli %arg1, %mul3A : i32
    "tpu.region"() ({
      %run_scoped3A_47 = tpu.sem_alloc : memref<!tpu.dma_semaphore, #tpu.memory_space<semaphore_mem>>
      %dma_start3A = arith.constant 0 : i32
      %dma_start3A_48 = tpu.memref_slice %arg12[%mul3A_0, %dma_start3A] : memref<10240x128xf32, #tpu.memory_space<vmem_shared>> -> memref<640x128xf32, #tpu.memory_space<vmem_shared>>
      tpu.enqueue_dma source(%arg6 : memref<640x128xf32, #tpu.memory_space<hbm>>) target(%dma_start3A_48 : memref<640x128xf32, #tpu.memory_space<vmem_shared>>) target_semaphore(%run_scoped3A_47 : memref<!tpu.dma_semaphore, #tpu.memory_space<semaphore_mem>>)
      %dma_wait3A = arith.constant 0 : i32
      %dma_wait3A_49 = tpu.memref_slice %arg12[%mul3A_0, %dma_wait3A] : memref<10240x128xf32, #tpu.memory_space<vmem_shared>> -> memref<640x128xf32, #tpu.memory_space<vmem_shared>>
      tpu.wait_dma2 semaphore(%run_scoped3A_47 : memref<!tpu.dma_semaphore, #tpu.memory_space<semaphore_mem>>) src(%arg6 : memref<640x128xf32, #tpu.memory_space<hbm>>) dst(%dma_wait3A_49 : memref<640x128xf32, #tpu.memory_space<vmem_shared>>)
      tpu.yield
    }) : () -> ()
    %barrier3A = arith.constant 0 : index
    tpu.barrier barrier_id(%barrier3A)
    %run_scoped3A = arith.constant 0 : i32
    "tpu.region"() ({
      %run_scoped3A_47 = tpu.sem_alloc : memref<!tpu.dma_semaphore, #tpu.memory_space<semaphore_mem>>
      %dma_start3A = arith.constant 0 : i32
      %dma_start3A_48 = arith.constant 0 : i32
      %dma_start3A_49 = tpu.memref_slice %arg4[%arg1, %run_scoped3A, %dma_start3A, %dma_start3A_48] : memref<16x2x50x100xi32, #tpu.memory_space<hbm>> -> memref<1x1x50x100xi32, #tpu.memory_space<hbm>>
      %dma_start3A_50 = tpu.memref_squeeze %dma_start3A_49 : memref<1x1x50x100xi32, #tpu.memory_space<hbm>> -> memref<50x100xi32, #tpu.memory_space<hbm>>
      %dma_start3A_51 = arith.constant 0 : i32
      %dma_start3A_52 = arith.constant 0 : i32
      %dma_start3A_53 = tpu.memref_slice %arg4[%arg1, %run_scoped3A, %dma_start3A_51, %dma_start3A_52] : memref<16x2x50x100xi32, #tpu.memory_space<hbm>> -> memref<1x1x50x100xi32, #tpu.memory_space<hbm>>
      %dma_start3A_54 = tpu.memref_squeeze %dma_start3A_53 : memref<1x1x50x100xi32, #tpu.memory_space<hbm>> -> memref<50x100xi32, #tpu.memory_space<hbm>>
      tpu.enqueue_dma source(%dma_start3A_54 : memref<50x100xi32, #tpu.memory_space<hbm>>) target(%arg9 : memref<50x100xi32, #tpu.memory_space<vmem>>) target_semaphore(%run_scoped3A_47 : memref<!tpu.dma_semaphore, #tpu.memory_space<semaphore_mem>>)
      %dma_wait3A = arith.constant 0 : i32
      %dma_wait3A_55 = arith.constant 0 : i32
      %dma_wait3A_56 = tpu.memref_slice %arg4[%arg1, %run_scoped3A, %dma_wait3A, %dma_wait3A_55] : memref<16x2x50x100xi32, #tpu.memory_space<hbm>> -> memref<1x1x50x100xi32, #tpu.memory_space<hbm>>
      %dma_wait3A_57 = tpu.memref_squeeze %dma_wait3A_56 : memref<1x1x50x100xi32, #tpu.memory_space<hbm>> -> memref<50x100xi32, #tpu.memory_space<hbm>>
      %dma_wait3A_58 = arith.constant 0 : i32
      %dma_wait3A_59 = arith.constant 0 : i32
      %dma_wait3A_60 = tpu.memref_slice %arg4[%arg1, %run_scoped3A, %dma_wait3A_58, %dma_wait3A_59] : memref<16x2x50x100xi32, #tpu.memory_space<hbm>> -> memref<1x1x50x100xi32, #tpu.memory_space<hbm>>
      %dma_wait3A_61 = tpu.memref_squeeze %dma_wait3A_60 : memref<1x1x50x100xi32, #tpu.memory_space<hbm>> -> memref<50x100xi32, #tpu.memory_space<hbm>>
      tpu.wait_dma2 semaphore(%run_scoped3A_47 : memref<!tpu.dma_semaphore, #tpu.memory_space<semaphore_mem>>) src(%dma_wait3A_61 : memref<50x100xi32, #tpu.memory_space<hbm>>) dst(%arg9 : memref<50x100xi32, #tpu.memory_space<vmem>>)
      tpu.yield
    }) : () -> ()
    %run_scoped3A_1 = arith.constant 0 : i32
    "tpu.region"() ({
      %run_scoped3A_47 = tpu.sem_alloc : memref<!tpu.dma_semaphore, #tpu.memory_space<semaphore_mem>>
      %dma_start3A = arith.constant 0 : i32
      %dma_start3A_48 = arith.constant 0 : i32
      %dma_start3A_49 = tpu.memref_slice %arg5[%arg1, %run_scoped3A_1, %dma_start3A, %dma_start3A_48] : memref<16x2x50x100xi32, #tpu.memory_space<hbm>> -> memref<1x1x50x100xi32, #tpu.memory_space<hbm>>
      %dma_start3A_50 = tpu.memref_squeeze %dma_start3A_49 : memref<1x1x50x100xi32, #tpu.memory_space<hbm>> -> memref<50x100xi32, #tpu.memory_space<hbm>>
      %dma_start3A_51 = arith.constant 0 : i32
      %dma_start3A_52 = arith.constant 0 : i32
      %dma_start3A_53 = tpu.memref_slice %arg5[%arg1, %run_scoped3A_1, %dma_start3A_51, %dma_start3A_52] : memref<16x2x50x100xi32, #tpu.memory_space<hbm>> -> memref<1x1x50x100xi32, #tpu.memory_space<hbm>>
      %dma_start3A_54 = tpu.memref_squeeze %dma_start3A_53 : memref<1x1x50x100xi32, #tpu.memory_space<hbm>> -> memref<50x100xi32, #tpu.memory_space<hbm>>
      tpu.enqueue_dma source(%dma_start3A_54 : memref<50x100xi32, #tpu.memory_space<hbm>>) target(%arg10 : memref<50x100xi32, #tpu.memory_space<vmem>>) target_semaphore(%run_scoped3A_47 : memref<!tpu.dma_semaphore, #tpu.memory_space<semaphore_mem>>)
      %dma_wait3A = arith.constant 0 : i32
      %dma_wait3A_55 = arith.constant 0 : i32
      %dma_wait3A_56 = tpu.memref_slice %arg5[%arg1, %run_scoped3A_1, %dma_wait3A, %dma_wait3A_55] : memref<16x2x50x100xi32, #tpu.memory_space<hbm>> -> memref<1x1x50x100xi32, #tpu.memory_space<hbm>>
      %dma_wait3A_57 = tpu.memref_squeeze %dma_wait3A_56 : memref<1x1x50x100xi32, #tpu.memory_space<hbm>> -> memref<50x100xi32, #tpu.memory_space<hbm>>
      %dma_wait3A_58 = arith.constant 0 : i32
      %dma_wait3A_59 = arith.constant 0 : i32
      %dma_wait3A_60 = tpu.memref_slice %arg5[%arg1, %run_scoped3A_1, %dma_wait3A_58, %dma_wait3A_59] : memref<16x2x50x100xi32, #tpu.memory_space<hbm>> -> memref<1x1x50x100xi32, #tpu.memory_space<hbm>>
      %dma_wait3A_61 = tpu.memref_squeeze %dma_wait3A_60 : memref<1x1x50x100xi32, #tpu.memory_space<hbm>> -> memref<50x100xi32, #tpu.memory_space<hbm>>
      tpu.wait_dma2 semaphore(%run_scoped3A_47 : memref<!tpu.dma_semaphore, #tpu.memory_space<semaphore_mem>>) src(%dma_wait3A_61 : memref<50x100xi32, #tpu.memory_space<hbm>>) dst(%arg10 : memref<50x100xi32, #tpu.memory_space<vmem>>)
      tpu.yield
    }) : () -> ()
    %eq3A = arith.constant 0 : i32
    %eq3A_2 = arith.cmpi eq, %arg0, %eq3A : i32
    %convert_element_type3A = arith.extui %eq3A_2 : i1 to i32
    %cond3A = arith.constant 0 : i32
    %cond3A_3 = arith.constant 0 : i32
    %cond3A_4 = arith.cmpi ne, %convert_element_type3A, %cond3A_3 : i32
    scf.if %cond3A_4 {
      %dma_start3A = arith.constant 0 : i32
      %dma_start3A_47 = arith.constant 0 : i32
      %dma_start3A_48 = arith.constant 0 : i32
      %dma_start3A_49 = tpu.memref_slice %arg11[%cond3A, %dma_start3A_47, %dma_start3A_48] : memref<2x100x128xf32, #tpu.memory_space<vmem>> -> memref<1x100x128xf32, #tpu.memory_space<vmem>>
      %dma_start3A_50 = tpu.memref_squeeze %dma_start3A_49 : memref<1x100x128xf32, #tpu.memory_space<vmem>> -> memref<100x128xf32, #tpu.memory_space<vmem>>
      %dma_start3A_51 = arith.constant 0 : i32
      %dma_start3A_52 = tpu.memref_slice %arg9[%dma_start3A, %dma_start3A_51] : memref<50x100xi32, #tpu.memory_space<vmem>> -> memref<1x100xi32, #tpu.memory_space<vmem>>
      %dma_start3A_53 = tpu.memref_squeeze %dma_start3A_52 : memref<1x100xi32, #tpu.memory_space<vmem>> -> memref<100xi32, #tpu.memory_space<vmem>>
      %dma_start3A_54 = arith.constant 0 : i32
      %dma_start3A_55 = arith.constant 0 : i32
      %dma_start3A_56 = tpu.memref_slice %arg2[%dma_start3A_54, %dma_start3A_55] : memref<10000x128xf32, #tpu.memory_space<hbm>> -> memref<10000x128xf32, #tpu.memory_space<hbm>>
      tpu.enqueue_indirect_dma source(%dma_start3A_56 : memref<10000x128xf32, #tpu.memory_space<hbm>>) target(%dma_start3A_50 : memref<100x128xf32, #tpu.memory_space<vmem>>) offsets(%dma_start3A_53 : memref<100xi32, #tpu.memory_space<vmem>>) semaphore(%arg13 : memref<!tpu.dma_semaphore, #tpu.memory_space<semaphore_mem>>)
    } else {
    }
    %eq3A_5 = arith.constant 1 : i32
    %eq3A_6 = arith.cmpi eq, %arg0, %eq3A_5 : i32
    %convert_element_type3A_7 = arith.extui %eq3A_6 : i1 to i32
    %cond3A_8 = arith.constant 0 : i32
    %cond3A_9 = arith.constant 0 : i32
    %cond3A_10 = arith.cmpi ne, %convert_element_type3A_7, %cond3A_9 : i32
    scf.if %cond3A_10 {
      %dma_start3A = arith.constant 0 : i32
      %dma_start3A_47 = arith.constant 0 : i32
      %dma_start3A_48 = arith.constant 0 : i32
      %dma_start3A_49 = tpu.memref_slice %arg11[%cond3A_8, %dma_start3A_47, %dma_start3A_48] : memref<2x100x128xf32, #tpu.memory_space<vmem>> -> memref<1x100x128xf32, #tpu.memory_space<vmem>>
      %dma_start3A_50 = tpu.memref_squeeze %dma_start3A_49 : memref<1x100x128xf32, #tpu.memory_space<vmem>> -> memref<100x128xf32, #tpu.memory_space<vmem>>
      %dma_start3A_51 = arith.constant 0 : i32
      %dma_start3A_52 = tpu.memref_slice %arg9[%dma_start3A, %dma_start3A_51] : memref<50x100xi32, #tpu.memory_space<vmem>> -> memref<1x100xi32, #tpu.memory_space<vmem>>
      %dma_start3A_53 = tpu.memref_squeeze %dma_start3A_52 : memref<1x100xi32, #tpu.memory_space<vmem>> -> memref<100xi32, #tpu.memory_space<vmem>>
      %dma_start3A_54 = arith.constant 0 : i32
      %dma_start3A_55 = arith.constant 0 : i32
      %dma_start3A_56 = tpu.memref_slice %arg3[%dma_start3A_54, %dma_start3A_55] : memref<10000x128xf32, #tpu.memory_space<hbm>> -> memref<10000x128xf32, #tpu.memory_space<hbm>>
      tpu.enqueue_indirect_dma source(%dma_start3A_56 : memref<10000x128xf32, #tpu.memory_space<hbm>>) target(%dma_start3A_50 : memref<100x128xf32, #tpu.memory_space<vmem>>) offsets(%dma_start3A_53 : memref<100xi32, #tpu.memory_space<vmem>>) semaphore(%arg13 : memref<!tpu.dma_semaphore, #tpu.memory_space<semaphore_mem>>)
    } else {
    }
    %scan3A = arith.constant 0 : i32
    %scan3A_11 = arith.constant 0 : i32
    %scan3A_12 = arith.constant 25 : i32
    %scan3A_13 = arith.addi %scan3A_11, %scan3A_12 : i32
    %scan3A_14 = arith.constant 1 : i32
    scf.for %scan3A_47 = %scan3A_11 to %scan3A_13 step %scan3A_14  : i32 {
      %mul3A_48 = arith.constant 2 : i32
      %mul3A_49 = arith.muli %mul3A_48, %scan3A_47 : i32
      %add3A = arith.constant 1 : i32
      %add3A_50 = arith.addi %mul3A_49, %add3A : i32
      %eq3A_51 = arith.constant 0 : i32
      %eq3A_52 = arith.cmpi eq, %arg0, %eq3A_51 : i32
      %convert_element_type3A_53 = arith.extui %eq3A_52 : i1 to i32
      %cond3A_54 = arith.constant 1 : i32
      %cond3A_55 = arith.constant 0 : i32
      %cond3A_56 = arith.cmpi ne, %convert_element_type3A_53, %cond3A_55 : i32
      scf.if %cond3A_56 {
        %dma_start3A = arith.constant 0 : i32
        %dma_start3A_92 = arith.constant 0 : i32
        %dma_start3A_93 = tpu.memref_slice %arg11[%cond3A_54, %dma_start3A, %dma_start3A_92] : memref<2x100x128xf32, #tpu.memory_space<vmem>> -> memref<1x100x128xf32, #tpu.memory_space<vmem>>
        %dma_start3A_94 = tpu.memref_squeeze %dma_start3A_93 : memref<1x100x128xf32, #tpu.memory_space<vmem>> -> memref<100x128xf32, #tpu.memory_space<vmem>>
        %dma_start3A_95 = arith.constant 0 : i32
        %dma_start3A_96 = tpu.memref_slice %arg9[%add3A_50, %dma_start3A_95] : memref<50x100xi32, #tpu.memory_space<vmem>> -> memref<1x100xi32, #tpu.memory_space<vmem>>
        %dma_start3A_97 = tpu.memref_squeeze %dma_start3A_96 : memref<1x100xi32, #tpu.memory_space<vmem>> -> memref<100xi32, #tpu.memory_space<vmem>>
        %dma_start3A_98 = arith.constant 0 : i32
        %dma_start3A_99 = arith.constant 0 : i32
        %dma_start3A_100 = tpu.memref_slice %arg2[%dma_start3A_98, %dma_start3A_99] : memref<10000x128xf32, #tpu.memory_space<hbm>> -> memref<10000x128xf32, #tpu.memory_space<hbm>>
        tpu.enqueue_indirect_dma source(%dma_start3A_100 : memref<10000x128xf32, #tpu.memory_space<hbm>>) target(%dma_start3A_94 : memref<100x128xf32, #tpu.memory_space<vmem>>) offsets(%dma_start3A_97 : memref<100xi32, #tpu.memory_space<vmem>>) semaphore(%arg13 : memref<!tpu.dma_semaphore, #tpu.memory_space<semaphore_mem>>)
      } else {
      }
      %eq3A_57 = arith.constant 1 : i32
      %eq3A_58 = arith.cmpi eq, %arg0, %eq3A_57 : i32
      %convert_element_type3A_59 = arith.extui %eq3A_58 : i1 to i32
      %cond3A_60 = arith.constant 1 : i32
      %cond3A_61 = arith.constant 0 : i32
      %cond3A_62 = arith.cmpi ne, %convert_element_type3A_59, %cond3A_61 : i32
      scf.if %cond3A_62 {
        %dma_start3A = arith.constant 0 : i32
        %dma_start3A_92 = arith.constant 0 : i32
        %dma_start3A_93 = tpu.memref_slice %arg11[%cond3A_60, %dma_start3A, %dma_start3A_92] : memref<2x100x128xf32, #tpu.memory_space<vmem>> -> memref<1x100x128xf32, #tpu.memory_space<vmem>>
        %dma_start3A_94 = tpu.memref_squeeze %dma_start3A_93 : memref<1x100x128xf32, #tpu.memory_space<vmem>> -> memref<100x128xf32, #tpu.memory_space<vmem>>
        %dma_start3A_95 = arith.constant 0 : i32
        %dma_start3A_96 = tpu.memref_slice %arg9[%add3A_50, %dma_start3A_95] : memref<50x100xi32, #tpu.memory_space<vmem>> -> memref<1x100xi32, #tpu.memory_space<vmem>>
        %dma_start3A_97 = tpu.memref_squeeze %dma_start3A_96 : memref<1x100xi32, #tpu.memory_space<vmem>> -> memref<100xi32, #tpu.memory_space<vmem>>
        %dma_start3A_98 = arith.constant 0 : i32
        %dma_start3A_99 = arith.constant 0 : i32
        %dma_start3A_100 = tpu.memref_slice %arg3[%dma_start3A_98, %dma_start3A_99] : memref<10000x128xf32, #tpu.memory_space<hbm>> -> memref<10000x128xf32, #tpu.memory_space<hbm>>
        tpu.enqueue_indirect_dma source(%dma_start3A_100 : memref<10000x128xf32, #tpu.memory_space<hbm>>) target(%dma_start3A_94 : memref<100x128xf32, #tpu.memory_space<vmem>>) offsets(%dma_start3A_97 : memref<100xi32, #tpu.memory_space<vmem>>) semaphore(%arg13 : memref<!tpu.dma_semaphore, #tpu.memory_space<semaphore_mem>>)
      } else {
      }
      %dma_wait3A = arith.constant 0 : i32
      %dma_wait3A_63 = arith.constant 0 : i32
      %dma_wait3A_64 = arith.constant 0 : i32
      %dma_wait3A_65 = tpu.memref_slice %arg11[%dma_wait3A, %dma_wait3A_63, %dma_wait3A_64] : memref<2x100x128xf32, #tpu.memory_space<vmem>> -> memref<1x100x128xf32, #tpu.memory_space<vmem>>
      %dma_wait3A_66 = tpu.memref_squeeze %dma_wait3A_65 : memref<1x100x128xf32, #tpu.memory_space<vmem>> -> memref<100x128xf32, #tpu.memory_space<vmem>>
      %dma_wait3A_67 = arith.constant 0 : i32
      %dma_wait3A_68 = tpu.memref_slice %arg9[%mul3A_49, %dma_wait3A_67] : memref<50x100xi32, #tpu.memory_space<vmem>> -> memref<1x100xi32, #tpu.memory_space<vmem>>
      %dma_wait3A_69 = tpu.memref_squeeze %dma_wait3A_68 : memref<1x100xi32, #tpu.memory_space<vmem>> -> memref<100xi32, #tpu.memory_space<vmem>>
      %dma_wait3A_70 = arith.constant 0 : i32
      %dma_wait3A_71 = arith.constant 0 : i32
      %dma_wait3A_72 = tpu.memref_slice %arg2[%dma_wait3A_70, %dma_wait3A_71] : memref<10000x128xf32, #tpu.memory_space<hbm>> -> memref<10000x128xf32, #tpu.memory_space<hbm>>
      tpu.wait_indirect_dma semaphore(%arg13 : memref<!tpu.dma_semaphore, #tpu.memory_space<semaphore_mem>>) src(%dma_wait3A_72 : memref<10000x128xf32, #tpu.memory_space<hbm>>) dst(%dma_wait3A_66 : memref<100x128xf32, #tpu.memory_space<vmem>>)
      %run_scoped3A_73 = arith.constant 0 : i32
      "tpu.region"() ({
        %run_scoped3A_92 = tpu.sem_alloc : memref<!tpu.dma_semaphore, #tpu.memory_space<semaphore_mem>>
        %dma_start3A = arith.constant 0 : i32
        %dma_start3A_93 = arith.constant 0 : i32
        %dma_start3A_94 = tpu.memref_slice %arg11[%run_scoped3A_73, %dma_start3A, %dma_start3A_93] : memref<2x100x128xf32, #tpu.memory_space<vmem>> -> memref<1x100x128xf32, #tpu.memory_space<vmem>>
        %dma_start3A_95 = tpu.memref_squeeze %dma_start3A_94 : memref<1x100x128xf32, #tpu.memory_space<vmem>> -> memref<100x128xf32, #tpu.memory_space<vmem>>
        %dma_start3A_96 = arith.constant 0 : i32
        %dma_start3A_97 = tpu.memref_slice %arg10[%mul3A_49, %dma_start3A_96] : memref<50x100xi32, #tpu.memory_space<vmem>> -> memref<1x100xi32, #tpu.memory_space<vmem>>
        %dma_start3A_98 = tpu.memref_squeeze %dma_start3A_97 : memref<1x100xi32, #tpu.memory_space<vmem>> -> memref<100xi32, #tpu.memory_space<vmem>>
        %dma_start3A_99 = arith.constant 0 : i32
        %dma_start3A_100 = arith.constant 0 : i32
        %dma_start3A_101 = tpu.memref_slice %arg12[%dma_start3A_99, %dma_start3A_100] : memref<10240x128xf32, #tpu.memory_space<vmem_shared>> -> memref<10240x128xf32, #tpu.memory_space<vmem_shared>>
        tpu.enqueue_indirect_dma source(%dma_start3A_95 : memref<100x128xf32, #tpu.memory_space<vmem>>) target(%dma_start3A_101 : memref<10240x128xf32, #tpu.memory_space<vmem_shared>>) offsets(%dma_start3A_98 : memref<100xi32, #tpu.memory_space<vmem>>) semaphore(%run_scoped3A_92 : memref<!tpu.dma_semaphore, #tpu.memory_space<semaphore_mem>>) {add = true}
        %dma_wait3A_102 = arith.constant 0 : i32
        %dma_wait3A_103 = arith.constant 0 : i32
        %dma_wait3A_104 = tpu.memref_slice %arg11[%run_scoped3A_73, %dma_wait3A_102, %dma_wait3A_103] : memref<2x100x128xf32, #tpu.memory_space<vmem>> -> memref<1x100x128xf32, #tpu.memory_space<vmem>>
        %dma_wait3A_105 = tpu.memref_squeeze %dma_wait3A_104 : memref<1x100x128xf32, #tpu.memory_space<vmem>> -> memref<100x128xf32, #tpu.memory_space<vmem>>
        %dma_wait3A_106 = arith.constant 0 : i32
        %dma_wait3A_107 = tpu.memref_slice %arg10[%mul3A_49, %dma_wait3A_106] : memref<50x100xi32, #tpu.memory_space<vmem>> -> memref<1x100xi32, #tpu.memory_space<vmem>>
        %dma_wait3A_108 = tpu.memref_squeeze %dma_wait3A_107 : memref<1x100xi32, #tpu.memory_space<vmem>> -> memref<100xi32, #tpu.memory_space<vmem>>
        %dma_wait3A_109 = arith.constant 0 : i32
        %dma_wait3A_110 = arith.constant 0 : i32
        %dma_wait3A_111 = tpu.memref_slice %arg12[%dma_wait3A_109, %dma_wait3A_110] : memref<10240x128xf32, #tpu.memory_space<vmem_shared>> -> memref<10240x128xf32, #tpu.memory_space<vmem_shared>>
        tpu.wait_indirect_dma semaphore(%run_scoped3A_92 : memref<!tpu.dma_semaphore, #tpu.memory_space<semaphore_mem>>) src(%dma_wait3A_105 : memref<100x128xf32, #tpu.memory_space<vmem>>) dst(%dma_wait3A_111 : memref<10240x128xf32, #tpu.memory_space<vmem_shared>>)
        tpu.yield
      }) : () -> ()
      %add3A_74 = arith.constant 2 : i32
      %add3A_75 = arith.addi %mul3A_49, %add3A_74 : i32
      %lt3A = arith.constant 50 : i32
      %lt3A_76 = arith.cmpi slt, %add3A_75, %lt3A : i32
      %convert_element_type3A_77 = arith.extui %lt3A_76 : i1 to i32
      %cond3A_78 = arith.constant 0 : i32
      %cond3A_79 = arith.cmpi ne, %convert_element_type3A_77, %cond3A_78 : i32
      scf.if %cond3A_79 {
        %add3A_92 = arith.constant 2 : i32
        %add3A_93 = arith.addi %mul3A_49, %add3A_92 : i32
        %eq3A_94 = arith.constant 0 : i32
        %eq3A_95 = arith.cmpi eq, %arg0, %eq3A_94 : i32
        %convert_element_type3A_96 = arith.extui %eq3A_95 : i1 to i32
        %cond3A_97 = arith.constant 0 : i32
        %cond3A_98 = arith.constant 0 : i32
        %cond3A_99 = arith.cmpi ne, %convert_element_type3A_96, %cond3A_98 : i32
        scf.if %cond3A_99 {
          %dma_start3A = arith.constant 0 : i32
          %dma_start3A_106 = arith.constant 0 : i32
          %dma_start3A_107 = tpu.memref_slice %arg11[%cond3A_97, %dma_start3A, %dma_start3A_106] : memref<2x100x128xf32, #tpu.memory_space<vmem>> -> memref<1x100x128xf32, #tpu.memory_space<vmem>>
          %dma_start3A_108 = tpu.memref_squeeze %dma_start3A_107 : memref<1x100x128xf32, #tpu.memory_space<vmem>> -> memref<100x128xf32, #tpu.memory_space<vmem>>
          %dma_start3A_109 = arith.constant 0 : i32
          %dma_start3A_110 = tpu.memref_slice %arg9[%add3A_93, %dma_start3A_109] : memref<50x100xi32, #tpu.memory_space<vmem>> -> memref<1x100xi32, #tpu.memory_space<vmem>>
          %dma_start3A_111 = tpu.memref_squeeze %dma_start3A_110 : memref<1x100xi32, #tpu.memory_space<vmem>> -> memref<100xi32, #tpu.memory_space<vmem>>
          %dma_start3A_112 = arith.constant 0 : i32
          %dma_start3A_113 = arith.constant 0 : i32
          %dma_start3A_114 = tpu.memref_slice %arg2[%dma_start3A_112, %dma_start3A_113] : memref<10000x128xf32, #tpu.memory_space<hbm>> -> memref<10000x128xf32, #tpu.memory_space<hbm>>
          tpu.enqueue_indirect_dma source(%dma_start3A_114 : memref<10000x128xf32, #tpu.memory_space<hbm>>) target(%dma_start3A_108 : memref<100x128xf32, #tpu.memory_space<vmem>>) offsets(%dma_start3A_111 : memref<100xi32, #tpu.memory_space<vmem>>) semaphore(%arg13 : memref<!tpu.dma_semaphore, #tpu.memory_space<semaphore_mem>>)
        } else {
        }
        %eq3A_100 = arith.constant 1 : i32
        %eq3A_101 = arith.cmpi eq, %arg0, %eq3A_100 : i32
        %convert_element_type3A_102 = arith.extui %eq3A_101 : i1 to i32
        %cond3A_103 = arith.constant 0 : i32
        %cond3A_104 = arith.constant 0 : i32
        %cond3A_105 = arith.cmpi ne, %convert_element_type3A_102, %cond3A_104 : i32
        scf.if %cond3A_105 {
          %dma_start3A = arith.constant 0 : i32
          %dma_start3A_106 = arith.constant 0 : i32
          %dma_start3A_107 = tpu.memref_slice %arg11[%cond3A_103, %dma_start3A, %dma_start3A_106] : memref<2x100x128xf32, #tpu.memory_space<vmem>> -> memref<1x100x128xf32, #tpu.memory_space<vmem>>
          %dma_start3A_108 = tpu.memref_squeeze %dma_start3A_107 : memref<1x100x128xf32, #tpu.memory_space<vmem>> -> memref<100x128xf32, #tpu.memory_space<vmem>>
          %dma_start3A_109 = arith.constant 0 : i32
          %dma_start3A_110 = tpu.memref_slice %arg9[%add3A_93, %dma_start3A_109] : memref<50x100xi32, #tpu.memory_space<vmem>> -> memref<1x100xi32, #tpu.memory_space<vmem>>
          %dma_start3A_111 = tpu.memref_squeeze %dma_start3A_110 : memref<1x100xi32, #tpu.memory_space<vmem>> -> memref<100xi32, #tpu.memory_space<vmem>>
          %dma_start3A_112 = arith.constant 0 : i32
          %dma_start3A_113 = arith.constant 0 : i32
          %dma_start3A_114 = tpu.memref_slice %arg3[%dma_start3A_112, %dma_start3A_113] : memref<10000x128xf32, #tpu.memory_space<hbm>> -> memref<10000x128xf32, #tpu.memory_space<hbm>>
          tpu.enqueue_indirect_dma source(%dma_start3A_114 : memref<10000x128xf32, #tpu.memory_space<hbm>>) target(%dma_start3A_108 : memref<100x128xf32, #tpu.memory_space<vmem>>) offsets(%dma_start3A_111 : memref<100xi32, #tpu.memory_space<vmem>>) semaphore(%arg13 : memref<!tpu.dma_semaphore, #tpu.memory_space<semaphore_mem>>)
        } else {
        }
      } else {
      }
      %dma_wait3A_80 = arith.constant 1 : i32
      %dma_wait3A_81 = arith.constant 0 : i32
      %dma_wait3A_82 = arith.constant 0 : i32
      %dma_wait3A_83 = tpu.memref_slice %arg11[%dma_wait3A_80, %dma_wait3A_81, %dma_wait3A_82] : memref<2x100x128xf32, #tpu.memory_space<vmem>> -> memref<1x100x128xf32, #tpu.memory_space<vmem>>
      %dma_wait3A_84 = tpu.memref_squeeze %dma_wait3A_83 : memref<1x100x128xf32, #tpu.memory_space<vmem>> -> memref<100x128xf32, #tpu.memory_space<vmem>>
      %dma_wait3A_85 = arith.constant 0 : i32
      %dma_wait3A_86 = tpu.memref_slice %arg9[%add3A_50, %dma_wait3A_85] : memref<50x100xi32, #tpu.memory_space<vmem>> -> memref<1x100xi32, #tpu.memory_space<vmem>>
      %dma_wait3A_87 = tpu.memref_squeeze %dma_wait3A_86 : memref<1x100xi32, #tpu.memory_space<vmem>> -> memref<100xi32, #tpu.memory_space<vmem>>
      %dma_wait3A_88 = arith.constant 0 : i32
      %dma_wait3A_89 = arith.constant 0 : i32
      %dma_wait3A_90 = tpu.memref_slice %arg2[%dma_wait3A_88, %dma_wait3A_89] : memref<10000x128xf32, #tpu.memory_space<hbm>> -> memref<10000x128xf32, #tpu.memory_space<hbm>>
      tpu.wait_indirect_dma semaphore(%arg13 : memref<!tpu.dma_semaphore, #tpu.memory_space<semaphore_mem>>) src(%dma_wait3A_90 : memref<10000x128xf32, #tpu.memory_space<hbm>>) dst(%dma_wait3A_84 : memref<100x128xf32, #tpu.memory_space<vmem>>)
      %run_scoped3A_91 = arith.constant 1 : i32
      "tpu.region"() ({
        %run_scoped3A_92 = tpu.sem_alloc : memref<!tpu.dma_semaphore, #tpu.memory_space<semaphore_mem>>
        %dma_start3A = arith.constant 0 : i32
        %dma_start3A_93 = arith.constant 0 : i32
        %dma_start3A_94 = tpu.memref_slice %arg11[%run_scoped3A_91, %dma_start3A, %dma_start3A_93] : memref<2x100x128xf32, #tpu.memory_space<vmem>> -> memref<1x100x128xf32, #tpu.memory_space<vmem>>
        %dma_start3A_95 = tpu.memref_squeeze %dma_start3A_94 : memref<1x100x128xf32, #tpu.memory_space<vmem>> -> memref<100x128xf32, #tpu.memory_space<vmem>>
        %dma_start3A_96 = arith.constant 0 : i32
        %dma_start3A_97 = tpu.memref_slice %arg10[%add3A_50, %dma_start3A_96] : memref<50x100xi32, #tpu.memory_space<vmem>> -> memref<1x100xi32, #tpu.memory_space<vmem>>
        %dma_start3A_98 = tpu.memref_squeeze %dma_start3A_97 : memref<1x100xi32, #tpu.memory_space<vmem>> -> memref<100xi32, #tpu.memory_space<vmem>>
        %dma_start3A_99 = arith.constant 0 : i32
        %dma_start3A_100 = arith.constant 0 : i32
        %dma_start3A_101 = tpu.memref_slice %arg12[%dma_start3A_99, %dma_start3A_100] : memref<10240x128xf32, #tpu.memory_space<vmem_shared>> -> memref<10240x128xf32, #tpu.memory_space<vmem_shared>>
        tpu.enqueue_indirect_dma source(%dma_start3A_95 : memref<100x128xf32, #tpu.memory_space<vmem>>) target(%dma_start3A_101 : memref<10240x128xf32, #tpu.memory_space<vmem_shared>>) offsets(%dma_start3A_98 : memref<100xi32, #tpu.memory_space<vmem>>) semaphore(%run_scoped3A_92 : memref<!tpu.dma_semaphore, #tpu.memory_space<semaphore_mem>>) {add = true}
        %dma_wait3A_102 = arith.constant 0 : i32
        %dma_wait3A_103 = arith.constant 0 : i32
        %dma_wait3A_104 = tpu.memref_slice %arg11[%run_scoped3A_91, %dma_wait3A_102, %dma_wait3A_103] : memref<2x100x128xf32, #tpu.memory_space<vmem>> -> memref<1x100x128xf32, #tpu.memory_space<vmem>>
        %dma_wait3A_105 = tpu.memref_squeeze %dma_wait3A_104 : memref<1x100x128xf32, #tpu.memory_space<vmem>> -> memref<100x128xf32, #tpu.memory_space<vmem>>
        %dma_wait3A_106 = arith.constant 0 : i32
        %dma_wait3A_107 = tpu.memref_slice %arg10[%add3A_50, %dma_wait3A_106] : memref<50x100xi32, #tpu.memory_space<vmem>> -> memref<1x100xi32, #tpu.memory_space<vmem>>
        %dma_wait3A_108 = tpu.memref_squeeze %dma_wait3A_107 : memref<1x100xi32, #tpu.memory_space<vmem>> -> memref<100xi32, #tpu.memory_space<vmem>>
        %dma_wait3A_109 = arith.constant 0 : i32
        %dma_wait3A_110 = arith.constant 0 : i32
        %dma_wait3A_111 = tpu.memref_slice %arg12[%dma_wait3A_109, %dma_wait3A_110] : memref<10240x128xf32, #tpu.memory_space<vmem_shared>> -> memref<10240x128xf32, #tpu.memory_space<vmem_shared>>
        tpu.wait_indirect_dma semaphore(%run_scoped3A_92 : memref<!tpu.dma_semaphore, #tpu.memory_space<semaphore_mem>>) src(%dma_wait3A_105 : memref<100x128xf32, #tpu.memory_space<vmem>>) dst(%dma_wait3A_111 : memref<10240x128xf32, #tpu.memory_space<vmem_shared>>)
        tpu.yield
      }) : () -> ()
    }
    %scan3A_15 = arith.constant 25 : i32
    %run_scoped3A_16 = arith.constant 1 : i32
    "tpu.region"() ({
      %run_scoped3A_47 = tpu.sem_alloc : memref<!tpu.dma_semaphore, #tpu.memory_space<semaphore_mem>>
      %dma_start3A = arith.constant 0 : i32
      %dma_start3A_48 = arith.constant 0 : i32
      %dma_start3A_49 = tpu.memref_slice %arg4[%arg1, %run_scoped3A_16, %dma_start3A, %dma_start3A_48] : memref<16x2x50x100xi32, #tpu.memory_space<hbm>> -> memref<1x1x50x100xi32, #tpu.memory_space<hbm>>
      %dma_start3A_50 = tpu.memref_squeeze %dma_start3A_49 : memref<1x1x50x100xi32, #tpu.memory_space<hbm>> -> memref<50x100xi32, #tpu.memory_space<hbm>>
      %dma_start3A_51 = arith.constant 0 : i32
      %dma_start3A_52 = arith.constant 0 : i32
      %dma_start3A_53 = tpu.memref_slice %arg4[%arg1, %run_scoped3A_16, %dma_start3A_51, %dma_start3A_52] : memref<16x2x50x100xi32, #tpu.memory_space<hbm>> -> memref<1x1x50x100xi32, #tpu.memory_space<hbm>>
      %dma_start3A_54 = tpu.memref_squeeze %dma_start3A_53 : memref<1x1x50x100xi32, #tpu.memory_space<hbm>> -> memref<50x100xi32, #tpu.memory_space<hbm>>
      tpu.enqueue_dma source(%dma_start3A_54 : memref<50x100xi32, #tpu.memory_space<hbm>>) target(%arg9 : memref<50x100xi32, #tpu.memory_space<vmem>>) target_semaphore(%run_scoped3A_47 : memref<!tpu.dma_semaphore, #tpu.memory_space<semaphore_mem>>)
      %dma_wait3A = arith.constant 0 : i32
      %dma_wait3A_55 = arith.constant 0 : i32
      %dma_wait3A_56 = tpu.memref_slice %arg4[%arg1, %run_scoped3A_16, %dma_wait3A, %dma_wait3A_55] : memref<16x2x50x100xi32, #tpu.memory_space<hbm>> -> memref<1x1x50x100xi32, #tpu.memory_space<hbm>>
      %dma_wait3A_57 = tpu.memref_squeeze %dma_wait3A_56 : memref<1x1x50x100xi32, #tpu.memory_space<hbm>> -> memref<50x100xi32, #tpu.memory_space<hbm>>
      %dma_wait3A_58 = arith.constant 0 : i32
      %dma_wait3A_59 = arith.constant 0 : i32
      %dma_wait3A_60 = tpu.memref_slice %arg4[%arg1, %run_scoped3A_16, %dma_wait3A_58, %dma_wait3A_59] : memref<16x2x50x100xi32, #tpu.memory_space<hbm>> -> memref<1x1x50x100xi32, #tpu.memory_space<hbm>>
      %dma_wait3A_61 = tpu.memref_squeeze %dma_wait3A_60 : memref<1x1x50x100xi32, #tpu.memory_space<hbm>> -> memref<50x100xi32, #tpu.memory_space<hbm>>
      tpu.wait_dma2 semaphore(%run_scoped3A_47 : memref<!tpu.dma_semaphore, #tpu.memory_space<semaphore_mem>>) src(%dma_wait3A_61 : memref<50x100xi32, #tpu.memory_space<hbm>>) dst(%arg9 : memref<50x100xi32, #tpu.memory_space<vmem>>)
      tpu.yield
    }) : () -> ()
    %run_scoped3A_17 = arith.constant 1 : i32
    "tpu.region"() ({
      %run_scoped3A_47 = tpu.sem_alloc : memref<!tpu.dma_semaphore, #tpu.memory_space<semaphore_mem>>
      %dma_start3A = arith.constant 0 : i32
      %dma_start3A_48 = arith.constant 0 : i32
      %dma_start3A_49 = tpu.memref_slice %arg5[%arg1, %run_scoped3A_17, %dma_start3A, %dma_start3A_48] : memref<16x2x50x100xi32, #tpu.memory_space<hbm>> -> memref<1x1x50x100xi32, #tpu.memory_space<hbm>>
      %dma_start3A_50 = tpu.memref_squeeze %dma_start3A_49 : memref<1x1x50x100xi32, #tpu.memory_space<hbm>> -> memref<50x100xi32, #tpu.memory_space<hbm>>
      %dma_start3A_51 = arith.constant 0 : i32
      %dma_start3A_52 = arith.constant 0 : i32
      %dma_start3A_53 = tpu.memref_slice %arg5[%arg1, %run_scoped3A_17, %dma_start3A_51, %dma_start3A_52] : memref<16x2x50x100xi32, #tpu.memory_space<hbm>> -> memref<1x1x50x100xi32, #tpu.memory_space<hbm>>
      %dma_start3A_54 = tpu.memref_squeeze %dma_start3A_53 : memref<1x1x50x100xi32, #tpu.memory_space<hbm>> -> memref<50x100xi32, #tpu.memory_space<hbm>>
      tpu.enqueue_dma source(%dma_start3A_54 : memref<50x100xi32, #tpu.memory_space<hbm>>) target(%arg10 : memref<50x100xi32, #tpu.memory_space<vmem>>) target_semaphore(%run_scoped3A_47 : memref<!tpu.dma_semaphore, #tpu.memory_space<semaphore_mem>>)
      %dma_wait3A = arith.constant 0 : i32
      %dma_wait3A_55 = arith.constant 0 : i32
      %dma_wait3A_56 = tpu.memref_slice %arg5[%arg1, %run_scoped3A_17, %dma_wait3A, %dma_wait3A_55] : memref<16x2x50x100xi32, #tpu.memory_space<hbm>> -> memref<1x1x50x100xi32, #tpu.memory_space<hbm>>
      %dma_wait3A_57 = tpu.memref_squeeze %dma_wait3A_56 : memref<1x1x50x100xi32, #tpu.memory_space<hbm>> -> memref<50x100xi32, #tpu.memory_space<hbm>>
      %dma_wait3A_58 = arith.constant 0 : i32
      %dma_wait3A_59 = arith.constant 0 : i32
      %dma_wait3A_60 = tpu.memref_slice %arg5[%arg1, %run_scoped3A_17, %dma_wait3A_58, %dma_wait3A_59] : memref<16x2x50x100xi32, #tpu.memory_space<hbm>> -> memref<1x1x50x100xi32, #tpu.memory_space<hbm>>
      %dma_wait3A_61 = tpu.memref_squeeze %dma_wait3A_60 : memref<1x1x50x100xi32, #tpu.memory_space<hbm>> -> memref<50x100xi32, #tpu.memory_space<hbm>>
      tpu.wait_dma2 semaphore(%run_scoped3A_47 : memref<!tpu.dma_semaphore, #tpu.memory_space<semaphore_mem>>) src(%dma_wait3A_61 : memref<50x100xi32, #tpu.memory_space<hbm>>) dst(%arg10 : memref<50x100xi32, #tpu.memory_space<vmem>>)
      tpu.yield
    }) : () -> ()
    %eq3A_18 = arith.constant 0 : i32
    %eq3A_19 = arith.cmpi eq, %arg0, %eq3A_18 : i32
    %convert_element_type3A_20 = arith.extui %eq3A_19 : i1 to i32
    %cond3A_21 = arith.constant 0 : i32
    %cond3A_22 = arith.constant 0 : i32
    %cond3A_23 = arith.cmpi ne, %convert_element_type3A_20, %cond3A_22 : i32
    scf.if %cond3A_23 {
      %dma_start3A = arith.constant 0 : i32
      %dma_start3A_47 = arith.constant 0 : i32
      %dma_start3A_48 = arith.constant 0 : i32
      %dma_start3A_49 = tpu.memref_slice %arg11[%cond3A_21, %dma_start3A_47, %dma_start3A_48] : memref<2x100x128xf32, #tpu.memory_space<vmem>> -> memref<1x100x128xf32, #tpu.memory_space<vmem>>
      %dma_start3A_50 = tpu.memref_squeeze %dma_start3A_49 : memref<1x100x128xf32, #tpu.memory_space<vmem>> -> memref<100x128xf32, #tpu.memory_space<vmem>>
      %dma_start3A_51 = arith.constant 0 : i32
      %dma_start3A_52 = tpu.memref_slice %arg9[%dma_start3A, %dma_start3A_51] : memref<50x100xi32, #tpu.memory_space<vmem>> -> memref<1x100xi32, #tpu.memory_space<vmem>>
      %dma_start3A_53 = tpu.memref_squeeze %dma_start3A_52 : memref<1x100xi32, #tpu.memory_space<vmem>> -> memref<100xi32, #tpu.memory_space<vmem>>
      %dma_start3A_54 = arith.constant 0 : i32
      %dma_start3A_55 = arith.constant 0 : i32
      %dma_start3A_56 = tpu.memref_slice %arg2[%dma_start3A_54, %dma_start3A_55] : memref<10000x128xf32, #tpu.memory_space<hbm>> -> memref<10000x128xf32, #tpu.memory_space<hbm>>
      tpu.enqueue_indirect_dma source(%dma_start3A_56 : memref<10000x128xf32, #tpu.memory_space<hbm>>) target(%dma_start3A_50 : memref<100x128xf32, #tpu.memory_space<vmem>>) offsets(%dma_start3A_53 : memref<100xi32, #tpu.memory_space<vmem>>) semaphore(%arg13 : memref<!tpu.dma_semaphore, #tpu.memory_space<semaphore_mem>>)
    } else {
    }
    %eq3A_24 = arith.constant 1 : i32
    %eq3A_25 = arith.cmpi eq, %arg0, %eq3A_24 : i32
    %convert_element_type3A_26 = arith.extui %eq3A_25 : i1 to i32
    %cond3A_27 = arith.constant 0 : i32
    %cond3A_28 = arith.constant 0 : i32
    %cond3A_29 = arith.cmpi ne, %convert_element_type3A_26, %cond3A_28 : i32
    scf.if %cond3A_29 {
      %dma_start3A = arith.constant 0 : i32
      %dma_start3A_47 = arith.constant 0 : i32
      %dma_start3A_48 = arith.constant 0 : i32
      %dma_start3A_49 = tpu.memref_slice %arg11[%cond3A_27, %dma_start3A_47, %dma_start3A_48] : memref<2x100x128xf32, #tpu.memory_space<vmem>> -> memref<1x100x128xf32, #tpu.memory_space<vmem>>
      %dma_start3A_50 = tpu.memref_squeeze %dma_start3A_49 : memref<1x100x128xf32, #tpu.memory_space<vmem>> -> memref<100x128xf32, #tpu.memory_space<vmem>>
      %dma_start3A_51 = arith.constant 0 : i32
      %dma_start3A_52 = tpu.memref_slice %arg9[%dma_start3A, %dma_start3A_51] : memref<50x100xi32, #tpu.memory_space<vmem>> -> memref<1x100xi32, #tpu.memory_space<vmem>>
      %dma_start3A_53 = tpu.memref_squeeze %dma_start3A_52 : memref<1x100xi32, #tpu.memory_space<vmem>> -> memref<100xi32, #tpu.memory_space<vmem>>
      %dma_start3A_54 = arith.constant 0 : i32
      %dma_start3A_55 = arith.constant 0 : i32
      %dma_start3A_56 = tpu.memref_slice %arg3[%dma_start3A_54, %dma_start3A_55] : memref<10000x128xf32, #tpu.memory_space<hbm>> -> memref<10000x128xf32, #tpu.memory_space<hbm>>
      tpu.enqueue_indirect_dma source(%dma_start3A_56 : memref<10000x128xf32, #tpu.memory_space<hbm>>) target(%dma_start3A_50 : memref<100x128xf32, #tpu.memory_space<vmem>>) offsets(%dma_start3A_53 : memref<100xi32, #tpu.memory_space<vmem>>) semaphore(%arg13 : memref<!tpu.dma_semaphore, #tpu.memory_space<semaphore_mem>>)
    } else {
    }
    %scan3A_30 = arith.constant 0 : i32
    %scan3A_31 = arith.constant 0 : i32
    %scan3A_32 = arith.constant 25 : i32
    %scan3A_33 = arith.addi %scan3A_31, %scan3A_32 : i32
    %scan3A_34 = arith.constant 1 : i32
    scf.for %scan3A_47 = %scan3A_31 to %scan3A_33 step %scan3A_34  : i32 {
      %mul3A_48 = arith.constant 2 : i32
      %mul3A_49 = arith.muli %mul3A_48, %scan3A_47 : i32
      %add3A = arith.constant 1 : i32
      %add3A_50 = arith.addi %mul3A_49, %add3A : i32
      %eq3A_51 = arith.constant 0 : i32
      %eq3A_52 = arith.cmpi eq, %arg0, %eq3A_51 : i32
      %convert_element_type3A_53 = arith.extui %eq3A_52 : i1 to i32
      %cond3A_54 = arith.constant 1 : i32
      %cond3A_55 = arith.constant 0 : i32
      %cond3A_56 = arith.cmpi ne, %convert_element_type3A_53, %cond3A_55 : i32
      scf.if %cond3A_56 {
        %dma_start3A = arith.constant 0 : i32
        %dma_start3A_92 = arith.constant 0 : i32
        %dma_start3A_93 = tpu.memref_slice %arg11[%cond3A_54, %dma_start3A, %dma_start3A_92] : memref<2x100x128xf32, #tpu.memory_space<vmem>> -> memref<1x100x128xf32, #tpu.memory_space<vmem>>
        %dma_start3A_94 = tpu.memref_squeeze %dma_start3A_93 : memref<1x100x128xf32, #tpu.memory_space<vmem>> -> memref<100x128xf32, #tpu.memory_space<vmem>>
        %dma_start3A_95 = arith.constant 0 : i32
        %dma_start3A_96 = tpu.memref_slice %arg9[%add3A_50, %dma_start3A_95] : memref<50x100xi32, #tpu.memory_space<vmem>> -> memref<1x100xi32, #tpu.memory_space<vmem>>
        %dma_start3A_97 = tpu.memref_squeeze %dma_start3A_96 : memref<1x100xi32, #tpu.memory_space<vmem>> -> memref<100xi32, #tpu.memory_space<vmem>>
        %dma_start3A_98 = arith.constant 0 : i32
        %dma_start3A_99 = arith.constant 0 : i32
        %dma_start3A_100 = tpu.memref_slice %arg2[%dma_start3A_98, %dma_start3A_99] : memref<10000x128xf32, #tpu.memory_space<hbm>> -> memref<10000x128xf32, #tpu.memory_space<hbm>>
        tpu.enqueue_indirect_dma source(%dma_start3A_100 : memref<10000x128xf32, #tpu.memory_space<hbm>>) target(%dma_start3A_94 : memref<100x128xf32, #tpu.memory_space<vmem>>) offsets(%dma_start3A_97 : memref<100xi32, #tpu.memory_space<vmem>>) semaphore(%arg13 : memref<!tpu.dma_semaphore, #tpu.memory_space<semaphore_mem>>)
      } else {
      }
      %eq3A_57 = arith.constant 1 : i32
      %eq3A_58 = arith.cmpi eq, %arg0, %eq3A_57 : i32
      %convert_element_type3A_59 = arith.extui %eq3A_58 : i1 to i32
      %cond3A_60 = arith.constant 1 : i32
      %cond3A_61 = arith.constant 0 : i32
      %cond3A_62 = arith.cmpi ne, %convert_element_type3A_59, %cond3A_61 : i32
      scf.if %cond3A_62 {
        %dma_start3A = arith.constant 0 : i32
        %dma_start3A_92 = arith.constant 0 : i32
        %dma_start3A_93 = tpu.memref_slice %arg11[%cond3A_60, %dma_start3A, %dma_start3A_92] : memref<2x100x128xf32, #tpu.memory_space<vmem>> -> memref<1x100x128xf32, #tpu.memory_space<vmem>>
        %dma_start3A_94 = tpu.memref_squeeze %dma_start3A_93 : memref<1x100x128xf32, #tpu.memory_space<vmem>> -> memref<100x128xf32, #tpu.memory_space<vmem>>
        %dma_start3A_95 = arith.constant 0 : i32
        %dma_start3A_96 = tpu.memref_slice %arg9[%add3A_50, %dma_start3A_95] : memref<50x100xi32, #tpu.memory_space<vmem>> -> memref<1x100xi32, #tpu.memory_space<vmem>>
        %dma_start3A_97 = tpu.memref_squeeze %dma_start3A_96 : memref<1x100xi32, #tpu.memory_space<vmem>> -> memref<100xi32, #tpu.memory_space<vmem>>
        %dma_start3A_98 = arith.constant 0 : i32
        %dma_start3A_99 = arith.constant 0 : i32
        %dma_start3A_100 = tpu.memref_slice %arg3[%dma_start3A_98, %dma_start3A_99] : memref<10000x128xf32, #tpu.memory_space<hbm>> -> memref<10000x128xf32, #tpu.memory_space<hbm>>
        tpu.enqueue_indirect_dma source(%dma_start3A_100 : memref<10000x128xf32, #tpu.memory_space<hbm>>) target(%dma_start3A_94 : memref<100x128xf32, #tpu.memory_space<vmem>>) offsets(%dma_start3A_97 : memref<100xi32, #tpu.memory_space<vmem>>) semaphore(%arg13 : memref<!tpu.dma_semaphore, #tpu.memory_space<semaphore_mem>>)
      } else {
      }
      %dma_wait3A = arith.constant 0 : i32
      %dma_wait3A_63 = arith.constant 0 : i32
      %dma_wait3A_64 = arith.constant 0 : i32
      %dma_wait3A_65 = tpu.memref_slice %arg11[%dma_wait3A, %dma_wait3A_63, %dma_wait3A_64] : memref<2x100x128xf32, #tpu.memory_space<vmem>> -> memref<1x100x128xf32, #tpu.memory_space<vmem>>
      %dma_wait3A_66 = tpu.memref_squeeze %dma_wait3A_65 : memref<1x100x128xf32, #tpu.memory_space<vmem>> -> memref<100x128xf32, #tpu.memory_space<vmem>>
      %dma_wait3A_67 = arith.constant 0 : i32
      %dma_wait3A_68 = tpu.memref_slice %arg9[%mul3A_49, %dma_wait3A_67] : memref<50x100xi32, #tpu.memory_space<vmem>> -> memref<1x100xi32, #tpu.memory_space<vmem>>
      %dma_wait3A_69 = tpu.memref_squeeze %dma_wait3A_68 : memref<1x100xi32, #tpu.memory_space<vmem>> -> memref<100xi32, #tpu.memory_space<vmem>>
      %dma_wait3A_70 = arith.constant 0 : i32
      %dma_wait3A_71 = arith.constant 0 : i32
      %dma_wait3A_72 = tpu.memref_slice %arg2[%dma_wait3A_70, %dma_wait3A_71] : memref<10000x128xf32, #tpu.memory_space<hbm>> -> memref<10000x128xf32, #tpu.memory_space<hbm>>
      tpu.wait_indirect_dma semaphore(%arg13 : memref<!tpu.dma_semaphore, #tpu.memory_space<semaphore_mem>>) src(%dma_wait3A_72 : memref<10000x128xf32, #tpu.memory_space<hbm>>) dst(%dma_wait3A_66 : memref<100x128xf32, #tpu.memory_space<vmem>>)
      %run_scoped3A_73 = arith.constant 0 : i32
      "tpu.region"() ({
        %run_scoped3A_92 = tpu.sem_alloc : memref<!tpu.dma_semaphore, #tpu.memory_space<semaphore_mem>>
        %dma_start3A = arith.constant 0 : i32
        %dma_start3A_93 = arith.constant 0 : i32
        %dma_start3A_94 = tpu.memref_slice %arg11[%run_scoped3A_73, %dma_start3A, %dma_start3A_93] : memref<2x100x128xf32, #tpu.memory_space<vmem>> -> memref<1x100x128xf32, #tpu.memory_space<vmem>>
        %dma_start3A_95 = tpu.memref_squeeze %dma_start3A_94 : memref<1x100x128xf32, #tpu.memory_space<vmem>> -> memref<100x128xf32, #tpu.memory_space<vmem>>
        %dma_start3A_96 = arith.constant 0 : i32
        %dma_start3A_97 = tpu.memref_slice %arg10[%mul3A_49, %dma_start3A_96] : memref<50x100xi32, #tpu.memory_space<vmem>> -> memref<1x100xi32, #tpu.memory_space<vmem>>
        %dma_start3A_98 = tpu.memref_squeeze %dma_start3A_97 : memref<1x100xi32, #tpu.memory_space<vmem>> -> memref<100xi32, #tpu.memory_space<vmem>>
        %dma_start3A_99 = arith.constant 0 : i32
        %dma_start3A_100 = arith.constant 0 : i32
        %dma_start3A_101 = tpu.memref_slice %arg12[%dma_start3A_99, %dma_start3A_100] : memref<10240x128xf32, #tpu.memory_space<vmem_shared>> -> memref<10240x128xf32, #tpu.memory_space<vmem_shared>>
        tpu.enqueue_indirect_dma source(%dma_start3A_95 : memref<100x128xf32, #tpu.memory_space<vmem>>) target(%dma_start3A_101 : memref<10240x128xf32, #tpu.memory_space<vmem_shared>>) offsets(%dma_start3A_98 : memref<100xi32, #tpu.memory_space<vmem>>) semaphore(%run_scoped3A_92 : memref<!tpu.dma_semaphore, #tpu.memory_space<semaphore_mem>>) {add = true}
        %dma_wait3A_102 = arith.constant 0 : i32
        %dma_wait3A_103 = arith.constant 0 : i32
        %dma_wait3A_104 = tpu.memref_slice %arg11[%run_scoped3A_73, %dma_wait3A_102, %dma_wait3A_103] : memref<2x100x128xf32, #tpu.memory_space<vmem>> -> memref<1x100x128xf32, #tpu.memory_space<vmem>>
        %dma_wait3A_105 = tpu.memref_squeeze %dma_wait3A_104 : memref<1x100x128xf32, #tpu.memory_space<vmem>> -> memref<100x128xf32, #tpu.memory_space<vmem>>
        %dma_wait3A_106 = arith.constant 0 : i32
        %dma_wait3A_107 = tpu.memref_slice %arg10[%mul3A_49, %dma_wait3A_106] : memref<50x100xi32, #tpu.memory_space<vmem>> -> memref<1x100xi32, #tpu.memory_space<vmem>>
        %dma_wait3A_108 = tpu.memref_squeeze %dma_wait3A_107 : memref<1x100xi32, #tpu.memory_space<vmem>> -> memref<100xi32, #tpu.memory_space<vmem>>
        %dma_wait3A_109 = arith.constant 0 : i32
        %dma_wait3A_110 = arith.constant 0 : i32
        %dma_wait3A_111 = tpu.memref_slice %arg12[%dma_wait3A_109, %dma_wait3A_110] : memref<10240x128xf32, #tpu.memory_space<vmem_shared>> -> memref<10240x128xf32, #tpu.memory_space<vmem_shared>>
        tpu.wait_indirect_dma semaphore(%run_scoped3A_92 : memref<!tpu.dma_semaphore, #tpu.memory_space<semaphore_mem>>) src(%dma_wait3A_105 : memref<100x128xf32, #tpu.memory_space<vmem>>) dst(%dma_wait3A_111 : memref<10240x128xf32, #tpu.memory_space<vmem_shared>>)
        tpu.yield
      }) : () -> ()
      %add3A_74 = arith.constant 2 : i32
      %add3A_75 = arith.addi %mul3A_49, %add3A_74 : i32
      %lt3A = arith.constant 50 : i32
      %lt3A_76 = arith.cmpi slt, %add3A_75, %lt3A : i32
      %convert_element_type3A_77 = arith.extui %lt3A_76 : i1 to i32
      %cond3A_78 = arith.constant 0 : i32
      %cond3A_79 = arith.cmpi ne, %convert_element_type3A_77, %cond3A_78 : i32
      scf.if %cond3A_79 {
        %add3A_92 = arith.constant 2 : i32
        %add3A_93 = arith.addi %mul3A_49, %add3A_92 : i32
        %eq3A_94 = arith.constant 0 : i32
        %eq3A_95 = arith.cmpi eq, %arg0, %eq3A_94 : i32
        %convert_element_type3A_96 = arith.extui %eq3A_95 : i1 to i32
        %cond3A_97 = arith.constant 0 : i32
        %cond3A_98 = arith.constant 0 : i32
        %cond3A_99 = arith.cmpi ne, %convert_element_type3A_96, %cond3A_98 : i32
        scf.if %cond3A_99 {
          %dma_start3A = arith.constant 0 : i32
          %dma_start3A_106 = arith.constant 0 : i32
          %dma_start3A_107 = tpu.memref_slice %arg11[%cond3A_97, %dma_start3A, %dma_start3A_106] : memref<2x100x128xf32, #tpu.memory_space<vmem>> -> memref<1x100x128xf32, #tpu.memory_space<vmem>>
          %dma_start3A_108 = tpu.memref_squeeze %dma_start3A_107 : memref<1x100x128xf32, #tpu.memory_space<vmem>> -> memref<100x128xf32, #tpu.memory_space<vmem>>
          %dma_start3A_109 = arith.constant 0 : i32
          %dma_start3A_110 = tpu.memref_slice %arg9[%add3A_93, %dma_start3A_109] : memref<50x100xi32, #tpu.memory_space<vmem>> -> memref<1x100xi32, #tpu.memory_space<vmem>>
          %dma_start3A_111 = tpu.memref_squeeze %dma_start3A_110 : memref<1x100xi32, #tpu.memory_space<vmem>> -> memref<100xi32, #tpu.memory_space<vmem>>
          %dma_start3A_112 = arith.constant 0 : i32
          %dma_start3A_113 = arith.constant 0 : i32
          %dma_start3A_114 = tpu.memref_slice %arg2[%dma_start3A_112, %dma_start3A_113] : memref<10000x128xf32, #tpu.memory_space<hbm>> -> memref<10000x128xf32, #tpu.memory_space<hbm>>
          tpu.enqueue_indirect_dma source(%dma_start3A_114 : memref<10000x128xf32, #tpu.memory_space<hbm>>) target(%dma_start3A_108 : memref<100x128xf32, #tpu.memory_space<vmem>>) offsets(%dma_start3A_111 : memref<100xi32, #tpu.memory_space<vmem>>) semaphore(%arg13 : memref<!tpu.dma_semaphore, #tpu.memory_space<semaphore_mem>>)
        } else {
        }
        %eq3A_100 = arith.constant 1 : i32
        %eq3A_101 = arith.cmpi eq, %arg0, %eq3A_100 : i32
        %convert_element_type3A_102 = arith.extui %eq3A_101 : i1 to i32
        %cond3A_103 = arith.constant 0 : i32
        %cond3A_104 = arith.constant 0 : i32
        %cond3A_105 = arith.cmpi ne, %convert_element_type3A_102, %cond3A_104 : i32
        scf.if %cond3A_105 {
          %dma_start3A = arith.constant 0 : i32
          %dma_start3A_106 = arith.constant 0 : i32
          %dma_start3A_107 = tpu.memref_slice %arg11[%cond3A_103, %dma_start3A, %dma_start3A_106] : memref<2x100x128xf32, #tpu.memory_space<vmem>> -> memref<1x100x128xf32, #tpu.memory_space<vmem>>
          %dma_start3A_108 = tpu.memref_squeeze %dma_start3A_107 : memref<1x100x128xf32, #tpu.memory_space<vmem>> -> memref<100x128xf32, #tpu.memory_space<vmem>>
          %dma_start3A_109 = arith.constant 0 : i32
          %dma_start3A_110 = tpu.memref_slice %arg9[%add3A_93, %dma_start3A_109] : memref<50x100xi32, #tpu.memory_space<vmem>> -> memref<1x100xi32, #tpu.memory_space<vmem>>
          %dma_start3A_111 = tpu.memref_squeeze %dma_start3A_110 : memref<1x100xi32, #tpu.memory_space<vmem>> -> memref<100xi32, #tpu.memory_space<vmem>>
          %dma_start3A_112 = arith.constant 0 : i32
          %dma_start3A_113 = arith.constant 0 : i32
          %dma_start3A_114 = tpu.memref_slice %arg3[%dma_start3A_112, %dma_start3A_113] : memref<10000x128xf32, #tpu.memory_space<hbm>> -> memref<10000x128xf32, #tpu.memory_space<hbm>>
          tpu.enqueue_indirect_dma source(%dma_start3A_114 : memref<10000x128xf32, #tpu.memory_space<hbm>>) target(%dma_start3A_108 : memref<100x128xf32, #tpu.memory_space<vmem>>) offsets(%dma_start3A_111 : memref<100xi32, #tpu.memory_space<vmem>>) semaphore(%arg13 : memref<!tpu.dma_semaphore, #tpu.memory_space<semaphore_mem>>)
        } else {
        }
      } else {
      }
      %dma_wait3A_80 = arith.constant 1 : i32
      %dma_wait3A_81 = arith.constant 0 : i32
      %dma_wait3A_82 = arith.constant 0 : i32
      %dma_wait3A_83 = tpu.memref_slice %arg11[%dma_wait3A_80, %dma_wait3A_81, %dma_wait3A_82] : memref<2x100x128xf32, #tpu.memory_space<vmem>> -> memref<1x100x128xf32, #tpu.memory_space<vmem>>
      %dma_wait3A_84 = tpu.memref_squeeze %dma_wait3A_83 : memref<1x100x128xf32, #tpu.memory_space<vmem>> -> memref<100x128xf32, #tpu.memory_space<vmem>>
      %dma_wait3A_85 = arith.constant 0 : i32
      %dma_wait3A_86 = tpu.memref_slice %arg9[%add3A_50, %dma_wait3A_85] : memref<50x100xi32, #tpu.memory_space<vmem>> -> memref<1x100xi32, #tpu.memory_space<vmem>>
      %dma_wait3A_87 = tpu.memref_squeeze %dma_wait3A_86 : memref<1x100xi32, #tpu.memory_space<vmem>> -> memref<100xi32, #tpu.memory_space<vmem>>
      %dma_wait3A_88 = arith.constant 0 : i32
      %dma_wait3A_89 = arith.constant 0 : i32
      %dma_wait3A_90 = tpu.memref_slice %arg2[%dma_wait3A_88, %dma_wait3A_89] : memref<10000x128xf32, #tpu.memory_space<hbm>> -> memref<10000x128xf32, #tpu.memory_space<hbm>>
      tpu.wait_indirect_dma semaphore(%arg13 : memref<!tpu.dma_semaphore, #tpu.memory_space<semaphore_mem>>) src(%dma_wait3A_90 : memref<10000x128xf32, #tpu.memory_space<hbm>>) dst(%dma_wait3A_84 : memref<100x128xf32, #tpu.memory_space<vmem>>)
      %run_scoped3A_91 = arith.constant 1 : i32
      "tpu.region"() ({
        %run_scoped3A_92 = tpu.sem_alloc : memref<!tpu.dma_semaphore, #tpu.memory_space<semaphore_mem>>
        %dma_start3A = arith.constant 0 : i32
        %dma_start3A_93 = arith.constant 0 : i32
        %dma_start3A_94 = tpu.memref_slice %arg11[%run_scoped3A_91, %dma_start3A, %dma_start3A_93] : memref<2x100x128xf32, #tpu.memory_space<vmem>> -> memref<1x100x128xf32, #tpu.memory_space<vmem>>
        %dma_start3A_95 = tpu.memref_squeeze %dma_start3A_94 : memref<1x100x128xf32, #tpu.memory_space<vmem>> -> memref<100x128xf32, #tpu.memory_space<vmem>>
        %dma_start3A_96 = arith.constant 0 : i32
        %dma_start3A_97 = tpu.memref_slice %arg10[%add3A_50, %dma_start3A_96] : memref<50x100xi32, #tpu.memory_space<vmem>> -> memref<1x100xi32, #tpu.memory_space<vmem>>
        %dma_start3A_98 = tpu.memref_squeeze %dma_start3A_97 : memref<1x100xi32, #tpu.memory_space<vmem>> -> memref<100xi32, #tpu.memory_space<vmem>>
        %dma_start3A_99 = arith.constant 0 : i32
        %dma_start3A_100 = arith.constant 0 : i32
        %dma_start3A_101 = tpu.memref_slice %arg12[%dma_start3A_99, %dma_start3A_100] : memref<10240x128xf32, #tpu.memory_space<vmem_shared>> -> memref<10240x128xf32, #tpu.memory_space<vmem_shared>>
        tpu.enqueue_indirect_dma source(%dma_start3A_95 : memref<100x128xf32, #tpu.memory_space<vmem>>) target(%dma_start3A_101 : memref<10240x128xf32, #tpu.memory_space<vmem_shared>>) offsets(%dma_start3A_98 : memref<100xi32, #tpu.memory_space<vmem>>) semaphore(%run_scoped3A_92 : memref<!tpu.dma_semaphore, #tpu.memory_space<semaphore_mem>>) {add = true}
        %dma_wait3A_102 = arith.constant 0 : i32
        %dma_wait3A_103 = arith.constant 0 : i32
        %dma_wait3A_104 = tpu.memref_slice %arg11[%run_scoped3A_91, %dma_wait3A_102, %dma_wait3A_103] : memref<2x100x128xf32, #tpu.memory_space<vmem>> -> memref<1x100x128xf32, #tpu.memory_space<vmem>>
        %dma_wait3A_105 = tpu.memref_squeeze %dma_wait3A_104 : memref<1x100x128xf32, #tpu.memory_space<vmem>> -> memref<100x128xf32, #tpu.memory_space<vmem>>
        %dma_wait3A_106 = arith.constant 0 : i32
        %dma_wait3A_107 = tpu.memref_slice %arg10[%add3A_50, %dma_wait3A_106] : memref<50x100xi32, #tpu.memory_space<vmem>> -> memref<1x100xi32, #tpu.memory_space<vmem>>
        %dma_wait3A_108 = tpu.memref_squeeze %dma_wait3A_107 : memref<1x100xi32, #tpu.memory_space<vmem>> -> memref<100xi32, #tpu.memory_space<vmem>>
        %dma_wait3A_109 = arith.constant 0 : i32
        %dma_wait3A_110 = arith.constant 0 : i32
        %dma_wait3A_111 = tpu.memref_slice %arg12[%dma_wait3A_109, %dma_wait3A_110] : memref<10240x128xf32, #tpu.memory_space<vmem_shared>> -> memref<10240x128xf32, #tpu.memory_space<vmem_shared>>
        tpu.wait_indirect_dma semaphore(%run_scoped3A_92 : memref<!tpu.dma_semaphore, #tpu.memory_space<semaphore_mem>>) src(%dma_wait3A_105 : memref<100x128xf32, #tpu.memory_space<vmem>>) dst(%dma_wait3A_111 : memref<10240x128xf32, #tpu.memory_space<vmem_shared>>)
        tpu.yield
      }) : () -> ()
    }
    %scan3A_35 = arith.constant 25 : i32
    %barrier3A_36 = arith.constant 0 : index
    tpu.barrier barrier_id(%barrier3A_36)
    %eq3A_37 = arith.constant 0 : i32
    %eq3A_38 = arith.cmpi eq, %arg0, %eq3A_37 : i32
    %convert_element_type3A_39 = arith.extui %eq3A_38 : i1 to i32
    %cond3A_40 = arith.constant 0 : i32
    %cond3A_41 = arith.cmpi ne, %convert_element_type3A_39, %cond3A_40 : i32
    scf.if %cond3A_41 {
      "tpu.region"() ({
        %run_scoped3A_47 = tpu.sem_alloc : memref<!tpu.dma_semaphore, #tpu.memory_space<semaphore_mem>>
        %dma_start3A = arith.constant 0 : i32
        %dma_start3A_48 = tpu.memref_slice %arg7[%mul3A_0, %dma_start3A] : memref<10240x128xf32, #tpu.memory_space<hbm>> -> memref<640x128xf32, #tpu.memory_space<hbm>>
        %dma_start3A_49 = arith.constant 0 : i32
        %dma_start3A_50 = tpu.memref_slice %arg12[%mul3A_0, %dma_start3A_49] : memref<10240x128xf32, #tpu.memory_space<vmem_shared>> -> memref<640x128xf32, #tpu.memory_space<vmem_shared>>
        tpu.enqueue_dma source(%dma_start3A_50 : memref<640x128xf32, #tpu.memory_space<vmem_shared>>) target(%dma_start3A_48 : memref<640x128xf32, #tpu.memory_space<hbm>>) target_semaphore(%run_scoped3A_47 : memref<!tpu.dma_semaphore, #tpu.memory_space<semaphore_mem>>)
        %dma_wait3A = arith.constant 0 : i32
        %dma_wait3A_51 = tpu.memref_slice %arg7[%mul3A_0, %dma_wait3A] : memref<10240x128xf32, #tpu.memory_space<hbm>> -> memref<640x128xf32, #tpu.memory_space<hbm>>
        %dma_wait3A_52 = arith.constant 0 : i32
        %dma_wait3A_53 = tpu.memref_slice %arg12[%mul3A_0, %dma_wait3A_52] : memref<10240x128xf32, #tpu.memory_space<vmem_shared>> -> memref<640x128xf32, #tpu.memory_space<vmem_shared>>
        tpu.wait_dma2 semaphore(%run_scoped3A_47 : memref<!tpu.dma_semaphore, #tpu.memory_space<semaphore_mem>>) src(%dma_wait3A_53 : memref<640x128xf32, #tpu.memory_space<vmem_shared>>) dst(%dma_wait3A_51 : memref<640x128xf32, #tpu.memory_space<hbm>>)
        tpu.yield
      }) : () -> ()
    } else {
    }
    %eq3A_42 = arith.constant 1 : i32
    %eq3A_43 = arith.cmpi eq, %arg0, %eq3A_42 : i32
    %convert_element_type3A_44 = arith.extui %eq3A_43 : i1 to i32
    %cond3A_45 = arith.constant 0 : i32
    %cond3A_46 = arith.cmpi ne, %convert_element_type3A_44, %cond3A_45 : i32
    scf.if %cond3A_46 {
      "tpu.region"() ({
        %run_scoped3A_47 = tpu.sem_alloc : memref<!tpu.dma_semaphore, #tpu.memory_space<semaphore_mem>>
        %dma_start3A = arith.constant 0 : i32
        %dma_start3A_48 = tpu.memref_slice %arg8[%mul3A_0, %dma_start3A] : memref<10240x128xf32, #tpu.memory_space<hbm>> -> memref<640x128xf32, #tpu.memory_space<hbm>>
        %dma_start3A_49 = arith.constant 0 : i32
        %dma_start3A_50 = tpu.memref_slice %arg12[%mul3A_0, %dma_start3A_49] : memref<10240x128xf32, #tpu.memory_space<vmem_shared>> -> memref<640x128xf32, #tpu.memory_space<vmem_shared>>
        tpu.enqueue_dma source(%dma_start3A_50 : memref<640x128xf32, #tpu.memory_space<vmem_shared>>) target(%dma_start3A_48 : memref<640x128xf32, #tpu.memory_space<hbm>>) target_semaphore(%run_scoped3A_47 : memref<!tpu.dma_semaphore, #tpu.memory_space<semaphore_mem>>)
        %dma_wait3A = arith.constant 0 : i32
        %dma_wait3A_51 = tpu.memref_slice %arg8[%mul3A_0, %dma_wait3A] : memref<10240x128xf32, #tpu.memory_space<hbm>> -> memref<640x128xf32, #tpu.memory_space<hbm>>
        %dma_wait3A_52 = arith.constant 0 : i32
        %dma_wait3A_53 = tpu.memref_slice %arg12[%mul3A_0, %dma_wait3A_52] : memref<10240x128xf32, #tpu.memory_space<vmem_shared>> -> memref<640x128xf32, #tpu.memory_space<vmem_shared>>
        tpu.wait_dma2 semaphore(%run_scoped3A_47 : memref<!tpu.dma_semaphore, #tpu.memory_space<semaphore_mem>>) src(%dma_wait3A_53 : memref<640x128xf32, #tpu.memory_space<vmem_shared>>) dst(%dma_wait3A_51 : memref<640x128xf32, #tpu.memory_space<hbm>>)
        tpu.yield
      }) : () -> ()
    } else {
    }
    return
  }
}

module attributes {stable_mosaic.version = 14 : i64} {
  func.func @_layer0_body(%arg0: i32, %arg1: i32, %arg2: memref<5000x256xf32, #tpu.memory_space<vmem>>, %arg3: memref<5000x128xf32, #tpu.memory_space<vmem>>, %arg4: memref<5000x128xf32, #tpu.memory_space<vmem>>, %arg5: memref<256x256xf32, #tpu.memory_space<vmem>>, %arg6: memref<1x256xf32, #tpu.memory_space<vmem>>, %arg7: memref<256x256xf32, #tpu.memory_space<vmem>>, %arg8: memref<1x256xf32, #tpu.memory_space<vmem>>, %arg9: memref<1x1xf32, #tpu.memory_space<vmem>>, %arg10: memref<1x256xf32, #tpu.memory_space<vmem>>, %arg11: memref<1x256xf32, #tpu.memory_space<vmem>>, %arg12: memref<256x256xf32, #tpu.memory_space<vmem>>, %arg13: memref<5000x256xf32, #tpu.memory_space<vmem>>, %arg14: memref<5000x128xf32, #tpu.memory_space<vmem>>, %arg15: memref<5000x128xf32, #tpu.memory_space<vmem>>, %arg16: memref<10000x256xf32, #tpu.memory_space<vmem>>, %arg17: memref<2x256xf32, #tpu.memory_space<vmem>>) attributes {dimension_semantics = [#tpu.dimension_semantics<arbitrary>, #tpu.dimension_semantics<arbitrary>], iteration_bounds = array<i64: 2, 2>, scalar_prefetch = 0 : i64, scratch_operands = 2 : i64, tpu.core_type = #tpu.core_type<tc>, window_params = [{transform_indices = @transform_0, window_bounds = array<i64: 5000, 256>}, {transform_indices = @transform_1, window_bounds = array<i64: 5000, 128>}, {transform_indices = @transform_2, window_bounds = array<i64: 5000, 128>}, {pipeline_mode = #tpu.pipeline_mode<synchronous>, transform_indices = @transform_3, window_bounds = array<i64: 256, 256>}, {pipeline_mode = #tpu.pipeline_mode<synchronous>, transform_indices = @transform_4, window_bounds = array<i64: 1, 256>}, {pipeline_mode = #tpu.pipeline_mode<synchronous>, transform_indices = @transform_5, window_bounds = array<i64: 256, 256>}, {pipeline_mode = #tpu.pipeline_mode<synchronous>, transform_indices = @transform_6, window_bounds = array<i64: 1, 256>}, {pipeline_mode = #tpu.pipeline_mode<synchronous>, transform_indices = @transform_7, window_bounds = array<i64: 1, 1>}, {pipeline_mode = #tpu.pipeline_mode<synchronous>, transform_indices = @transform_8, window_bounds = array<i64: 1, 256>}, {pipeline_mode = #tpu.pipeline_mode<synchronous>, transform_indices = @transform_9, window_bounds = array<i64: 1, 256>}, {pipeline_mode = #tpu.pipeline_mode<synchronous>, transform_indices = @transform_10, window_bounds = array<i64: 256, 256>}, {transform_indices = @transform_11, window_bounds = array<i64: 5000, 256>}, {transform_indices = @transform_12, window_bounds = array<i64: 5000, 128>}, {transform_indices = @transform_13, window_bounds = array<i64: 5000, 128>}]} {
    %eq3A = arith.constant 0 : i32
    %eq3A_0 = arith.cmpi eq, %arg0, %eq3A : i32
    %convert_element_type3A = arith.extui %eq3A_0 : i1 to i32
    %cond3A = arith.constant 0 : i32
    %cond3A_1 = arith.cmpi ne, %convert_element_type3A, %cond3A : i32
    scf.if %cond3A_1 {
      %get3A = arith.constant 0 : index
      %get3A_7 = arith.constant 0 : index
      %get3A_8 = vector.load %arg2[%get3A, %get3A_7] : memref<5000x256xf32, #tpu.memory_space<vmem>>, vector<5000x256xf32>
      %get3A_9 = arith.constant 0 : index
      %get3A_10 = arith.constant 0 : index
      %get3A_11 = vector.load %arg3[%get3A_9, %get3A_10] : memref<5000x128xf32, #tpu.memory_space<vmem>>, vector<5000x128xf32>
      %get3A_12 = arith.constant 0 : index
      %get3A_13 = arith.constant 0 : index
      %get3A_14 = vector.load %arg4[%get3A_12, %get3A_13] : memref<5000x128xf32, #tpu.memory_space<vmem>>, vector<5000x128xf32>
      %concatenate3A = tpu.concatenate %get3A_11, %get3A_14 in 1 : vector<5000x128xf32>, vector<5000x128xf32> -> vector<5000x256xf32>
      %get3A_15 = arith.constant 0 : index
      %get3A_16 = arith.constant 0 : index
      %get3A_17 = vector.load %arg9[%get3A_15, %get3A_16] : memref<1x1xf32, #tpu.memory_space<vmem>>, vector<1x1xf32>
      %get3A_18 = vector.extract %get3A_17[0, 0] : f32 from vector<1x1xf32>
      %add3A = arith.constant 1.000000e+00 : f32
      %add3A_19 = arith.addf %add3A, %get3A_18 : f32
      %mul3A = vector.broadcast %add3A_19 : f32 to vector<5000x256xf32>
      %mul3A_20 = arith.mulf %mul3A, %get3A_8 : vector<5000x256xf32>
      %add3A_21 = arith.addf %mul3A_20, %concatenate3A : vector<5000x256xf32>
      %get3A_22 = arith.constant 0 : index
      %get3A_23 = arith.constant 0 : index
      %get3A_24 = vector.load %arg5[%get3A_22, %get3A_23] : memref<256x256xf32, #tpu.memory_space<vmem>>, vector<256x256xf32>
      %dot_general3A = arith.constant dense<0.000000e+00> : vector<5000x256xf32>
      %dot_general3A_25 = tpu.matmul %add3A_21, %get3A_24, %dot_general3A {dimension_numbers = #tpu.dot_dimension_numbers<[1], [0], [0], [1], [0, 0, 1, 1], [], []>, transpose_lhs_hint = false} : vector<5000x256xf32>, vector<256x256xf32>, vector<5000x256xf32> -> vector<5000x256xf32>
      %get3A_26 = arith.constant 0 : index
      %get3A_27 = arith.constant 0 : index
      %get3A_28 = vector.load %arg6[%get3A_26, %get3A_27] : memref<1x256xf32, #tpu.memory_space<vmem>>, vector<1x256xf32>
      %add3A_29 = vector.broadcast %get3A_28 : vector<1x256xf32> to vector<5000x256xf32>
      %add3A_30 = arith.addf %dot_general3A_25, %add3A_29 : vector<5000x256xf32>
      %max3A = arith.constant 0.000000e+00 : f32
      %max3A_31 = vector.broadcast %max3A : f32 to vector<5000x256xf32>
      %max3A_32 = arith.maximumf %add3A_30, %max3A_31 : vector<5000x256xf32>
      %get3A_33 = arith.constant 0 : index
      %get3A_34 = arith.constant 0 : index
      %get3A_35 = vector.load %arg7[%get3A_33, %get3A_34] : memref<256x256xf32, #tpu.memory_space<vmem>>, vector<256x256xf32>
      %dot_general3A_36 = arith.constant dense<0.000000e+00> : vector<5000x256xf32>
      %dot_general3A_37 = tpu.matmul %max3A_32, %get3A_35, %dot_general3A_36 {dimension_numbers = #tpu.dot_dimension_numbers<[1], [0], [0], [1], [0, 0, 1, 1], [], []>, transpose_lhs_hint = false} : vector<5000x256xf32>, vector<256x256xf32>, vector<5000x256xf32> -> vector<5000x256xf32>
      %get3A_38 = arith.constant 0 : index
      %get3A_39 = arith.constant 0 : index
      %get3A_40 = vector.load %arg8[%get3A_38, %get3A_39] : memref<1x256xf32, #tpu.memory_space<vmem>>, vector<1x256xf32>
      %add3A_41 = vector.broadcast %get3A_40 : vector<1x256xf32> to vector<5000x256xf32>
      %add3A_42 = arith.addf %dot_general3A_37, %add3A_41 : vector<5000x256xf32>
      %mul3A_43 = arith.constant 5000 : i32
      %mul3A_44 = arith.muli %arg1, %mul3A_43 : i32
      %swap3A = arith.index_cast %mul3A_44 : i32 to index
      %swap3A_45 = arith.constant 0 : index
      %swap3A_46 = vector.load %arg16[%swap3A, %swap3A_45] : memref<10000x256xf32, #tpu.memory_space<vmem>>, vector<5000x256xf32>
      tpu.vector_store %arg16[%swap3A, %swap3A_45], %add3A_42 {strides = array<i32>} : memref<10000x256xf32, #tpu.memory_space<vmem>>, vector<5000x256xf32>,
      %reduce_sum3A = arith.constant dense<0.000000e+00> : vector<256xf32>
      %reduce_sum3A_47 = vector.multi_reduction <add>, %add3A_42, %reduce_sum3A [0] : vector<5000x256xf32> to vector<256xf32>
      %broadcast_in_dim3A = vector.shape_cast %reduce_sum3A_47 : vector<256xf32> to vector<1x256xf32>
      %mul3A_48 = arith.mulf %add3A_42, %add3A_42 : vector<5000x256xf32>
      %reduce_sum3A_49 = arith.constant dense<0.000000e+00> : vector<256xf32>
      %reduce_sum3A_50 = vector.multi_reduction <add>, %mul3A_48, %reduce_sum3A_49 [0] : vector<5000x256xf32> to vector<256xf32>
      %broadcast_in_dim3A_51 = vector.shape_cast %reduce_sum3A_50 : vector<256xf32> to vector<1x256xf32>
      %concatenate3A_52 = tpu.concatenate %broadcast_in_dim3A, %broadcast_in_dim3A_51 in 0 : vector<1x256xf32>, vector<1x256xf32> -> vector<2x256xf32>
      %eq3A_53 = arith.constant 0 : i32
      %eq3A_54 = arith.cmpi eq, %arg1, %eq3A_53 : i32
      %convert_element_type3A_55 = arith.extui %eq3A_54 : i1 to i32
      %cond3A_56 = arith.constant 0 : i32
      %cond3A_57 = arith.cmpi ne, %convert_element_type3A_55, %cond3A_56 : i32
      scf.if %cond3A_57 {
        %swap3A_62 = arith.constant 0 : index
        %swap3A_63 = arith.constant 0 : index
        %swap3A_64 = vector.load %arg17[%swap3A_62, %swap3A_63] : memref<2x256xf32, #tpu.memory_space<vmem>>, vector<2x256xf32>
        tpu.vector_store %arg17[%swap3A_62, %swap3A_63], %concatenate3A_52 {strides = array<i32>} : memref<2x256xf32, #tpu.memory_space<vmem>>, vector<2x256xf32>,
      } else {
      }
      %ne3A = arith.constant 0 : i32
      %ne3A_58 = arith.cmpi ne, %arg1, %ne3A : i32
      %convert_element_type3A_59 = arith.extui %ne3A_58 : i1 to i32
      %cond3A_60 = arith.constant 0 : i32
      %cond3A_61 = arith.cmpi ne, %convert_element_type3A_59, %cond3A_60 : i32
      scf.if %cond3A_61 {
        %get3A_62 = arith.constant 0 : index
        %get3A_63 = arith.constant 0 : index
        %get3A_64 = vector.load %arg17[%get3A_62, %get3A_63] : memref<2x256xf32, #tpu.memory_space<vmem>>, vector<2x256xf32>
        %add3A_65 = arith.addf %get3A_64, %concatenate3A_52 : vector<2x256xf32>
        %swap3A_66 = arith.constant 0 : index
        %swap3A_67 = arith.constant 0 : index
        %swap3A_68 = vector.load %arg17[%swap3A_66, %swap3A_67] : memref<2x256xf32, #tpu.memory_space<vmem>>, vector<2x256xf32>
        tpu.vector_store %arg17[%swap3A_66, %swap3A_67], %add3A_65 {strides = array<i32>} : memref<2x256xf32, #tpu.memory_space<vmem>>, vector<2x256xf32>,
      } else {
      }
    } else {
    }
    %eq3A_2 = arith.constant 1 : i32
    %eq3A_3 = arith.cmpi eq, %arg0, %eq3A_2 : i32
    %convert_element_type3A_4 = arith.extui %eq3A_3 : i1 to i32
    %cond3A_5 = arith.constant 0 : i32
    %cond3A_6 = arith.cmpi ne, %convert_element_type3A_4, %cond3A_5 : i32
    scf.if %cond3A_6 {
      %mul3A = arith.constant 5000 : i32
      %mul3A_7 = arith.muli %arg1, %mul3A : i32
      %get3A = arith.index_cast %mul3A_7 : i32 to index
      %get3A_8 = arith.constant 0 : index
      %get3A_9 = vector.load %arg16[%get3A, %get3A_8] : memref<10000x256xf32, #tpu.memory_space<vmem>>, vector<5000x256xf32>
      %get3A_10 = arith.constant 0 : index
      %get3A_11 = arith.constant 0 : index
      %get3A_12 = vector.load %arg17[%get3A_10, %get3A_11] : memref<2x256xf32, #tpu.memory_space<vmem>>, vector<1x256xf32>
      %mul3A_13 = arith.constant 9.99999974E-5 : f32
      %mul3A_14 = vector.broadcast %mul3A_13 : f32 to vector<1x256xf32>
      %mul3A_15 = arith.mulf %get3A_12, %mul3A_14 : vector<1x256xf32>
      %get3A_16 = arith.constant 1 : index
      %get3A_17 = arith.constant 0 : index
      %get3A_18 = vector.load %arg17[%get3A_16, %get3A_17] : memref<2x256xf32, #tpu.memory_space<vmem>>, vector<1x256xf32>
      %mul3A_19 = arith.constant 9.99999974E-5 : f32
      %mul3A_20 = vector.broadcast %mul3A_19 : f32 to vector<1x256xf32>
      %mul3A_21 = arith.mulf %get3A_18, %mul3A_20 : vector<1x256xf32>
      %mul3A_22 = arith.mulf %mul3A_15, %mul3A_15 : vector<1x256xf32>
      %sub3A = arith.subf %mul3A_21, %mul3A_22 : vector<1x256xf32>
      %sub3A_23 = vector.broadcast %mul3A_15 : vector<1x256xf32> to vector<5000x256xf32>
      %sub3A_24 = arith.subf %get3A_9, %sub3A_23 : vector<5000x256xf32>
      %add3A = arith.constant 9.99999974E-6 : f32
      %add3A_25 = vector.broadcast %add3A : f32 to vector<1x256xf32>
      %add3A_26 = arith.addf %sub3A, %add3A_25 : vector<1x256xf32>
      %rsqrt3A = math.rsqrt %add3A_26 : vector<1x256xf32>
      %mul3A_27 = vector.broadcast %rsqrt3A : vector<1x256xf32> to vector<5000x256xf32>
      %mul3A_28 = arith.mulf %sub3A_24, %mul3A_27 : vector<5000x256xf32>
      %get3A_29 = arith.constant 0 : index
      %get3A_30 = arith.constant 0 : index
      %get3A_31 = vector.load %arg10[%get3A_29, %get3A_30] : memref<1x256xf32, #tpu.memory_space<vmem>>, vector<1x256xf32>
      %mul3A_32 = vector.broadcast %get3A_31 : vector<1x256xf32> to vector<5000x256xf32>
      %mul3A_33 = arith.mulf %mul3A_28, %mul3A_32 : vector<5000x256xf32>
      %get3A_34 = arith.constant 0 : index
      %get3A_35 = arith.constant 0 : index
      %get3A_36 = vector.load %arg11[%get3A_34, %get3A_35] : memref<1x256xf32, #tpu.memory_space<vmem>>, vector<1x256xf32>
      %add3A_37 = vector.broadcast %get3A_36 : vector<1x256xf32> to vector<5000x256xf32>
      %add3A_38 = arith.addf %mul3A_33, %add3A_37 : vector<5000x256xf32>
      %get3A_39 = arith.constant 0 : index
      %get3A_40 = arith.constant 0 : index
      %get3A_41 = vector.load %arg12[%get3A_39, %get3A_40] : memref<256x256xf32, #tpu.memory_space<vmem>>, vector<256x256xf32>
      %dot_general3A = arith.constant dense<0.000000e+00> : vector<5000x256xf32>
      %dot_general3A_42 = tpu.matmul %add3A_38, %get3A_41, %dot_general3A {dimension_numbers = #tpu.dot_dimension_numbers<[1], [0], [0], [1], [0, 0, 1, 1], [], []>, transpose_lhs_hint = false} : vector<5000x256xf32>, vector<256x256xf32>, vector<5000x256xf32> -> vector<5000x256xf32>
      %swap3A = arith.constant 0 : index
      %swap3A_43 = arith.constant 0 : index
      %swap3A_44 = vector.load %arg13[%swap3A, %swap3A_43] : memref<5000x256xf32, #tpu.memory_space<vmem>>, vector<5000x256xf32>
      tpu.vector_store %arg13[%swap3A, %swap3A_43], %dot_general3A_42 {strides = array<i32>} : memref<5000x256xf32, #tpu.memory_space<vmem>>, vector<5000x256xf32>,
      %max3A = arith.constant 0.000000e+00 : f32
      %max3A_45 = vector.broadcast %max3A : f32 to vector<5000x256xf32>
      %max3A_46 = arith.maximumf %add3A_38, %max3A_45 : vector<5000x256xf32>
      %slice3A = vector.extract_strided_slice %max3A_46 {offsets = [0, 0], sizes = [5000, 128], strides = [1, 1]} : vector<5000x256xf32> to vector<5000x128xf32>
      %swap3A_47 = arith.constant 0 : index
      %swap3A_48 = arith.constant 0 : index
      %swap3A_49 = vector.load %arg14[%swap3A_47, %swap3A_48] : memref<5000x128xf32, #tpu.memory_space<vmem>>, vector<5000x128xf32>
      tpu.vector_store %arg14[%swap3A_47, %swap3A_48], %slice3A {strides = array<i32>} : memref<5000x128xf32, #tpu.memory_space<vmem>>, vector<5000x128xf32>,
      %slice3A_50 = vector.extract_strided_slice %max3A_46 {offsets = [0, 128], sizes = [5000, 128], strides = [1, 1]} : vector<5000x256xf32> to vector<5000x128xf32>
      %swap3A_51 = arith.constant 0 : index
      %swap3A_52 = arith.constant 0 : index
      %swap3A_53 = vector.load %arg15[%swap3A_51, %swap3A_52] : memref<5000x128xf32, #tpu.memory_space<vmem>>, vector<5000x128xf32>
      tpu.vector_store %arg15[%swap3A_51, %swap3A_52], %slice3A_50 {strides = array<i32>} : memref<5000x128xf32, #tpu.memory_space<vmem>>, vector<5000x128xf32>,
    } else {
    }
    return
  }
  func.func @transform_0(%arg0: i32, %arg1: i32) -> (i32, i32) {
    %sub3A = arith.constant 1 : i32
    %sub3A_0 = arith.subi %sub3A, %arg0 : i32
    %mul3A = arith.muli %arg1, %sub3A_0 : i32
    %c0_i32 = arith.constant 0 : i32
    %c0_i32_1 = arith.constant 0 : i32
    return %mul3A, %c0_i32 : i32, i32
  }
  func.func @transform_1(%arg0: i32, %arg1: i32) -> (i32, i32) {
    %sub3A = arith.constant 1 : i32
    %sub3A_0 = arith.subi %sub3A, %arg0 : i32
    %mul3A = arith.muli %arg1, %sub3A_0 : i32
    %c0_i32 = arith.constant 0 : i32
    %c0_i32_1 = arith.constant 0 : i32
    return %mul3A, %c0_i32 : i32, i32
  }
  func.func @transform_2(%arg0: i32, %arg1: i32) -> (i32, i32) {
    %sub3A = arith.constant 1 : i32
    %sub3A_0 = arith.subi %sub3A, %arg0 : i32
    %mul3A = arith.muli %arg1, %sub3A_0 : i32
    %c0_i32 = arith.constant 0 : i32
    %c0_i32_1 = arith.constant 0 : i32
    return %mul3A, %c0_i32 : i32, i32
  }
  func.func @transform_3(%arg0: i32, %arg1: i32) -> (i32, i32) {
    %c0_i32 = arith.constant 0 : i32
    %c0_i32_0 = arith.constant 0 : i32
    %c0_i32_1 = arith.constant 0 : i32
    return %c0_i32, %c0_i32_0 : i32, i32
  }
  func.func @transform_4(%arg0: i32, %arg1: i32) -> (i32, i32) {
    %c0_i32 = arith.constant 0 : i32
    %c0_i32_0 = arith.constant 0 : i32
    %c0_i32_1 = arith.constant 0 : i32
    return %c0_i32, %c0_i32_0 : i32, i32
  }
  func.func @transform_5(%arg0: i32, %arg1: i32) -> (i32, i32) {
    %c0_i32 = arith.constant 0 : i32
    %c0_i32_0 = arith.constant 0 : i32
    %c0_i32_1 = arith.constant 0 : i32
    return %c0_i32, %c0_i32_0 : i32, i32
  }
  func.func @transform_6(%arg0: i32, %arg1: i32) -> (i32, i32) {
    %c0_i32 = arith.constant 0 : i32
    %c0_i32_0 = arith.constant 0 : i32
    %c0_i32_1 = arith.constant 0 : i32
    return %c0_i32, %c0_i32_0 : i32, i32
  }
  func.func @transform_7(%arg0: i32, %arg1: i32) -> (i32, i32) {
    %c0_i32 = arith.constant 0 : i32
    %c0_i32_0 = arith.constant 0 : i32
    %c0_i32_1 = arith.constant 0 : i32
    return %c0_i32, %c0_i32_0 : i32, i32
  }
  func.func @transform_8(%arg0: i32, %arg1: i32) -> (i32, i32) {
    %c0_i32 = arith.constant 0 : i32
    %c0_i32_0 = arith.constant 0 : i32
    %c0_i32_1 = arith.constant 0 : i32
    return %c0_i32, %c0_i32_0 : i32, i32
  }
  func.func @transform_9(%arg0: i32, %arg1: i32) -> (i32, i32) {
    %c0_i32 = arith.constant 0 : i32
    %c0_i32_0 = arith.constant 0 : i32
    %c0_i32_1 = arith.constant 0 : i32
    return %c0_i32, %c0_i32_0 : i32, i32
  }
  func.func @transform_10(%arg0: i32, %arg1: i32) -> (i32, i32) {
    %c0_i32 = arith.constant 0 : i32
    %c0_i32_0 = arith.constant 0 : i32
    %c0_i32_1 = arith.constant 0 : i32
    return %c0_i32, %c0_i32_0 : i32, i32
  }
  func.func @transform_11(%arg0: i32, %arg1: i32) -> (i32, i32) {
    %mul3A = arith.muli %arg1, %arg0 : i32
    %c0_i32 = arith.constant 0 : i32
    %c0_i32_0 = arith.constant 0 : i32
    return %mul3A, %c0_i32 : i32, i32
  }
  func.func @transform_12(%arg0: i32, %arg1: i32) -> (i32, i32) {
    %mul3A = arith.muli %arg1, %arg0 : i32
    %c0_i32 = arith.constant 0 : i32
    %c0_i32_0 = arith.constant 0 : i32
    return %mul3A, %c0_i32 : i32, i32
  }
  func.func @transform_13(%arg0: i32, %arg1: i32) -> (i32, i32) {
    %mul3A = arith.muli %arg1, %arg0 : i32
    %c0_i32 = arith.constant 0 : i32
    %c0_i32_0 = arith.constant 0 : i32
    return %mul3A, %c0_i32 : i32, i32
  }
}

module attributes {stable_mosaic.version = 14 : i64} {
  func.func @_layer1_body(%arg0: i32, %arg1: i32, %arg2: memref<5000x128xf32, #tpu.memory_space<vmem>>, %arg3: memref<5000x128xf32, #tpu.memory_space<vmem>>, %arg4: memref<5000x128xf32, #tpu.memory_space<vmem>>, %arg5: memref<5000x128xf32, #tpu.memory_space<vmem>>, %arg6: memref<256x256xf32, #tpu.memory_space<vmem>>, %arg7: memref<1x256xf32, #tpu.memory_space<vmem>>, %arg8: memref<256x256xf32, #tpu.memory_space<vmem>>, %arg9: memref<1x256xf32, #tpu.memory_space<vmem>>, %arg10: memref<1x1xf32, #tpu.memory_space<vmem>>, %arg11: memref<1x256xf32, #tpu.memory_space<vmem>>, %arg12: memref<1x256xf32, #tpu.memory_space<vmem>>, %arg13: memref<256x256xf32, #tpu.memory_space<vmem>>, %arg14: memref<5000x256xf32, #tpu.memory_space<vmem>>, %arg15: memref<5000x256xf32, #tpu.memory_space<vmem>>, %arg16: memref<10000x256xf32, #tpu.memory_space<vmem>>, %arg17: memref<2x256xf32, #tpu.memory_space<vmem>>) attributes {dimension_semantics = [#tpu.dimension_semantics<arbitrary>, #tpu.dimension_semantics<arbitrary>], iteration_bounds = array<i64: 2, 2>, scalar_prefetch = 0 : i64, scratch_operands = 2 : i64, tpu.core_type = #tpu.core_type<tc>, window_params = [{transform_indices = @transform_0, window_bounds = array<i64: 5000, 128>}, {transform_indices = @transform_1, window_bounds = array<i64: 5000, 128>}, {transform_indices = @transform_2, window_bounds = array<i64: 5000, 128>}, {transform_indices = @transform_3, window_bounds = array<i64: 5000, 128>}, {pipeline_mode = #tpu.pipeline_mode<synchronous>, transform_indices = @transform_4, window_bounds = array<i64: 256, 256>}, {pipeline_mode = #tpu.pipeline_mode<synchronous>, transform_indices = @transform_5, window_bounds = array<i64: 1, 256>}, {pipeline_mode = #tpu.pipeline_mode<synchronous>, transform_indices = @transform_6, window_bounds = array<i64: 256, 256>}, {pipeline_mode = #tpu.pipeline_mode<synchronous>, transform_indices = @transform_7, window_bounds = array<i64: 1, 256>}, {pipeline_mode = #tpu.pipeline_mode<synchronous>, transform_indices = @transform_8, window_bounds = array<i64: 1, 1>}, {pipeline_mode = #tpu.pipeline_mode<synchronous>, transform_indices = @transform_9, window_bounds = array<i64: 1, 256>}, {pipeline_mode = #tpu.pipeline_mode<synchronous>, transform_indices = @transform_10, window_bounds = array<i64: 1, 256>}, {pipeline_mode = #tpu.pipeline_mode<synchronous>, transform_indices = @transform_11, window_bounds = array<i64: 256, 256>}, {transform_indices = @transform_12, window_bounds = array<i64: 5000, 256>}, {transform_indices = @transform_13, window_bounds = array<i64: 5000, 256>}]} {
    %eq3A = arith.constant 0 : i32
    %eq3A_0 = arith.cmpi eq, %arg0, %eq3A : i32
    %convert_element_type3A = arith.extui %eq3A_0 : i1 to i32
    %cond3A = arith.constant 0 : i32
    %cond3A_1 = arith.cmpi ne, %convert_element_type3A, %cond3A : i32
    scf.if %cond3A_1 {
      %get3A = arith.constant 0 : index
      %get3A_7 = arith.constant 0 : index
      %get3A_8 = vector.load %arg2[%get3A, %get3A_7] : memref<5000x128xf32, #tpu.memory_space<vmem>>, vector<5000x128xf32>
      %get3A_9 = arith.constant 0 : index
      %get3A_10 = arith.constant 0 : index
      %get3A_11 = vector.load %arg3[%get3A_9, %get3A_10] : memref<5000x128xf32, #tpu.memory_space<vmem>>, vector<5000x128xf32>
      %concatenate3A = tpu.concatenate %get3A_8, %get3A_11 in 1 : vector<5000x128xf32>, vector<5000x128xf32> -> vector<5000x256xf32>
      %get3A_12 = arith.constant 0 : index
      %get3A_13 = arith.constant 0 : index
      %get3A_14 = vector.load %arg4[%get3A_12, %get3A_13] : memref<5000x128xf32, #tpu.memory_space<vmem>>, vector<5000x128xf32>
      %get3A_15 = arith.constant 0 : index
      %get3A_16 = arith.constant 0 : index
      %get3A_17 = vector.load %arg5[%get3A_15, %get3A_16] : memref<5000x128xf32, #tpu.memory_space<vmem>>, vector<5000x128xf32>
      %concatenate3A_18 = tpu.concatenate %get3A_14, %get3A_17 in 1 : vector<5000x128xf32>, vector<5000x128xf32> -> vector<5000x256xf32>
      %get3A_19 = arith.constant 0 : index
      %get3A_20 = arith.constant 0 : index
      %get3A_21 = vector.load %arg10[%get3A_19, %get3A_20] : memref<1x1xf32, #tpu.memory_space<vmem>>, vector<1x1xf32>
      %get3A_22 = vector.extract %get3A_21[0, 0] : f32 from vector<1x1xf32>
      %add3A = arith.constant 1.000000e+00 : f32
      %add3A_23 = arith.addf %add3A, %get3A_22 : f32
      %mul3A = vector.broadcast %add3A_23 : f32 to vector<5000x256xf32>
      %mul3A_24 = arith.mulf %mul3A, %concatenate3A : vector<5000x256xf32>
      %add3A_25 = arith.addf %mul3A_24, %concatenate3A_18 : vector<5000x256xf32>
      %get3A_26 = arith.constant 0 : index
      %get3A_27 = arith.constant 0 : index
      %get3A_28 = vector.load %arg6[%get3A_26, %get3A_27] : memref<256x256xf32, #tpu.memory_space<vmem>>, vector<256x256xf32>
      %dot_general3A = arith.constant dense<0.000000e+00> : vector<5000x256xf32>
      %dot_general3A_29 = tpu.matmul %add3A_25, %get3A_28, %dot_general3A {dimension_numbers = #tpu.dot_dimension_numbers<[1], [0], [0], [1], [0, 0, 1, 1], [], []>, transpose_lhs_hint = false} : vector<5000x256xf32>, vector<256x256xf32>, vector<5000x256xf32> -> vector<5000x256xf32>
      %get3A_30 = arith.constant 0 : index
      %get3A_31 = arith.constant 0 : index
      %get3A_32 = vector.load %arg7[%get3A_30, %get3A_31] : memref<1x256xf32, #tpu.memory_space<vmem>>, vector<1x256xf32>
      %add3A_33 = vector.broadcast %get3A_32 : vector<1x256xf32> to vector<5000x256xf32>
      %add3A_34 = arith.addf %dot_general3A_29, %add3A_33 : vector<5000x256xf32>
      %max3A = arith.constant 0.000000e+00 : f32
      %max3A_35 = vector.broadcast %max3A : f32 to vector<5000x256xf32>
      %max3A_36 = arith.maximumf %add3A_34, %max3A_35 : vector<5000x256xf32>
      %get3A_37 = arith.constant 0 : index
      %get3A_38 = arith.constant 0 : index
      %get3A_39 = vector.load %arg8[%get3A_37, %get3A_38] : memref<256x256xf32, #tpu.memory_space<vmem>>, vector<256x256xf32>
      %dot_general3A_40 = arith.constant dense<0.000000e+00> : vector<5000x256xf32>
      %dot_general3A_41 = tpu.matmul %max3A_36, %get3A_39, %dot_general3A_40 {dimension_numbers = #tpu.dot_dimension_numbers<[1], [0], [0], [1], [0, 0, 1, 1], [], []>, transpose_lhs_hint = false} : vector<5000x256xf32>, vector<256x256xf32>, vector<5000x256xf32> -> vector<5000x256xf32>
      %get3A_42 = arith.constant 0 : index
      %get3A_43 = arith.constant 0 : index
      %get3A_44 = vector.load %arg9[%get3A_42, %get3A_43] : memref<1x256xf32, #tpu.memory_space<vmem>>, vector<1x256xf32>
      %add3A_45 = vector.broadcast %get3A_44 : vector<1x256xf32> to vector<5000x256xf32>
      %add3A_46 = arith.addf %dot_general3A_41, %add3A_45 : vector<5000x256xf32>
      %mul3A_47 = arith.constant 5000 : i32
      %mul3A_48 = arith.muli %arg1, %mul3A_47 : i32
      %swap3A = arith.index_cast %mul3A_48 : i32 to index
      %swap3A_49 = arith.constant 0 : index
      %swap3A_50 = vector.load %arg16[%swap3A, %swap3A_49] : memref<10000x256xf32, #tpu.memory_space<vmem>>, vector<5000x256xf32>
      tpu.vector_store %arg16[%swap3A, %swap3A_49], %add3A_46 {strides = array<i32>} : memref<10000x256xf32, #tpu.memory_space<vmem>>, vector<5000x256xf32>,
      %reduce_sum3A = arith.constant dense<0.000000e+00> : vector<256xf32>
      %reduce_sum3A_51 = vector.multi_reduction <add>, %add3A_46, %reduce_sum3A [0] : vector<5000x256xf32> to vector<256xf32>
      %broadcast_in_dim3A = vector.shape_cast %reduce_sum3A_51 : vector<256xf32> to vector<1x256xf32>
      %mul3A_52 = arith.mulf %add3A_46, %add3A_46 : vector<5000x256xf32>
      %reduce_sum3A_53 = arith.constant dense<0.000000e+00> : vector<256xf32>
      %reduce_sum3A_54 = vector.multi_reduction <add>, %mul3A_52, %reduce_sum3A_53 [0] : vector<5000x256xf32> to vector<256xf32>
      %broadcast_in_dim3A_55 = vector.shape_cast %reduce_sum3A_54 : vector<256xf32> to vector<1x256xf32>
      %concatenate3A_56 = tpu.concatenate %broadcast_in_dim3A, %broadcast_in_dim3A_55 in 0 : vector<1x256xf32>, vector<1x256xf32> -> vector<2x256xf32>
      %eq3A_57 = arith.constant 0 : i32
      %eq3A_58 = arith.cmpi eq, %arg1, %eq3A_57 : i32
      %convert_element_type3A_59 = arith.extui %eq3A_58 : i1 to i32
      %cond3A_60 = arith.constant 0 : i32
      %cond3A_61 = arith.cmpi ne, %convert_element_type3A_59, %cond3A_60 : i32
      scf.if %cond3A_61 {
        %swap3A_66 = arith.constant 0 : index
        %swap3A_67 = arith.constant 0 : index
        %swap3A_68 = vector.load %arg17[%swap3A_66, %swap3A_67] : memref<2x256xf32, #tpu.memory_space<vmem>>, vector<2x256xf32>
        tpu.vector_store %arg17[%swap3A_66, %swap3A_67], %concatenate3A_56 {strides = array<i32>} : memref<2x256xf32, #tpu.memory_space<vmem>>, vector<2x256xf32>,
      } else {
      }
      %ne3A = arith.constant 0 : i32
      %ne3A_62 = arith.cmpi ne, %arg1, %ne3A : i32
      %convert_element_type3A_63 = arith.extui %ne3A_62 : i1 to i32
      %cond3A_64 = arith.constant 0 : i32
      %cond3A_65 = arith.cmpi ne, %convert_element_type3A_63, %cond3A_64 : i32
      scf.if %cond3A_65 {
        %get3A_66 = arith.constant 0 : index
        %get3A_67 = arith.constant 0 : index
        %get3A_68 = vector.load %arg17[%get3A_66, %get3A_67] : memref<2x256xf32, #tpu.memory_space<vmem>>, vector<2x256xf32>
        %add3A_69 = arith.addf %get3A_68, %concatenate3A_56 : vector<2x256xf32>
        %swap3A_70 = arith.constant 0 : index
        %swap3A_71 = arith.constant 0 : index
        %swap3A_72 = vector.load %arg17[%swap3A_70, %swap3A_71] : memref<2x256xf32, #tpu.memory_space<vmem>>, vector<2x256xf32>
        tpu.vector_store %arg17[%swap3A_70, %swap3A_71], %add3A_69 {strides = array<i32>} : memref<2x256xf32, #tpu.memory_space<vmem>>, vector<2x256xf32>,
      } else {
      }
    } else {
    }
    %eq3A_2 = arith.constant 1 : i32
    %eq3A_3 = arith.cmpi eq, %arg0, %eq3A_2 : i32
    %convert_element_type3A_4 = arith.extui %eq3A_3 : i1 to i32
    %cond3A_5 = arith.constant 0 : i32
    %cond3A_6 = arith.cmpi ne, %convert_element_type3A_4, %cond3A_5 : i32
    scf.if %cond3A_6 {
      %mul3A = arith.constant 5000 : i32
      %mul3A_7 = arith.muli %arg1, %mul3A : i32
      %get3A = arith.index_cast %mul3A_7 : i32 to index
      %get3A_8 = arith.constant 0 : index
      %get3A_9 = vector.load %arg16[%get3A, %get3A_8] : memref<10000x256xf32, #tpu.memory_space<vmem>>, vector<5000x256xf32>
      %get3A_10 = arith.constant 0 : index
      %get3A_11 = arith.constant 0 : index
      %get3A_12 = vector.load %arg17[%get3A_10, %get3A_11] : memref<2x256xf32, #tpu.memory_space<vmem>>, vector<1x256xf32>
      %mul3A_13 = arith.constant 9.99999974E-5 : f32
      %mul3A_14 = vector.broadcast %mul3A_13 : f32 to vector<1x256xf32>
      %mul3A_15 = arith.mulf %get3A_12, %mul3A_14 : vector<1x256xf32>
      %get3A_16 = arith.constant 1 : index
      %get3A_17 = arith.constant 0 : index
      %get3A_18 = vector.load %arg17[%get3A_16, %get3A_17] : memref<2x256xf32, #tpu.memory_space<vmem>>, vector<1x256xf32>
      %mul3A_19 = arith.constant 9.99999974E-5 : f32
      %mul3A_20 = vector.broadcast %mul3A_19 : f32 to vector<1x256xf32>
      %mul3A_21 = arith.mulf %get3A_18, %mul3A_20 : vector<1x256xf32>
      %mul3A_22 = arith.mulf %mul3A_15, %mul3A_15 : vector<1x256xf32>
      %sub3A = arith.subf %mul3A_21, %mul3A_22 : vector<1x256xf32>
      %sub3A_23 = vector.broadcast %mul3A_15 : vector<1x256xf32> to vector<5000x256xf32>
      %sub3A_24 = arith.subf %get3A_9, %sub3A_23 : vector<5000x256xf32>
      %add3A = arith.constant 9.99999974E-6 : f32
      %add3A_25 = vector.broadcast %add3A : f32 to vector<1x256xf32>
      %add3A_26 = arith.addf %sub3A, %add3A_25 : vector<1x256xf32>
      %rsqrt3A = math.rsqrt %add3A_26 : vector<1x256xf32>
      %mul3A_27 = vector.broadcast %rsqrt3A : vector<1x256xf32> to vector<5000x256xf32>
      %mul3A_28 = arith.mulf %sub3A_24, %mul3A_27 : vector<5000x256xf32>
      %get3A_29 = arith.constant 0 : index
      %get3A_30 = arith.constant 0 : index
      %get3A_31 = vector.load %arg11[%get3A_29, %get3A_30] : memref<1x256xf32, #tpu.memory_space<vmem>>, vector<1x256xf32>
      %mul3A_32 = vector.broadcast %get3A_31 : vector<1x256xf32> to vector<5000x256xf32>
      %mul3A_33 = arith.mulf %mul3A_28, %mul3A_32 : vector<5000x256xf32>
      %get3A_34 = arith.constant 0 : index
      %get3A_35 = arith.constant 0 : index
      %get3A_36 = vector.load %arg12[%get3A_34, %get3A_35] : memref<1x256xf32, #tpu.memory_space<vmem>>, vector<1x256xf32>
      %add3A_37 = vector.broadcast %get3A_36 : vector<1x256xf32> to vector<5000x256xf32>
      %add3A_38 = arith.addf %mul3A_33, %add3A_37 : vector<5000x256xf32>
      %get3A_39 = arith.constant 0 : index
      %get3A_40 = arith.constant 0 : index
      %get3A_41 = vector.load %arg14[%get3A_39, %get3A_40] : memref<5000x256xf32, #tpu.memory_space<vmem>>, vector<5000x256xf32>
      %get3A_42 = arith.constant 0 : index
      %get3A_43 = arith.constant 0 : index
      %get3A_44 = vector.load %arg13[%get3A_42, %get3A_43] : memref<256x256xf32, #tpu.memory_space<vmem>>, vector<256x256xf32>
      %dot_general3A = arith.constant dense<0.000000e+00> : vector<5000x256xf32>
      %dot_general3A_45 = tpu.matmul %add3A_38, %get3A_44, %dot_general3A {dimension_numbers = #tpu.dot_dimension_numbers<[1], [0], [0], [1], [0, 0, 1, 1], [], []>, transpose_lhs_hint = false} : vector<5000x256xf32>, vector<256x256xf32>, vector<5000x256xf32> -> vector<5000x256xf32>
      %add3A_46 = arith.addf %get3A_41, %dot_general3A_45 : vector<5000x256xf32>
      %swap3A = arith.constant 0 : index
      %swap3A_47 = arith.constant 0 : index
      %swap3A_48 = vector.load %arg15[%swap3A, %swap3A_47] : memref<5000x256xf32, #tpu.memory_space<vmem>>, vector<5000x256xf32>
      tpu.vector_store %arg15[%swap3A, %swap3A_47], %add3A_46 {strides = array<i32>} : memref<5000x256xf32, #tpu.memory_space<vmem>>, vector<5000x256xf32>,
    } else {
    }
    return
  }
  func.func @transform_0(%arg0: i32, %arg1: i32) -> (i32, i32) {
    %sub3A = arith.constant 1 : i32
    %sub3A_0 = arith.subi %sub3A, %arg0 : i32
    %mul3A = arith.muli %arg1, %sub3A_0 : i32
    %c0_i32 = arith.constant 0 : i32
    %c0_i32_1 = arith.constant 0 : i32
    return %mul3A, %c0_i32 : i32, i32
  }
  func.func @transform_1(%arg0: i32, %arg1: i32) -> (i32, i32) {
    %sub3A = arith.constant 1 : i32
    %sub3A_0 = arith.subi %sub3A, %arg0 : i32
    %mul3A = arith.muli %arg1, %sub3A_0 : i32
    %c0_i32 = arith.constant 0 : i32
    %c0_i32_1 = arith.constant 0 : i32
    return %mul3A, %c0_i32 : i32, i32
  }
  func.func @transform_2(%arg0: i32, %arg1: i32) -> (i32, i32) {
    %sub3A = arith.constant 1 : i32
    %sub3A_0 = arith.subi %sub3A, %arg0 : i32
    %mul3A = arith.muli %arg1, %sub3A_0 : i32
    %c0_i32 = arith.constant 0 : i32
    %c0_i32_1 = arith.constant 0 : i32
    return %mul3A, %c0_i32 : i32, i32
  }
  func.func @transform_3(%arg0: i32, %arg1: i32) -> (i32, i32) {
    %sub3A = arith.constant 1 : i32
    %sub3A_0 = arith.subi %sub3A, %arg0 : i32
    %mul3A = arith.muli %arg1, %sub3A_0 : i32
    %c0_i32 = arith.constant 0 : i32
    %c0_i32_1 = arith.constant 0 : i32
    return %mul3A, %c0_i32 : i32, i32
  }
  func.func @transform_4(%arg0: i32, %arg1: i32) -> (i32, i32) {
    %c0_i32 = arith.constant 0 : i32
    %c0_i32_0 = arith.constant 0 : i32
    %c0_i32_1 = arith.constant 0 : i32
    return %c0_i32, %c0_i32_0 : i32, i32
  }
  func.func @transform_5(%arg0: i32, %arg1: i32) -> (i32, i32) {
    %c0_i32 = arith.constant 0 : i32
    %c0_i32_0 = arith.constant 0 : i32
    %c0_i32_1 = arith.constant 0 : i32
    return %c0_i32, %c0_i32_0 : i32, i32
  }
  func.func @transform_6(%arg0: i32, %arg1: i32) -> (i32, i32) {
    %c0_i32 = arith.constant 0 : i32
    %c0_i32_0 = arith.constant 0 : i32
    %c0_i32_1 = arith.constant 0 : i32
    return %c0_i32, %c0_i32_0 : i32, i32
  }
  func.func @transform_7(%arg0: i32, %arg1: i32) -> (i32, i32) {
    %c0_i32 = arith.constant 0 : i32
    %c0_i32_0 = arith.constant 0 : i32
    %c0_i32_1 = arith.constant 0 : i32
    return %c0_i32, %c0_i32_0 : i32, i32
  }
  func.func @transform_8(%arg0: i32, %arg1: i32) -> (i32, i32) {
    %c0_i32 = arith.constant 0 : i32
    %c0_i32_0 = arith.constant 0 : i32
    %c0_i32_1 = arith.constant 0 : i32
    return %c0_i32, %c0_i32_0 : i32, i32
  }
  func.func @transform_9(%arg0: i32, %arg1: i32) -> (i32, i32) {
    %c0_i32 = arith.constant 0 : i32
    %c0_i32_0 = arith.constant 0 : i32
    %c0_i32_1 = arith.constant 0 : i32
    return %c0_i32, %c0_i32_0 : i32, i32
  }
  func.func @transform_10(%arg0: i32, %arg1: i32) -> (i32, i32) {
    %c0_i32 = arith.constant 0 : i32
    %c0_i32_0 = arith.constant 0 : i32
    %c0_i32_1 = arith.constant 0 : i32
    return %c0_i32, %c0_i32_0 : i32, i32
  }
  func.func @transform_11(%arg0: i32, %arg1: i32) -> (i32, i32) {
    %c0_i32 = arith.constant 0 : i32
    %c0_i32_0 = arith.constant 0 : i32
    %c0_i32_1 = arith.constant 0 : i32
    return %c0_i32, %c0_i32_0 : i32, i32
  }
  func.func @transform_12(%arg0: i32, %arg1: i32) -> (i32, i32) {
    %mul3A = arith.muli %arg1, %arg0 : i32
    %c0_i32 = arith.constant 0 : i32
    %c0_i32_0 = arith.constant 0 : i32
    return %mul3A, %c0_i32 : i32, i32
  }
  func.func @transform_13(%arg0: i32, %arg1: i32) -> (i32, i32) {
    %mul3A = arith.muli %arg1, %arg0 : i32
    %c0_i32 = arith.constant 0 : i32
    %c0_i32_0 = arith.constant 0 : i32
    return %mul3A, %c0_i32 : i32, i32
  }
}

</mosaic_0001>

<sc_bundles>
// kernel: kernel.6.cloned.1.call-start
scs
__scs_entry_jumppad:
0x0: {  	(pc) =	sbr.rel $0x88, $3  }
0x1: {  	(tag) =	ssettag $0x0;
	lr =	simm.s32 $0x1  }
0x2: {  	[smem:$0x3F8F] =	sst lr;
	_ =	strace $0xD0000000  }
0x3: {  	_ = 	snop  }
0x4: {  	_ = 	snop  }
0x5: {  	_ = 	snop  }
0x6: {  	_ = 	snop  }
0x7: {  	_ = 	snop  }
__scs_overlays_trampoline_lowered:
0x8: {  	[smem:$0x3F9E] =	sst s0  }
0x9: {  	[smem:$0x3F9F] =	sst s1  }
0xa: {  	[smem:$0x3FA0] =	sst s2  }
0xb: {  	[smem:$0x3FA1] =	sst s3  }
0xc: {  	[smem:$0x3FA2] =	sst s4  }
0xd: {  	[smem:$0x3FA3] =	sst s5  }
0xe: {  	[smem:$0x3FA4] =	sst s6  }
0xf: {  	[smem:$0x3FA5] =	sst s7  }
0x10: {  	[smem:$0x3FA6] =	sst s8  }
0x11: {  	[smem:$0x3FA7] =	sst s9;
	s0 =	simm.s32 @!p0 $0x0  }
0x12: {  	s1 =	sld [smem:$0x3F8D];
	s0 =	simm.s32 @p0 $0x1  }
0x13: {  	[smem:$0x3FA8] =	sst s0;
	s0 =	simm.s32 @!p1 $0x0  }
0x14: {  	s2 =	sld [smem:$0x3F8C];
	s0 =	simm.s32 @p1 $0x1  }
0x15: {  	[smem:$0x3FA9] =	sst s0;
	s0 =	simm.s32 @!p2 $0x0  }
0x16: {  	s3 =	sld [smem:$0x3FDB];
	s0 =	simm.s32 @p2 $0x1  }
0x17: {  	s4 =	simm.s32 $0x1BF5;
	[smem:$0x3FAB] =	sst s0  }
0x18: {  	s0 =	sld [smem:$0x3F8E];
	_ =	swait.ge [sflag:s4], $0x0  }
0x19: {  	s7 =	sld [smem:$0x3F8F]  }
0x1a: {  	s8 =	sadd.s32 $0xFFFFE003, lr  }
0x1b: {  	s9 =	sadd.s32 $0xFFFFFEF7, lr;
	s5 =	simm.s32 $0xFFFFFFFF;
	p2 =	slt.u32 s8, $0xFFFFF086  }
0x1c: {  	p1 =	slt.u32 s9, $0xF7A;
	s5 =	simm.s32 @!p2 $0x0  }
0x1d: {  	s5 =	simm.s32 @p1 $0x1;
	p0 =	seq.s32 s7, s2  }
0x1e: {  	s7 =	smul.u32 @!p0 $0xF7A, s2;
	p2 =	seq.s32 @!p0 s5, $0x0  }
0x1f: {  	s9 =	smul.u32 $0xF7A, s1;
	s8 =	simm.s32 @!p0 $0x1BF5;
	p2 =	por !p2, p0  }
0x20: {  	[sflag:s8] =	ssyncset.s32 @!p0 $0xFFFFF086;
	s6 =	sadd.s32 @!p0 s3, s7;
	s7 =	simm.s32 @!p0 $0x108  }
0x21: {  	s3 =	sadd.s32 s3, s9;
	s6 =	sadd.s32 @!p0 $0x88, s6;
	s7 =	simm.s32 @p2 $0x1082  }
0x22: {  	[simem:s7], [sflag:s8] =	dma.local @!p0 [hbm:s6], $0xF7A  }
0x23: {  	s9 =	sor.u32 $0xD0000000, s2;
	s6 =	simm.s32 $0x108;
	_ =	swait.ge @!p0 [sflag:s8], $0x0  }
0x24: {  	s3 =	sadd.s32 $0x88, s3;
	s6 =	simm.s32 @!p1 $0x1082;
	[sflag:s4] =	ssyncset.s32 $0xFFFFF086  }
0x25: {  	[simem:s6], [sflag:s4] =	dma.local [hbm:s3], $0xF7A  }
0x26: {  	[smem:$0x3F8F] =	sst s1;
	(tag) =	ssettag s2;
	_ =	strace s9  }
0x27: {  	s1 =	sld [smem:$0x3F9F]  }
0x28: {  	s2 =	sld [smem:$0x3FA0]  }
0x29: {  	s4 =	sld [smem:$0x3FA2]  }
0x2a: {  	p0 =	seq.s32 s5, $0x0;
	s5 =	sld [smem:$0x3FA3]  }
0x2b: {  	s6 =	sld [smem:$0x3FA4]  }
0x2c: {  	s7 =	sld [smem:$0x3FA5]  }
0x2d: {  	s3 =	simm.s32 $0x108;
	s8 =	sld [smem:$0x3FA6]  }
0x2e: {  	s3 =	simm.s32 @!p0 $0x1082;
	s9 =	sld [smem:$0x3FA7]  }
0x2f: {  	lr =	sadd.s32 s0, s3;
	s0 =	sld [smem:$0x3F9E]  }
0x30: {  	s3 =	sld [smem:$0x3FA1]  }
0x31: {  	[smem:$0x3FAA] =	sst s10  }
0x32: {  	s10 =	sld [smem:$0x3FA8];
	_ =	sdelay $0x3  }
0x33: {  	p0 =	seq.s32 s10, $0x1;
	s10 =	sld [smem:$0x3FAA];
	_ =	sdelay $0x3  }
0x34: {  	[smem:$0x3FAA] =	sst s10  }
0x35: {  	s10 =	sld [smem:$0x3FA9];
	_ =	sdelay $0x3  }
0x36: {  	p1 =	seq.s32 s10, $0x1;
	s10 =	sld [smem:$0x3FAA];
	_ =	sdelay $0x3  }
0x37: {  	[smem:$0x3FAA] =	sst s10  }
0x38: {  	s10 =	sld [smem:$0x3FAB]  }
0x39: {  	_ = 	snop;
	(pc) =	sbr.ind lr, $3  }
0x3a: {  	_ = 	snop  }
0x3b: {  	_ = 	snop  }
0x3c: {  	p2 =	seq.s32 s10, $0x1;
	s10 =	sld [smem:$0x3FAA]  }
0x3d: {  	_ =	shalt  }
0x3e: {  	_ =	shalt  }
0x3f: {  	_ =	shalt  }
0x40: {  	_ =	shalt  }
0x41: {  	_ =	shalt  }
0x42: {  	_ =	shalt  }
0x43: {  	_ =	shalt  }
0x44: {  	_ =	shalt  }
0x45: {  	_ =	shalt  }
0x46: {  	_ =	shalt  }
0x47: {  	_ =	shalt  }
0x48: {  	_ =	shalt  }
0x49: {  	_ =	shalt  }
0x4a: {  	_ =	shalt  }
0x4b: {  	_ =	shalt  }
0x4c: {  	_ =	shalt  }
0x4d: {  	_ =	shalt  }
0x4e: {  	_ =	shalt  }
0x4f: {  	_ =	shalt  }
0x50: {  	_ =	shalt  }
0x51: {  	_ =	shalt  }
0x52: {  	_ =	shalt  }
0x53: {  	_ =	shalt  }
0x54: {  	_ =	shalt  }
0x55: {  	_ =	shalt  }
0x56: {  	_ =	shalt  }
0x57: {  	_ =	shalt  }
0x58: {  	_ =	shalt  }
0x59: {  	_ =	shalt  }
0x5a: {  	_ =	shalt  }
0x5b: {  	_ =	shalt  }
0x5c: {  	_ =	shalt  }
0x5d: {  	_ =	shalt  }
0x5e: {  	_ =	shalt  }
0x5f: {  	_ =	shalt  }
0x60: {  	_ =	shalt  }
0x61: {  	_ =	shalt  }
0x62: {  	_ =	shalt  }
0x63: {  	_ =	shalt  }
0x64: {  	_ =	shalt  }
0x65: {  	_ =	shalt  }
0x66: {  	_ =	shalt  }
0x67: {  	_ =	shalt  }
0x68: {  	_ =	shalt  }
0x69: {  	_ =	shalt  }
0x6a: {  	_ =	shalt  }
0x6b: {  	_ =	shalt  }
0x6c: {  	_ =	shalt  }
0x6d: {  	_ =	shalt  }
0x6e: {  	_ =	shalt  }
0x6f: {  	_ =	shalt  }
0x70: {  	_ =	shalt  }
0x71: {  	_ =	shalt  }
0x72: {  	_ =	shalt  }
0x73: {  	_ =	shalt  }
0x74: {  	_ =	shalt  }
0x75: {  	_ =	shalt  }
0x76: {  	_ =	shalt  }
0x77: {  	_ =	shalt  }
0x78: {  	_ =	shalt  }
0x79: {  	_ =	shalt  }
0x7a: {  	_ =	shalt  }
0x7b: {  	_ =	shalt  }
0x7c: {  	_ =	shalt  }
0x7d: {  	_ =	shalt  }
0x7e: {  	_ =	shalt  }
0x7f: {  	_ =	shalt  }
0x80: {  	_ =	shalt  }
0x81: {  	_ =	shalt  }
0x82: {  	_ =	shalt  }
0x83: {  	_ =	shalt  }
0x84: {  	_ =	shalt  }
0x85: {  	_ =	shalt  }
0x86: {  	_ =	shalt  }
0x87: {  	_ =	shalt  }
.Lfunc_end0:
.L_simem_size_0:
called_computation_lowered:
.L_overlay_start_0:
0x88: {  	s2 =	sld [smem:$0x3FD9]  }
0x89: {  	s3 =	sld [smem:$0x3FFE];
	_ =	sdelay $0x1  }
0x8a: {  	s1 =	srdreg.scid  }
0x8b: {  	s0 =	sand.u32 $0x1, s1  }
0x8c: {  	s17 =	sshll.u32 s0, $0xA;
	s2 =	sadd.s32 s3, s2  }
0x8d: {  	s2 =	sadd.s32 s2, s17  }
0x8e: {  	[smem:$0x3FB6] =	sst s2  }
0x8f: {  	_ = 	snop  }
0x90: {  	s2 =	sld [smem:$0x3FD0];
	(tm) =	ssettm $0x1  }
0x91: {  	s18 =	sld [smem:$0x3FFB];
	_ =	sdelay $0x3  }
0x92: {  	_ =	strace s18  }
0x93: {  	s3 =	sld [smem:$0x3FFC];
	_ =	sdelay $0x3  }
0x94: {  	_ =	strace s3  }
0x95: {  	s3 =	sld [smem:$0x3FFD];
	_ =	sdelay $0x3  }
0x96: {  	_ =	strace s3  }
0x97: {  	_ =	strace $0x8FFFFFFF  }
0x98: {  	s19 =	sld [smem:$0x3FDB];
	_ =	sdelay $0x1  }
0x99: {  	s4 =	simm.s32 $_scs_section_size  }
0x9a: {  	s5 =	simm.s32 $_size__tile_overlayer_lowered;
	s6 =	simm.s32 $_tile_overlayer_lowered  }
0x9b: {  	s22 =	simm.s32 $0x1BFF;
	s21 =	sshll.u32 s6, $0x1;
	s3 =	sadd.s32 s4, s19  }
0x9c: {  	s7 =	simm.s32 $0x0;
	s20 =	sshll.u32 s5, $0x1;
	s5 =	sadd.s32 s21, s3  }
0x9d: {  	[timem:s7], [sflag:s22] =	dma.local [hbm:s5], s20  }
0x9e: {  	_ =	swait.ge [sflag:s22], s20  }
0x9f: {  	s4 =	ssub.s32 $0x0, s20;
	[sflag:s22] =	ssyncset.done $0x0  }
0xa0: {  	[sflag:s22] =	ssyncadd.s32 s4;
	_ =	sdelay $0x1  }
0xa1: {  	s23 =	simm.s32 $0x1B8B  }
0xa2: {  	_ =	swait.ge [sflag:s23], $0x1  }
0xa3: {  	[sflag:s23] =	ssyncset.done $0x0  }
0xa4: {  	s25 =	simm.s32 $0x1B8E;
	s24 =	sld [smem:$0x3FFE];
	[sflag:s23] =	ssyncadd.s32 $0xFFFFFFFF  }
0xa5: {  	s26 =	simm.s32 $execute0_lowered;
	[smem:$0x3FD2] =	sst s25  }
0xa6: {  	s5 =	sshll.u32 s26, $0x1;
	_ =	strace $0x80000046;
	[dreg:$0x1] =	wrdreg $0xFFFFFFFF  }
0xa7: {  	s28 =	simm.s32 $_size_execute0_lowered;
	s3 =	sadd.s32 s3, s5;
	[dreg:$0x0] =	wrdreg $0x0  }
0xa8: {  	s5 =	sshll.u32 s28, $0x1;
	[dreg:$0x2] =	wrdreg s3  }
0xa9: {  	[dreg:$0x3] =	wrdreg s5  }
0xaa: {  	[dreg:$0x4] =	wrdreg $0xC0  }
0xab: {  	_ =	task [dreg:s7], $0x5FFFF  }
0xac: {  	[dreg:$0x1] =	wrdreg $0xFFFFFFFF  }
0xad: {  	[dreg:$0x0] =	wrdreg $0x60  }
0xae: {  	[dreg:$0x2] =	wrdreg s24  }
0xaf: {  	[dreg:$0x3] =	wrdreg s2  }
0xb0: {  	[dreg:$0x4] =	wrdreg $0xA0000  }
0xb1: {  	[dreg:$0x5] =	wrdreg $0x9  }
0xb2: {  	_ =	task.clear_ibuf [dreg:s7], $0x6FFFF;
	_ =	strace $0x90000046  }
0xb3: {  	s29 =	simm.s32 $0x9;
	_ =	strace $0x80000048  }
0xb4: {  	_ =	swait.ge [sflag:s29], $0x1  }
0xb5: {  	[sflag:s29] =	ssyncadd.s32 $0xFFFFFFFF  }
0xb6: {  	_ =	strace $0x90000048  }
0xb7: {  	_ =	sfence  }
0xb8: {  	s30 =	sld [smem:$0x0];
	_ =	sdelay $0x2  }
0xb9: {  	s31 =	sshll.u32 s1, $0xD;
	s1 =	sshrl.u32 s1, $0x2  }
0xba: {  	s3 =	sand.u32 $0x4000, s31;
	s1 =	sadd.s32 s1, s30  }
0xbb: {  	s0 =	sor.u32 s3, s0;
	s1 =	sshll.u32 s1, $0x11  }
0xbc: {  	s0 =	sor.u32 s1, s0  }
0xbd: {  	s0 =	sadd.s32 $0x8F2B, s0  }
0xbe: {  	[sflag:s0] =	ssyncadd.remote.s32 $0x1  }
0xbf: {  	_ =	sfence.sel $0xFFFF  }
0xc0: {  	[dreg:$0x0] =	wrdreg $0xFFFFFFFF;
	(pc) =	sbr.abs _section_cstart, $3  }
0xc1: {  	[dreg:$0x1] =	wrdreg $0xFFFFFFFF  }
0xc2: {  	_ =	task.clear_ibuf [dreg:s7], $0x2FFFF;
	_ =	strace $0x9FFFFFFF  }
0xc3: {  	(tm) =	ssettm $0x7FFFFFFF  }
tec
execute0_lowered:
.L_overlay_start_1:
0x0: {  	(tag) =	ssettag $0x1  }
0x1: {  	s7 =	rddreg [dreg:$0x0]  }
0x2: {  	s22 =	rddreg [dreg:$0x1]  }
0x3: {  	s1 =	rddreg [dreg:$0x2]  }
0x4: {  	s0 =	rddreg [dreg:$0x3];
	s2 =	simm.s32 $0x0;
	s6 =	srdreg.scid  }
0x5: {  	s4 =	stileid.u32;
	s16 =	simm.s32 $0x1C00;
	s17 =	simm.s32 $0x64  }
0x6: {  	s18 =	simm.s32 $0x3800;
	s19 =	simm.s32 $0x6C00;
	s20 =	simm.s32 $0x1  }
0x7: {  	s21 =	simm.s32 $0x3400;
	[smem:$0x7FF] =	sst s2;
	s3 =	sadd.s32 $0x38A00, s7  }
0x8: {  	s5 =	sadd.s32 $0x11800, s7;
	s10 =	sadd.s32 $0xA800, s7;
	s11 =	sadd.s32 $0x3800, s7  }
0x9: {  	s12 =	sand.u32 $0x1, s6;
	s6 =	sadd.s32 $0x5FC00, s7;
	s9 =	smul.u32 $0x50000, s4  }
0xa: {  	s23 =	sadd.s32 $0x62400, s7;
	s13 =	smul.u32 $0x3800, s4;
	s31 =	sshll.u32 s4, $0x6  }
0xb: {  	s24 =	smul.u32 $0x2800, s4;
	_ =	strace $0x80000047;
	s8 =	ssub.s32 $0x2, s12  }
0xc: {  	s7 =	sor.u32 $0x1C02, s31;
	p0 =	seq.s32 s12, $0x0;
	s12 =	smov.u32 s5  }
0xd: {  	s29 =	sshrl.u32 s8, $0x1;
	s30 =	sshrl.u32 s9, $0x2;
	s13 =	sshrl.u32 s13, $0x3  }
0xe: {  	s12 =	smov.u32 @p0 s3;
	s23 =	smov.u32 @p0 s22;
	s22 =	simm.s32 $0x3480  }
0xf: {  	s14 =	ssub.s32 s8, s29;
	s15 =	sadd.s32 s30, s1;
	s8 =	sadd.s32 s10, s13  }
0x10: {  	s9 =	sadd.s32 s11, s13;
	s13 =	sadd.s32 $0x380, s13;
	s23 =	sadd.s32 s23, s24  }
0x11: {  	s24 =	simm.s32 $0x0;
	s10 =	sadd.s32 s10, s13;
	s11 =	sadd.s32 s11, s13  }
0x12: {  	s13 =	smax.u32 s14, $0x1;
	s14 =	sshrl.u32 s15, $0x3;
	s15 =	simm.s32 $0x2  }
.LBB2_1:
0x13: {  	[spmem:s14], [sflag:s7] =	dma.local [hbm:s6], $0x2800  }
0x14: {  	_ =	swait.ge [sflag:s15], $0x2800  }
0x15: {  	[sflag:s15] =	ssyncset.done $0x0  }
0x16: {  	[sflag:s15] =	ssyncadd.s32 $0xFFFFD800  }
0x17: {  	[bflag:$0x0] =	sbarrier.arrive $0xFFFF  }
0x18: {  	[tilespmem:s2], [sflag:$0x2] =	stream.linear.gather [hbm4b:s8+s2], $0x1900, $0x38;
	[tilespmem:$0x1E000] =	vst v63  }
0x19: {  	_ =	swait.ge [sflag:s15], $0x1900  }
0x1a: {  	[sflag:s15] =	ssyncset.done $0x0  }
0x1b: {  	[sflag:s15] =	ssyncadd.s32 $0xFFFFE700  }
0x1c: {  	[tilespmem:s16], [sflag:$0x2] =	stream.linear.gather [hbm4b:s9+s2], $0x1900, $0x38;
	[tilespmem:$0x1E000] =	vst v63  }
0x1d: {  	_ =	swait.ge [sflag:s15], $0x1900  }
0x1e: {  	[sflag:s15] =	ssyncset.done $0x0  }
0x1f: {  	[sflag:s15] =	ssyncadd.s32 $0xFFFFE700  }
0x20: {  	[tilespmem:s18], [sflag:$0x1] =	stream.indirect.gather [hbm4b:s12+s17], $0x80, s2, s17, $0xb8;
	[tilespmem:$0x1E000] =	vst v63  }
0x21: {  	s25 =	simm.s32 $0x80  }
0x22: {  	[tilespmem:s19], [sflag:$0x1] =	stream.indirect.gather [hbm4b:s12+s17], $0x80, s25, s17, $0xb8;
	[tilespmem:$0x1E000] =	vst v63  }
0x23: {  	_ =	swait.ge [sflag:s20], $0x3200  }
0x24: {  	[sflag:s20] =	ssyncset.done $0x0  }
0x25: {  	s29 =	simm.s32 $0x1C00;
	[sflag:s20] =	ssyncadd.s32 $0xFFFFCE00  }
0x26: {  	[spmem:s1] =	stream.indirect.scatter.add.f32 [tilespmem:s18], [sflag:$0x2], $0x80, s29, s17, $0xb8;
	[tilespmem:$0x1E000] =	vst v63  }
0x27: {  	_ =	swait.ge [sflag:s15], $0x3200  }
0x28: {  	[sflag:s15] =	ssyncset.done $0x0  }
0x29: {  	s30 =	simm.s32 $0x100;
	[sflag:s15] =	ssyncadd.s32 $0xFFFFCE00  }
0x2a: {  	[tilespmem:s18], [sflag:$0x1] =	stream.indirect.gather [hbm4b:s12+s17], $0x80, s30, s17, $0xb8;
	[tilespmem:$0x1E000] =	vst v63  }
0x2b: {  	_ =	swait.ge [sflag:s20], $0x3200  }
0x2c: {  	[sflag:s20] =	ssyncset.done $0x0  }
0x2d: {  	s31 =	simm.s32 $0x1C80;
	[sflag:s20] =	ssyncadd.s32 $0xFFFFCE00  }
0x2e: {  	[spmem:s1] =	stream.indirect.scatter.add.f32 [tilespmem:s19], [sflag:$0x2], $0x80, s31, s17, $0xb8;
	[tilespmem:$0x1E000] =	vst v63  }
0x2f: {  	_ =	swait.ge [sflag:s15], $0x3200  }
0x30: {  	s26 =	simm.s32 $0x800;
	s25 =	simm.s32 $0x100;
	[sflag:s15] =	ssyncset.done $0x0  }
.LBB2_2:
0x31: {  	s28 =	sadd.s32 $0x80, s25  }
0x32: {  	[sflag:s15] =	ssyncadd.s32 $0xFFFFCE00;
	s29 =	smov.u32 s26;
	s30 =	sadd.s32 $0x400, s26  }
0x33: {  	[tilespmem:s19], [sflag:$0x1] =	stream.indirect.gather [hbm4b:s12+s17], $0x80, s28, s17, $0xb8;
	[tilespmem:$0x1E000] =	vst v63  }
0x34: {  	p1 =	sne.s32 s26, $0x5C00;
	_ =	swait.ge [sflag:s20], $0x3200  }
0x35: {  	[sflag:s20] =	ssyncset.done $0x0  }
0x36: {  	s26 =	sadd.s32 $0x1C00, s25;
	[sflag:s20] =	ssyncadd.s32 $0xFFFFCE00  }
0x37: {  	[spmem:s1] =	stream.indirect.scatter.add.f32 [tilespmem:s18], [sflag:$0x2], $0x80, s26, s17, $0xb8;
	[tilespmem:$0x1E000] =	vst v63  }
0x38: {  	_ =	swait.ge [sflag:s15], $0x3200  }
0x39: {  	[sflag:s15] =	ssyncset.done $0x0  }
0x3a: {  	s26 =	sadd.s32 $0x100, s25;
	[sflag:s15] =	ssyncadd.s32 $0xFFFFCE00  }
0x3b: {  	[tilespmem:s18], [sflag:$0x1] =	stream.indirect.gather [hbm4b:s12+s17], $0x80, s26, s17, $0xb8;
	[tilespmem:$0x1E000] =	vst v63  }
0x3c: {  	_ =	swait.ge [sflag:s20], $0x3200  }
.Ltmp0:
0x3d: {  	[sflag:s20] =	ssyncset.done $0x0;
	(pc) =	sbr.rel @p1 .LBB2_2-.Ltmp0, $4  }
0x3e: {  	s25 =	sadd.s32 $0x1C80, s25;
	[sflag:s20] =	ssyncadd.s32 $0xFFFFCE00  }
0x3f: {  	[spmem:s1] =	stream.indirect.scatter.add.f32 [tilespmem:s19], [sflag:$0x2], $0x80, s25, s17, $0xb8;
	[tilespmem:$0x1E000] =	vst v63  }
0x40: {  	_ =	swait.ge [sflag:s15], $0x3200  }
0x41: {  	s26 =	smov.u32 s30;
	s25 =	sshra.s32 s29, $0x2;
	[sflag:s15] =	ssyncset.done $0x0  }
0x42: {  	s26 =	sadd.s32 $0x80, s25;
	[sflag:s15] =	ssyncadd.s32 $0xFFFFCE00  }
0x43: {  	[tilespmem:s19], [sflag:$0x1] =	stream.indirect.gather [hbm4b:s12+s17], $0x80, s26, s17, $0xb8;
	[tilespmem:$0x1E000] =	vst v63  }
0x44: {  	_ =	swait.ge [sflag:s20], $0x3200  }
0x45: {  	[sflag:s20] =	ssyncset.done $0x0  }
0x46: {  	s29 =	sadd.s32 $0x1C00, s25;
	[sflag:s20] =	ssyncadd.s32 $0xFFFFCE00  }
0x47: {  	[spmem:s1] =	stream.indirect.scatter.add.f32 [tilespmem:s18], [sflag:$0x2], $0x80, s29, s17, $0xb8;
	[tilespmem:$0x1E000] =	vst v63  }
0x48: {  	_ =	swait.ge [sflag:s15], $0x3200  }
0x49: {  	[sflag:s15] =	ssyncset.done $0x0  }
0x4a: {  	s30 =	sadd.s32 $0x100, s25;
	[sflag:s15] =	ssyncadd.s32 $0xFFFFCE00  }
0x4b: {  	[tilespmem:s18], [sflag:$0x1] =	stream.indirect.gather [hbm4b:s12+s17], $0x80, s30, s17, $0xb8;
	[tilespmem:$0x1E000] =	vst v63  }
0x4c: {  	_ =	swait.ge [sflag:s20], $0x3200  }
0x4d: {  	[sflag:s20] =	ssyncset.done $0x0  }
0x4e: {  	s31 =	sadd.s32 $0x1C80, s25;
	[sflag:s20] =	ssyncadd.s32 $0xFFFFCE00  }
0x4f: {  	[spmem:s1] =	stream.indirect.scatter.add.f32 [tilespmem:s19], [sflag:$0x2], $0x80, s31, s17, $0xb8;
	[tilespmem:$0x1E000] =	vst v63  }
0x50: {  	_ =	swait.ge [sflag:s15], $0x3200  }
0x51: {  	s25 =	simm.s32 @p0 $0x64;
	[sflag:s15] =	ssyncset.done $0x0  }
0x52: {  	s28 =	simm.s32 @p0 $0x6C00;
	s26 =	simm.s32 @p0 $0x1880;
	[sflag:s15] =	ssyncadd.s32 $0xFFFFCE00  }
0x53: {  	[tilespmem:s28], [sflag:$0x1] =	stream.indirect.gather @p0 [hbm4b:s3+s25], $0x80, s26, s25, $0xb8;
	[tilespmem:$0x1E000] =	vst v63  }
0x54: {  	s25 =	simm.s32 @!p0 $0x64;
	s26 =	simm.s32 @!p0 $0x1880;
	s28 =	simm.s32 @!p0 $0x6C00  }
0x55: {  	[tilespmem:s28], [sflag:$0x1] =	stream.indirect.gather @!p0 [hbm4b:s5+s25], $0x80, s26, s25, $0xb8;
	[tilespmem:$0x1E000] =	vst v63  }
0x56: {  	_ =	swait.ge [sflag:s20], $0x3200  }
0x57: {  	[sflag:s20] =	ssyncset.done $0x0  }
0x58: {  	[sflag:s20] =	ssyncadd.s32 $0xFFFFCE00  }
0x59: {  	[spmem:s1] =	stream.indirect.scatter.add.f32 [tilespmem:s18], [sflag:$0x2], $0x80, s21, s17, $0xb8;
	[tilespmem:$0x1E000] =	vst v63  }
0x5a: {  	_ =	swait.ge [sflag:s15], $0x3200  }
0x5b: {  	[sflag:s15] =	ssyncset.done $0x0  }
0x5c: {  	[sflag:s15] =	ssyncadd.s32 $0xFFFFCE00  }
0x5d: {  	_ =	swait.ge [sflag:s20], $0x3200  }
0x5e: {  	[sflag:s20] =	ssyncset.done $0x0  }
0x5f: {  	[sflag:s20] =	ssyncadd.s32 $0xFFFFCE00  }
0x60: {  	[spmem:s1] =	stream.indirect.scatter.add.f32 [tilespmem:s19], [sflag:$0x2], $0x80, s22, s17, $0xb8;
	[tilespmem:$0x1E000] =	vst v63  }
0x61: {  	_ =	swait.ge [sflag:s15], $0x3200  }
0x62: {  	[sflag:s15] =	ssyncset.done $0x0  }
0x63: {  	s26 =	simm.s32 $0x0;
	[sflag:s15] =	ssyncadd.s32 $0xFFFFCE00  }
0x64: {  	[tilespmem:s26], [sflag:$0x2] =	stream.linear.gather [hbm4b:s10+s26], $0x1900, $0x38;
	[tilespmem:$0x1E000] =	vst v63  }
0x65: {  	_ =	swait.ge [sflag:s15], $0x1900  }
0x66: {  	[sflag:s15] =	ssyncset.done $0x0  }
0x67: {  	[sflag:s15] =	ssyncadd.s32 $0xFFFFE700  }
0x68: {  	[tilespmem:s16], [sflag:$0x2] =	stream.linear.gather [hbm4b:s11+s26], $0x1900, $0x38;
	[tilespmem:$0x1E000] =	vst v63  }
0x69: {  	_ =	swait.ge [sflag:s15], $0x1900  }
0x6a: {  	[sflag:s15] =	ssyncset.done $0x0  }
0x6b: {  	[sflag:s15] =	ssyncadd.s32 $0xFFFFE700  }
0x6c: {  	[tilespmem:s18], [sflag:$0x1] =	stream.indirect.gather [hbm4b:s12+s17], $0x80, s26, s17, $0xb8;
	[tilespmem:$0x1E000] =	vst v63  }
0x6d: {  	s28 =	simm.s32 $0x80  }
0x6e: {  	[tilespmem:s19], [sflag:$0x1] =	stream.indirect.gather [hbm4b:s12+s17], $0x80, s28, s17, $0xb8;
	[tilespmem:$0x1E000] =	vst v63  }
0x6f: {  	_ =	swait.ge [sflag:s20], $0x3200  }
0x70: {  	[sflag:s20] =	ssyncset.done $0x0  }
0x71: {  	s29 =	simm.s32 $0x1C00;
	[sflag:s20] =	ssyncadd.s32 $0xFFFFCE00  }
0x72: {  	[spmem:s1] =	stream.indirect.scatter.add.f32 [tilespmem:s18], [sflag:$0x2], $0x80, s29, s17, $0xb8;
	[tilespmem:$0x1E000] =	vst v63  }
0x73: {  	_ =	swait.ge [sflag:s15], $0x3200  }
0x74: {  	[sflag:s15] =	ssyncset.done $0x0  }
0x75: {  	s30 =	simm.s32 $0x100;
	[sflag:s15] =	ssyncadd.s32 $0xFFFFCE00  }
0x76: {  	[tilespmem:s18], [sflag:$0x1] =	stream.indirect.gather [hbm4b:s12+s17], $0x80, s30, s17, $0xb8;
	[tilespmem:$0x1E000] =	vst v63  }
0x77: {  	_ =	swait.ge [sflag:s20], $0x3200  }
0x78: {  	[sflag:s20] =	ssyncset.done $0x0  }
0x79: {  	s31 =	simm.s32 $0x1C80;
	[sflag:s20] =	ssyncadd.s32 $0xFFFFCE00  }
0x7a: {  	[spmem:s1] =	stream.indirect.scatter.add.f32 [tilespmem:s19], [sflag:$0x2], $0x80, s31, s17, $0xb8;
	[tilespmem:$0x1E000] =	vst v63  }
0x7b: {  	_ =	swait.ge [sflag:s15], $0x3200  }
0x7c: {  	s25 =	simm.s32 $0x100;
	s26 =	simm.s32 $0x800;
	[sflag:s15] =	ssyncset.done $0x0  }
.LBB2_4:
0x7d: {  	s28 =	sadd.s32 $0x80, s25  }
0x7e: {  	[sflag:s15] =	ssyncadd.s32 $0xFFFFCE00;
	s29 =	smov.u32 s26;
	s30 =	sadd.s32 $0x400, s26  }
0x7f: {  	[tilespmem:s19], [sflag:$0x1] =	stream.indirect.gather [hbm4b:s12+s17], $0x80, s28, s17, $0xb8;
	[tilespmem:$0x1E000] =	vst v63  }
0x80: {  	p1 =	sne.s32 s26, $0x5C00;
	_ =	swait.ge [sflag:s20], $0x3200  }
0x81: {  	[sflag:s20] =	ssyncset.done $0x0  }
0x82: {  	s26 =	sadd.s32 $0x1C00, s25;
	[sflag:s20] =	ssyncadd.s32 $0xFFFFCE00  }
0x83: {  	[spmem:s1] =	stream.indirect.scatter.add.f32 [tilespmem:s18], [sflag:$0x2], $0x80, s26, s17, $0xb8;
	[tilespmem:$0x1E000] =	vst v63  }
0x84: {  	_ =	swait.ge [sflag:s15], $0x3200  }
0x85: {  	[sflag:s15] =	ssyncset.done $0x0  }
0x86: {  	s26 =	sadd.s32 $0x100, s25;
	[sflag:s15] =	ssyncadd.s32 $0xFFFFCE00  }
0x87: {  	[tilespmem:s18], [sflag:$0x1] =	stream.indirect.gather [hbm4b:s12+s17], $0x80, s26, s17, $0xb8;
	[tilespmem:$0x1E000] =	vst v63  }
0x88: {  	_ =	swait.ge [sflag:s20], $0x3200  }
.Ltmp1:
0x89: {  	[sflag:s20] =	ssyncset.done $0x0;
	(pc) =	sbr.rel @p1 .LBB2_4-.Ltmp1, $4  }
0x8a: {  	s25 =	sadd.s32 $0x1C80, s25;
	[sflag:s20] =	ssyncadd.s32 $0xFFFFCE00  }
0x8b: {  	[spmem:s1] =	stream.indirect.scatter.add.f32 [tilespmem:s19], [sflag:$0x2], $0x80, s25, s17, $0xb8;
	[tilespmem:$0x1E000] =	vst v63  }
0x8c: {  	_ =	swait.ge [sflag:s15], $0x3200  }
0x8d: {  	s26 =	smov.u32 s30;
	s25 =	sshra.s32 s29, $0x2;
	[sflag:s15] =	ssyncset.done $0x0  }
0x8e: {  	s26 =	sadd.s32 $0x80, s25;
	[sflag:s15] =	ssyncadd.s32 $0xFFFFCE00  }
0x8f: {  	[tilespmem:s19], [sflag:$0x1] =	stream.indirect.gather [hbm4b:s12+s17], $0x80, s26, s17, $0xb8;
	[tilespmem:$0x1E000] =	vst v63  }
0x90: {  	_ =	swait.ge [sflag:s20], $0x3200  }
0x91: {  	[sflag:s20] =	ssyncset.done $0x0  }
0x92: {  	s29 =	sadd.s32 $0x1C00, s25;
	[sflag:s20] =	ssyncadd.s32 $0xFFFFCE00  }
0x93: {  	[spmem:s1] =	stream.indirect.scatter.add.f32 [tilespmem:s18], [sflag:$0x2], $0x80, s29, s17, $0xb8;
	[tilespmem:$0x1E000] =	vst v63  }
0x94: {  	_ =	swait.ge [sflag:s15], $0x3200  }
0x95: {  	[sflag:s15] =	ssyncset.done $0x0  }
0x96: {  	s30 =	sadd.s32 $0x100, s25;
	[sflag:s15] =	ssyncadd.s32 $0xFFFFCE00  }
0x97: {  	[tilespmem:s18], [sflag:$0x1] =	stream.indirect.gather [hbm4b:s12+s17], $0x80, s30, s17, $0xb8;
	[tilespmem:$0x1E000] =	vst v63  }
0x98: {  	_ =	swait.ge [sflag:s20], $0x3200  }
0x99: {  	[sflag:s20] =	ssyncset.done $0x0  }
0x9a: {  	s31 =	sadd.s32 $0x1C80, s25;
	[sflag:s20] =	ssyncadd.s32 $0xFFFFCE00  }
0x9b: {  	[spmem:s1] =	stream.indirect.scatter.add.f32 [tilespmem:s19], [sflag:$0x2], $0x80, s31, s17, $0xb8;
	[tilespmem:$0x1E000] =	vst v63  }
0x9c: {  	_ =	swait.ge [sflag:s15], $0x3200  }
0x9d: {  	s25 =	simm.s32 @p0 $0x64;
	[sflag:s15] =	ssyncset.done $0x0  }
0x9e: {  	s28 =	simm.s32 @p0 $0x6C00;
	s26 =	simm.s32 @p0 $0x1880;
	[sflag:s15] =	ssyncadd.s32 $0xFFFFCE00  }
0x9f: {  	[tilespmem:s28], [sflag:$0x1] =	stream.indirect.gather @p0 [hbm4b:s3+s25], $0x80, s26, s25, $0xb8;
	[tilespmem:$0x1E000] =	vst v63  }
0xa0: {  	s25 =	simm.s32 @!p0 $0x64;
	s26 =	simm.s32 @!p0 $0x1880;
	s28 =	simm.s32 @!p0 $0x6C00  }
0xa1: {  	[tilespmem:s28], [sflag:$0x1] =	stream.indirect.gather @!p0 [hbm4b:s5+s25], $0x80, s26, s25, $0xb8;
	[tilespmem:$0x1E000] =	vst v63  }
0xa2: {  	_ =	swait.ge [sflag:s20], $0x3200  }
0xa3: {  	[sflag:s20] =	ssyncset.done $0x0  }
0xa4: {  	[sflag:s20] =	ssyncadd.s32 $0xFFFFCE00  }
0xa5: {  	[spmem:s1] =	stream.indirect.scatter.add.f32 [tilespmem:s18], [sflag:$0x2], $0x80, s21, s17, $0xb8;
	[tilespmem:$0x1E000] =	vst v63  }
0xa6: {  	_ =	swait.ge [sflag:s15], $0x3200  }
0xa7: {  	[sflag:s15] =	ssyncset.done $0x0  }
0xa8: {  	[sflag:s15] =	ssyncadd.s32 $0xFFFFCE00  }
0xa9: {  	_ =	swait.ge [sflag:s20], $0x3200  }
0xaa: {  	[sflag:s20] =	ssyncset.done $0x0  }
0xab: {  	[sflag:s20] =	ssyncadd.s32 $0xFFFFCE00  }
0xac: {  	[spmem:s1] =	stream.indirect.scatter.add.f32 [tilespmem:s19], [sflag:$0x2], $0x80, s22, s17, $0xb8;
	[tilespmem:$0x1E000] =	vst v63  }
0xad: {  	_ =	swait.ge [sflag:s15], $0x3200  }
0xae: {  	s24 =	sadd.s32 $0x1, s24;
	[sflag:s15] =	ssyncset.done $0x0  }
0xaf: {  	p1 =	sne.s32 s24, s13;
	[sflag:s15] =	ssyncadd.s32 $0xFFFFCE00  }
.Ltmp2:
0xb0: {  	[bflag:$0x0] =	sbarrier.arrive $0xFFFF;
	(pc) =	sbr.rel @p1 .LBB2_1-.Ltmp2, $4  }
0xb1: {  	[hbm:s23], [sflag:s7] =	dma.local [spmem:s14], $0x2800  }
0xb2: {  	_ =	swait.ge [sflag:s15], $0x2800  }
0xb3: {  	[sflag:s15] =	ssyncset.done $0x0  }
0xb4: {  	[sflag:s15] =	ssyncadd.s32 $0xFFFFD800  }
0xb5: {  	_ =	sfence.sel $0x180000  }
0xb6: {  	[bflag:$0x0] =	sbarrier.arrive $0xFFFF  }
0xb7: {  	p0 =	sne.s32 s4, $0x0;
	_ =	strace $0x90000047  }
0xb8: {  	s0 =	sadd.s32 @!p0 $0x100000, s0;
	[bflag:$0x2] =	sbarrier.arrive $0xFFFF  }
0xb9: {  	[sflag:s0] =	ssyncadd.tile.s32 @!p0 $0x1;
	_ =	shalt  }
.Lfunc_end2:
_tile_overlayer_lowered:
.L_overlay_start_2:
0xba: {  	(tag) =	ssettag $0x2  }
0xbb: {  	s0 =	rddreg [dreg:$0x0];
	s2 =	stileid.u32  }
0xbc: {  	s1 =	rddreg [dreg:$0x1];
	p0 =	sne.s32 s2, $0x0  }
0xbd: {  	s3 =	rddreg [dreg:$0x2];
	[bflag:$0x3] =	sbarrier.arrive $0xFFFF;
	s2 =	simm.s32 @!p0 $0x1C02  }
0xbe: {  	[timem:s3], [sflag:s2] =	dma.local @!p0 [hbm:s0], s1  }
0xbf: {  	s0 =	simm.s32 @!p0 $0x2  }
0xc0: {  	_ =	swait.ge @!p0 [sflag:s0], s1  }
0xc1: {  	s1 =	ssub.s32 @!p0 $0x0, s1;
	[sflag:s0] =	ssyncset.done @!p0 $0x0  }
0xc2: {  	[sflag:s0] =	ssyncadd.s32 @!p0 s1  }
0xc3: {  	[bflag:$0x3] =	sbarrier.arrive $0xFFFF  }
0xc4: {  	_ =	shalt  }

// kernel: kernel.9.cloned.1.call-start
scs
__scs_entry_jumppad:
0x0: {  	(pc) =	sbr.rel $0x88, $3  }
0x1: {  	(tag) =	ssettag $0x0;
	lr =	simm.s32 $0x1  }
0x2: {  	[smem:$0x3F8F] =	sst lr;
	_ =	strace $0xD0000000  }
0x3: {  	_ = 	snop  }
0x4: {  	_ = 	snop  }
0x5: {  	_ = 	snop  }
0x6: {  	_ = 	snop  }
0x7: {  	_ = 	snop  }
__scs_overlays_trampoline_lowered:
0x8: {  	[smem:$0x3F9E] =	sst s0  }
0x9: {  	[smem:$0x3F9F] =	sst s1  }
0xa: {  	[smem:$0x3FA0] =	sst s2  }
0xb: {  	[smem:$0x3FA1] =	sst s3  }
0xc: {  	[smem:$0x3FA2] =	sst s4  }
0xd: {  	[smem:$0x3FA3] =	sst s5  }
0xe: {  	[smem:$0x3FA4] =	sst s6  }
0xf: {  	[smem:$0x3FA5] =	sst s7  }
0x10: {  	[smem:$0x3FA6] =	sst s8  }
0x11: {  	[smem:$0x3FA7] =	sst s9;
	s0 =	simm.s32 @!p0 $0x0  }
0x12: {  	s1 =	sld [smem:$0x3F8D];
	s0 =	simm.s32 @p0 $0x1  }
0x13: {  	[smem:$0x3FA8] =	sst s0;
	s0 =	simm.s32 @!p1 $0x0  }
0x14: {  	s2 =	sld [smem:$0x3F8C];
	s0 =	simm.s32 @p1 $0x1  }
0x15: {  	[smem:$0x3FA9] =	sst s0;
	s0 =	simm.s32 @!p2 $0x0  }
0x16: {  	s3 =	sld [smem:$0x3FDB];
	s0 =	simm.s32 @p2 $0x1  }
0x17: {  	s4 =	simm.s32 $0x1BF5;
	[smem:$0x3FAB] =	sst s0  }
0x18: {  	s0 =	sld [smem:$0x3F8E];
	_ =	swait.ge [sflag:s4], $0x0  }
0x19: {  	s7 =	sld [smem:$0x3F8F]  }
0x1a: {  	s8 =	sadd.s32 $0xFFFFE003, lr  }
0x1b: {  	s9 =	sadd.s32 $0xFFFFFEF7, lr;
	s5 =	simm.s32 $0xFFFFFFFF;
	p2 =	slt.u32 s8, $0xFFFFF086  }
0x1c: {  	p1 =	slt.u32 s9, $0xF7A;
	s5 =	simm.s32 @!p2 $0x0  }
0x1d: {  	s5 =	simm.s32 @p1 $0x1;
	p0 =	seq.s32 s7, s2  }
0x1e: {  	s7 =	smul.u32 @!p0 $0xF7A, s2;
	p2 =	seq.s32 @!p0 s5, $0x0  }
0x1f: {  	s9 =	smul.u32 $0xF7A, s1;
	s8 =	simm.s32 @!p0 $0x1BF5;
	p2 =	por !p2, p0  }
0x20: {  	[sflag:s8] =	ssyncset.s32 @!p0 $0xFFFFF086;
	s6 =	sadd.s32 @!p0 s3, s7;
	s7 =	simm.s32 @!p0 $0x108  }
0x21: {  	s3 =	sadd.s32 s3, s9;
	s6 =	sadd.s32 @!p0 $0x88, s6;
	s7 =	simm.s32 @p2 $0x1082  }
0x22: {  	[simem:s7], [sflag:s8] =	dma.local @!p0 [hbm:s6], $0xF7A  }
0x23: {  	s9 =	sor.u32 $0xD0000000, s2;
	s6 =	simm.s32 $0x108;
	_ =	swait.ge @!p0 [sflag:s8], $0x0  }
0x24: {  	s3 =	sadd.s32 $0x88, s3;
	s6 =	simm.s32 @!p1 $0x1082;
	[sflag:s4] =	ssyncset.s32 $0xFFFFF086  }
0x25: {  	[simem:s6], [sflag:s4] =	dma.local [hbm:s3], $0xF7A  }
0x26: {  	[smem:$0x3F8F] =	sst s1;
	(tag) =	ssettag s2;
	_ =	strace s9  }
0x27: {  	s1 =	sld [smem:$0x3F9F]  }
0x28: {  	s2 =	sld [smem:$0x3FA0]  }
0x29: {  	s4 =	sld [smem:$0x3FA2]  }
0x2a: {  	p0 =	seq.s32 s5, $0x0;
	s5 =	sld [smem:$0x3FA3]  }
0x2b: {  	s6 =	sld [smem:$0x3FA4]  }
0x2c: {  	s7 =	sld [smem:$0x3FA5]  }
0x2d: {  	s3 =	simm.s32 $0x108;
	s8 =	sld [smem:$0x3FA6]  }
0x2e: {  	s3 =	simm.s32 @!p0 $0x1082;
	s9 =	sld [smem:$0x3FA7]  }
0x2f: {  	lr =	sadd.s32 s0, s3;
	s0 =	sld [smem:$0x3F9E]  }
0x30: {  	s3 =	sld [smem:$0x3FA1]  }
0x31: {  	[smem:$0x3FAA] =	sst s10  }
0x32: {  	s10 =	sld [smem:$0x3FA8];
	_ =	sdelay $0x3  }
0x33: {  	p0 =	seq.s32 s10, $0x1;
	s10 =	sld [smem:$0x3FAA];
	_ =	sdelay $0x3  }
0x34: {  	[smem:$0x3FAA] =	sst s10  }
0x35: {  	s10 =	sld [smem:$0x3FA9];
	_ =	sdelay $0x3  }
0x36: {  	p1 =	seq.s32 s10, $0x1;
	s10 =	sld [smem:$0x3FAA];
	_ =	sdelay $0x3  }
0x37: {  	[smem:$0x3FAA] =	sst s10  }
0x38: {  	s10 =	sld [smem:$0x3FAB]  }
0x39: {  	_ = 	snop;
	(pc) =	sbr.ind lr, $3  }
0x3a: {  	_ = 	snop  }
0x3b: {  	_ = 	snop  }
0x3c: {  	p2 =	seq.s32 s10, $0x1;
	s10 =	sld [smem:$0x3FAA]  }
0x3d: {  	_ =	shalt  }
0x3e: {  	_ =	shalt  }
0x3f: {  	_ =	shalt  }
0x40: {  	_ =	shalt  }
0x41: {  	_ =	shalt  }
0x42: {  	_ =	shalt  }
0x43: {  	_ =	shalt  }
0x44: {  	_ =	shalt  }
0x45: {  	_ =	shalt  }
0x46: {  	_ =	shalt  }
0x47: {  	_ =	shalt  }
0x48: {  	_ =	shalt  }
0x49: {  	_ =	shalt  }
0x4a: {  	_ =	shalt  }
0x4b: {  	_ =	shalt  }
0x4c: {  	_ =	shalt  }
0x4d: {  	_ =	shalt  }
0x4e: {  	_ =	shalt  }
0x4f: {  	_ =	shalt  }
0x50: {  	_ =	shalt  }
0x51: {  	_ =	shalt  }
0x52: {  	_ =	shalt  }
0x53: {  	_ =	shalt  }
0x54: {  	_ =	shalt  }
0x55: {  	_ =	shalt  }
0x56: {  	_ =	shalt  }
0x57: {  	_ =	shalt  }
0x58: {  	_ =	shalt  }
0x59: {  	_ =	shalt  }
0x5a: {  	_ =	shalt  }
0x5b: {  	_ =	shalt  }
0x5c: {  	_ =	shalt  }
0x5d: {  	_ =	shalt  }
0x5e: {  	_ =	shalt  }
0x5f: {  	_ =	shalt  }
0x60: {  	_ =	shalt  }
0x61: {  	_ =	shalt  }
0x62: {  	_ =	shalt  }
0x63: {  	_ =	shalt  }
0x64: {  	_ =	shalt  }
0x65: {  	_ =	shalt  }
0x66: {  	_ =	shalt  }
0x67: {  	_ =	shalt  }
0x68: {  	_ =	shalt  }
0x69: {  	_ =	shalt  }
0x6a: {  	_ =	shalt  }
0x6b: {  	_ =	shalt  }
0x6c: {  	_ =	shalt  }
0x6d: {  	_ =	shalt  }
0x6e: {  	_ =	shalt  }
0x6f: {  	_ =	shalt  }
0x70: {  	_ =	shalt  }
0x71: {  	_ =	shalt  }
0x72: {  	_ =	shalt  }
0x73: {  	_ =	shalt  }
0x74: {  	_ =	shalt  }
0x75: {  	_ =	shalt  }
0x76: {  	_ =	shalt  }
0x77: {  	_ =	shalt  }
0x78: {  	_ =	shalt  }
0x79: {  	_ =	shalt  }
0x7a: {  	_ =	shalt  }
0x7b: {  	_ =	shalt  }
0x7c: {  	_ =	shalt  }
0x7d: {  	_ =	shalt  }
0x7e: {  	_ =	shalt  }
0x7f: {  	_ =	shalt  }
0x80: {  	_ =	shalt  }
0x81: {  	_ =	shalt  }
0x82: {  	_ =	shalt  }
0x83: {  	_ =	shalt  }
0x84: {  	_ =	shalt  }
0x85: {  	_ =	shalt  }
0x86: {  	_ =	shalt  }
0x87: {  	_ =	shalt  }
.Lfunc_end0:
.L_simem_size_0:
called_computation.1_lowered:
.L_overlay_start_0:
0x88: {  	s2 =	sld [smem:$0x3FD9]  }
0x89: {  	s3 =	sld [smem:$0x3FFE];
	_ =	sdelay $0x1  }
0x8a: {  	s1 =	srdreg.scid  }
0x8b: {  	s0 =	sand.u32 $0x1, s1  }
0x8c: {  	s17 =	sshll.u32 s0, $0xA;
	s2 =	sadd.s32 s3, s2  }
0x8d: {  	s2 =	sadd.s32 s2, s17  }
0x8e: {  	[smem:$0x3FB6] =	sst s2  }
0x8f: {  	_ = 	snop  }
0x90: {  	s2 =	sld [smem:$0x3FD0];
	(tm) =	ssettm $0x1  }
0x91: {  	s18 =	sld [smem:$0x3FFB];
	_ =	sdelay $0x3  }
0x92: {  	_ =	strace s18  }
0x93: {  	s3 =	sld [smem:$0x3FFC];
	_ =	sdelay $0x3  }
0x94: {  	_ =	strace s3  }
0x95: {  	s3 =	sld [smem:$0x3FFD];
	_ =	sdelay $0x3  }
0x96: {  	_ =	strace s3  }
0x97: {  	_ =	strace $0x8FFFFFFF  }
0x98: {  	s19 =	sld [smem:$0x3FDB];
	_ =	sdelay $0x1  }
0x99: {  	s4 =	simm.s32 $_scs_section_size  }
0x9a: {  	s5 =	simm.s32 $_size__tile_overlayer_lowered;
	s6 =	simm.s32 $_tile_overlayer_lowered  }
0x9b: {  	s22 =	simm.s32 $0x1BFF;
	s21 =	sshll.u32 s6, $0x1;
	s3 =	sadd.s32 s4, s19  }
0x9c: {  	s7 =	simm.s32 $0x0;
	s20 =	sshll.u32 s5, $0x1;
	s5 =	sadd.s32 s21, s3  }
0x9d: {  	[timem:s7], [sflag:s22] =	dma.local [hbm:s5], s20  }
0x9e: {  	_ =	swait.ge [sflag:s22], s20  }
0x9f: {  	s4 =	ssub.s32 $0x0, s20;
	[sflag:s22] =	ssyncset.done $0x0  }
0xa0: {  	[sflag:s22] =	ssyncadd.s32 s4;
	_ =	sdelay $0x1  }
0xa1: {  	s23 =	simm.s32 $0x1B8B  }
0xa2: {  	_ =	swait.ge [sflag:s23], $0x1  }
0xa3: {  	[sflag:s23] =	ssyncset.done $0x0  }
0xa4: {  	s25 =	simm.s32 $0x1B8E;
	s24 =	sld [smem:$0x3FFE];
	[sflag:s23] =	ssyncadd.s32 $0xFFFFFFFF  }
0xa5: {  	s26 =	simm.s32 $execute0_lowered;
	[smem:$0x3FD2] =	sst s25  }
0xa6: {  	s5 =	sshll.u32 s26, $0x1;
	_ =	strace $0x80000049;
	[dreg:$0x1] =	wrdreg $0xFFFFFFFF  }
0xa7: {  	s28 =	simm.s32 $_size_execute0_lowered;
	s3 =	sadd.s32 s3, s5;
	[dreg:$0x0] =	wrdreg $0x0  }
0xa8: {  	s5 =	sshll.u32 s28, $0x1;
	[dreg:$0x2] =	wrdreg s3  }
0xa9: {  	[dreg:$0x3] =	wrdreg s5  }
0xaa: {  	[dreg:$0x4] =	wrdreg $0xC0  }
0xab: {  	_ =	task [dreg:s7], $0x5FFFF  }
0xac: {  	[dreg:$0x1] =	wrdreg $0xFFFFFFFF  }
0xad: {  	[dreg:$0x0] =	wrdreg $0x60  }
0xae: {  	[dreg:$0x2] =	wrdreg s24  }
0xaf: {  	[dreg:$0x3] =	wrdreg s2  }
0xb0: {  	[dreg:$0x4] =	wrdreg $0xA0000  }
0xb1: {  	[dreg:$0x5] =	wrdreg $0x9  }
0xb2: {  	_ =	task.clear_ibuf [dreg:s7], $0x6FFFF;
	_ =	strace $0x90000049  }
0xb3: {  	s29 =	simm.s32 $0x9;
	_ =	strace $0x8000004B  }
0xb4: {  	_ =	swait.ge [sflag:s29], $0x1  }
0xb5: {  	[sflag:s29] =	ssyncadd.s32 $0xFFFFFFFF  }
0xb6: {  	_ =	strace $0x9000004B  }
0xb7: {  	_ =	sfence  }
0xb8: {  	s30 =	sld [smem:$0x0];
	_ =	sdelay $0x2  }
0xb9: {  	s31 =	sshll.u32 s1, $0xD;
	s1 =	sshrl.u32 s1, $0x2  }
0xba: {  	s3 =	sand.u32 $0x4000, s31;
	s1 =	sadd.s32 s1, s30  }
0xbb: {  	s0 =	sor.u32 s3, s0;
	s1 =	sshll.u32 s1, $0x11  }
0xbc: {  	s0 =	sor.u32 s1, s0  }
0xbd: {  	s0 =	sadd.s32 $0x8F2B, s0  }
0xbe: {  	[sflag:s0] =	ssyncadd.remote.s32 $0x1  }
0xbf: {  	_ =	sfence.sel $0xFFFF  }
0xc0: {  	[dreg:$0x0] =	wrdreg $0xFFFFFFFF;
	(pc) =	sbr.abs _section_cstart, $3  }
0xc1: {  	[dreg:$0x1] =	wrdreg $0xFFFFFFFF  }
0xc2: {  	_ =	task.clear_ibuf [dreg:s7], $0x2FFFF;
	_ =	strace $0x9FFFFFFF  }
0xc3: {  	(tm) =	ssettm $0x7FFFFFFF  }
tec
execute0_lowered:
.L_overlay_start_1:
0x0: {  	(tag) =	ssettag $0x1  }
0x1: {  	s7 =	rddreg [dreg:$0x0]  }
0x2: {  	s22 =	rddreg [dreg:$0x1]  }
0x3: {  	s1 =	rddreg [dreg:$0x2]  }
0x4: {  	s0 =	rddreg [dreg:$0x3];
	s2 =	simm.s32 $0x0;
	s6 =	srdreg.scid  }
0x5: {  	s4 =	stileid.u32;
	s16 =	simm.s32 $0x1C00;
	s17 =	simm.s32 $0x64  }
0x6: {  	s18 =	simm.s32 $0x3800;
	s19 =	simm.s32 $0x6C00;
	s20 =	simm.s32 $0x1  }
0x7: {  	s21 =	simm.s32 $0x3400;
	[smem:$0x7FF] =	sst s2;
	s3 =	sadd.s32 $0x62400, s7  }
0x8: {  	s5 =	sadd.s32 $0x89600, s7;
	s10 =	sadd.s32 $0xA800, s7;
	s11 =	sadd.s32 $0x3800, s7  }
0x9: {  	s12 =	sand.u32 $0x1, s6;
	s6 =	sadd.s32 $0x5FC00, s7;
	s9 =	smul.u32 $0x50000, s4  }
0xa: {  	s23 =	sadd.s32 $0xB0800, s7;
	s13 =	smul.u32 $0x3800, s4;
	s31 =	sshll.u32 s4, $0x6  }
0xb: {  	s24 =	smul.u32 $0x2800, s4;
	_ =	strace $0x8000004A;
	s8 =	ssub.s32 $0x2, s12  }
0xc: {  	s7 =	sor.u32 $0x1C02, s31;
	p0 =	seq.s32 s12, $0x0;
	s12 =	smov.u32 s5  }
0xd: {  	s29 =	sshrl.u32 s8, $0x1;
	s30 =	sshrl.u32 s9, $0x2;
	s13 =	sshrl.u32 s13, $0x3  }
0xe: {  	s12 =	smov.u32 @p0 s3;
	s23 =	smov.u32 @p0 s22;
	s22 =	simm.s32 $0x3480  }
0xf: {  	s14 =	ssub.s32 s8, s29;
	s15 =	sadd.s32 s30, s1;
	s8 =	sadd.s32 s10, s13  }
0x10: {  	s9 =	sadd.s32 s11, s13;
	s13 =	sadd.s32 $0x380, s13;
	s23 =	sadd.s32 s23, s24  }
0x11: {  	s24 =	simm.s32 $0x0;
	s10 =	sadd.s32 s10, s13;
	s11 =	sadd.s32 s11, s13  }
0x12: {  	s13 =	smax.u32 s14, $0x1;
	s14 =	sshrl.u32 s15, $0x3;
	s15 =	simm.s32 $0x2  }
.LBB2_1:
0x13: {  	[spmem:s14], [sflag:s7] =	dma.local [hbm:s6], $0x2800  }
0x14: {  	_ =	swait.ge [sflag:s15], $0x2800  }
0x15: {  	[sflag:s15] =	ssyncset.done $0x0  }
0x16: {  	[sflag:s15] =	ssyncadd.s32 $0xFFFFD800  }
0x17: {  	[bflag:$0x0] =	sbarrier.arrive $0xFFFF  }
0x18: {  	[tilespmem:s2], [sflag:$0x2] =	stream.linear.gather [hbm4b:s8+s2], $0x1900, $0x38;
	[tilespmem:$0x1E000] =	vst v63  }
0x19: {  	_ =	swait.ge [sflag:s15], $0x1900  }
0x1a: {  	[sflag:s15] =	ssyncset.done $0x0  }
0x1b: {  	[sflag:s15] =	ssyncadd.s32 $0xFFFFE700  }
0x1c: {  	[tilespmem:s16], [sflag:$0x2] =	stream.linear.gather [hbm4b:s9+s2], $0x1900, $0x38;
	[tilespmem:$0x1E000] =	vst v63  }
0x1d: {  	_ =	swait.ge [sflag:s15], $0x1900  }
0x1e: {  	[sflag:s15] =	ssyncset.done $0x0  }
0x1f: {  	[sflag:s15] =	ssyncadd.s32 $0xFFFFE700  }
0x20: {  	[tilespmem:s18], [sflag:$0x1] =	stream.indirect.gather [hbm4b:s12+s17], $0x80, s2, s17, $0xb8;
	[tilespmem:$0x1E000] =	vst v63  }
0x21: {  	s25 =	simm.s32 $0x80  }
0x22: {  	[tilespmem:s19], [sflag:$0x1] =	stream.indirect.gather [hbm4b:s12+s17], $0x80, s25, s17, $0xb8;
	[tilespmem:$0x1E000] =	vst v63  }
0x23: {  	_ =	swait.ge [sflag:s20], $0x3200  }
0x24: {  	[sflag:s20] =	ssyncset.done $0x0  }
0x25: {  	s29 =	simm.s32 $0x1C00;
	[sflag:s20] =	ssyncadd.s32 $0xFFFFCE00  }
0x26: {  	[spmem:s1] =	stream.indirect.scatter.add.f32 [tilespmem:s18], [sflag:$0x2], $0x80, s29, s17, $0xb8;
	[tilespmem:$0x1E000] =	vst v63  }
0x27: {  	_ =	swait.ge [sflag:s15], $0x3200  }
0x28: {  	[sflag:s15] =	ssyncset.done $0x0  }
0x29: {  	s30 =	simm.s32 $0x100;
	[sflag:s15] =	ssyncadd.s32 $0xFFFFCE00  }
0x2a: {  	[tilespmem:s18], [sflag:$0x1] =	stream.indirect.gather [hbm4b:s12+s17], $0x80, s30, s17, $0xb8;
	[tilespmem:$0x1E000] =	vst v63  }
0x2b: {  	_ =	swait.ge [sflag:s20], $0x3200  }
0x2c: {  	[sflag:s20] =	ssyncset.done $0x0  }
0x2d: {  	s31 =	simm.s32 $0x1C80;
	[sflag:s20] =	ssyncadd.s32 $0xFFFFCE00  }
0x2e: {  	[spmem:s1] =	stream.indirect.scatter.add.f32 [tilespmem:s19], [sflag:$0x2], $0x80, s31, s17, $0xb8;
	[tilespmem:$0x1E000] =	vst v63  }
0x2f: {  	_ =	swait.ge [sflag:s15], $0x3200  }
0x30: {  	s26 =	simm.s32 $0x800;
	s25 =	simm.s32 $0x100;
	[sflag:s15] =	ssyncset.done $0x0  }
.LBB2_2:
0x31: {  	s28 =	sadd.s32 $0x80, s25  }
0x32: {  	[sflag:s15] =	ssyncadd.s32 $0xFFFFCE00;
	s29 =	smov.u32 s26;
	s30 =	sadd.s32 $0x400, s26  }
0x33: {  	[tilespmem:s19], [sflag:$0x1] =	stream.indirect.gather [hbm4b:s12+s17], $0x80, s28, s17, $0xb8;
	[tilespmem:$0x1E000] =	vst v63  }
0x34: {  	p1 =	sne.s32 s26, $0x5C00;
	_ =	swait.ge [sflag:s20], $0x3200  }
0x35: {  	[sflag:s20] =	ssyncset.done $0x0  }
0x36: {  	s26 =	sadd.s32 $0x1C00, s25;
	[sflag:s20] =	ssyncadd.s32 $0xFFFFCE00  }
0x37: {  	[spmem:s1] =	stream.indirect.scatter.add.f32 [tilespmem:s18], [sflag:$0x2], $0x80, s26, s17, $0xb8;
	[tilespmem:$0x1E000] =	vst v63  }
0x38: {  	_ =	swait.ge [sflag:s15], $0x3200  }
0x39: {  	[sflag:s15] =	ssyncset.done $0x0  }
0x3a: {  	s26 =	sadd.s32 $0x100, s25;
	[sflag:s15] =	ssyncadd.s32 $0xFFFFCE00  }
0x3b: {  	[tilespmem:s18], [sflag:$0x1] =	stream.indirect.gather [hbm4b:s12+s17], $0x80, s26, s17, $0xb8;
	[tilespmem:$0x1E000] =	vst v63  }
0x3c: {  	_ =	swait.ge [sflag:s20], $0x3200  }
.Ltmp0:
0x3d: {  	[sflag:s20] =	ssyncset.done $0x0;
	(pc) =	sbr.rel @p1 .LBB2_2-.Ltmp0, $4  }
0x3e: {  	s25 =	sadd.s32 $0x1C80, s25;
	[sflag:s20] =	ssyncadd.s32 $0xFFFFCE00  }
0x3f: {  	[spmem:s1] =	stream.indirect.scatter.add.f32 [tilespmem:s19], [sflag:$0x2], $0x80, s25, s17, $0xb8;
	[tilespmem:$0x1E000] =	vst v63  }
0x40: {  	_ =	swait.ge [sflag:s15], $0x3200  }
0x41: {  	s26 =	smov.u32 s30;
	s25 =	sshra.s32 s29, $0x2;
	[sflag:s15] =	ssyncset.done $0x0  }
0x42: {  	s26 =	sadd.s32 $0x80, s25;
	[sflag:s15] =	ssyncadd.s32 $0xFFFFCE00  }
0x43: {  	[tilespmem:s19], [sflag:$0x1] =	stream.indirect.gather [hbm4b:s12+s17], $0x80, s26, s17, $0xb8;
	[tilespmem:$0x1E000] =	vst v63  }
0x44: {  	_ =	swait.ge [sflag:s20], $0x3200  }
0x45: {  	[sflag:s20] =	ssyncset.done $0x0  }
0x46: {  	s29 =	sadd.s32 $0x1C00, s25;
	[sflag:s20] =	ssyncadd.s32 $0xFFFFCE00  }
0x47: {  	[spmem:s1] =	stream.indirect.scatter.add.f32 [tilespmem:s18], [sflag:$0x2], $0x80, s29, s17, $0xb8;
	[tilespmem:$0x1E000] =	vst v63  }
0x48: {  	_ =	swait.ge [sflag:s15], $0x3200  }
0x49: {  	[sflag:s15] =	ssyncset.done $0x0  }
0x4a: {  	s30 =	sadd.s32 $0x100, s25;
	[sflag:s15] =	ssyncadd.s32 $0xFFFFCE00  }
0x4b: {  	[tilespmem:s18], [sflag:$0x1] =	stream.indirect.gather [hbm4b:s12+s17], $0x80, s30, s17, $0xb8;
	[tilespmem:$0x1E000] =	vst v63  }
0x4c: {  	_ =	swait.ge [sflag:s20], $0x3200  }
0x4d: {  	[sflag:s20] =	ssyncset.done $0x0  }
0x4e: {  	s31 =	sadd.s32 $0x1C80, s25;
	[sflag:s20] =	ssyncadd.s32 $0xFFFFCE00  }
0x4f: {  	[spmem:s1] =	stream.indirect.scatter.add.f32 [tilespmem:s19], [sflag:$0x2], $0x80, s31, s17, $0xb8;
	[tilespmem:$0x1E000] =	vst v63  }
0x50: {  	_ =	swait.ge [sflag:s15], $0x3200  }
0x51: {  	s25 =	simm.s32 @p0 $0x64;
	[sflag:s15] =	ssyncset.done $0x0  }
0x52: {  	s28 =	simm.s32 @p0 $0x6C00;
	s26 =	simm.s32 @p0 $0x1880;
	[sflag:s15] =	ssyncadd.s32 $0xFFFFCE00  }
0x53: {  	[tilespmem:s28], [sflag:$0x1] =	stream.indirect.gather @p0 [hbm4b:s3+s25], $0x80, s26, s25, $0xb8;
	[tilespmem:$0x1E000] =	vst v63  }
0x54: {  	s25 =	simm.s32 @!p0 $0x64;
	s26 =	simm.s32 @!p0 $0x1880;
	s28 =	simm.s32 @!p0 $0x6C00  }
0x55: {  	[tilespmem:s28], [sflag:$0x1] =	stream.indirect.gather @!p0 [hbm4b:s5+s25], $0x80, s26, s25, $0xb8;
	[tilespmem:$0x1E000] =	vst v63  }
0x56: {  	_ =	swait.ge [sflag:s20], $0x3200  }
0x57: {  	[sflag:s20] =	ssyncset.done $0x0  }
0x58: {  	[sflag:s20] =	ssyncadd.s32 $0xFFFFCE00  }
0x59: {  	[spmem:s1] =	stream.indirect.scatter.add.f32 [tilespmem:s18], [sflag:$0x2], $0x80, s21, s17, $0xb8;
	[tilespmem:$0x1E000] =	vst v63  }
0x5a: {  	_ =	swait.ge [sflag:s15], $0x3200  }
0x5b: {  	[sflag:s15] =	ssyncset.done $0x0  }
0x5c: {  	[sflag:s15] =	ssyncadd.s32 $0xFFFFCE00  }
0x5d: {  	_ =	swait.ge [sflag:s20], $0x3200  }
0x5e: {  	[sflag:s20] =	ssyncset.done $0x0  }
0x5f: {  	[sflag:s20] =	ssyncadd.s32 $0xFFFFCE00  }
0x60: {  	[spmem:s1] =	stream.indirect.scatter.add.f32 [tilespmem:s19], [sflag:$0x2], $0x80, s22, s17, $0xb8;
	[tilespmem:$0x1E000] =	vst v63  }
0x61: {  	_ =	swait.ge [sflag:s15], $0x3200  }
0x62: {  	[sflag:s15] =	ssyncset.done $0x0  }
0x63: {  	s26 =	simm.s32 $0x0;
	[sflag:s15] =	ssyncadd.s32 $0xFFFFCE00  }
0x64: {  	[tilespmem:s26], [sflag:$0x2] =	stream.linear.gather [hbm4b:s10+s26], $0x1900, $0x38;
	[tilespmem:$0x1E000] =	vst v63  }
0x65: {  	_ =	swait.ge [sflag:s15], $0x1900  }
0x66: {  	[sflag:s15] =	ssyncset.done $0x0  }
0x67: {  	[sflag:s15] =	ssyncadd.s32 $0xFFFFE700  }
0x68: {  	[tilespmem:s16], [sflag:$0x2] =	stream.linear.gather [hbm4b:s11+s26], $0x1900, $0x38;
	[tilespmem:$0x1E000] =	vst v63  }
0x69: {  	_ =	swait.ge [sflag:s15], $0x1900  }
0x6a: {  	[sflag:s15] =	ssyncset.done $0x0  }
0x6b: {  	[sflag:s15] =	ssyncadd.s32 $0xFFFFE700  }
0x6c: {  	[tilespmem:s18], [sflag:$0x1] =	stream.indirect.gather [hbm4b:s12+s17], $0x80, s26, s17, $0xb8;
	[tilespmem:$0x1E000] =	vst v63  }
0x6d: {  	s28 =	simm.s32 $0x80  }
0x6e: {  	[tilespmem:s19], [sflag:$0x1] =	stream.indirect.gather [hbm4b:s12+s17], $0x80, s28, s17, $0xb8;
	[tilespmem:$0x1E000] =	vst v63  }
0x6f: {  	_ =	swait.ge [sflag:s20], $0x3200  }
0x70: {  	[sflag:s20] =	ssyncset.done $0x0  }
0x71: {  	s29 =	simm.s32 $0x1C00;
	[sflag:s20] =	ssyncadd.s32 $0xFFFFCE00  }
0x72: {  	[spmem:s1] =	stream.indirect.scatter.add.f32 [tilespmem:s18], [sflag:$0x2], $0x80, s29, s17, $0xb8;
	[tilespmem:$0x1E000] =	vst v63  }
0x73: {  	_ =	swait.ge [sflag:s15], $0x3200  }
0x74: {  	[sflag:s15] =	ssyncset.done $0x0  }
0x75: {  	s30 =	simm.s32 $0x100;
	[sflag:s15] =	ssyncadd.s32 $0xFFFFCE00  }
0x76: {  	[tilespmem:s18], [sflag:$0x1] =	stream.indirect.gather [hbm4b:s12+s17], $0x80, s30, s17, $0xb8;
	[tilespmem:$0x1E000] =	vst v63  }
0x77: {  	_ =	swait.ge [sflag:s20], $0x3200  }
0x78: {  	[sflag:s20] =	ssyncset.done $0x0  }
0x79: {  	s31 =	simm.s32 $0x1C80;
	[sflag:s20] =	ssyncadd.s32 $0xFFFFCE00  }
0x7a: {  	[spmem:s1] =	stream.indirect.scatter.add.f32 [tilespmem:s19], [sflag:$0x2], $0x80, s31, s17, $0xb8;
	[tilespmem:$0x1E000] =	vst v63  }
0x7b: {  	_ =	swait.ge [sflag:s15], $0x3200  }
0x7c: {  	s25 =	simm.s32 $0x100;
	s26 =	simm.s32 $0x800;
	[sflag:s15] =	ssyncset.done $0x0  }
.LBB2_4:
0x7d: {  	s28 =	sadd.s32 $0x80, s25  }
0x7e: {  	[sflag:s15] =	ssyncadd.s32 $0xFFFFCE00;
	s29 =	smov.u32 s26;
	s30 =	sadd.s32 $0x400, s26  }
0x7f: {  	[tilespmem:s19], [sflag:$0x1] =	stream.indirect.gather [hbm4b:s12+s17], $0x80, s28, s17, $0xb8;
	[tilespmem:$0x1E000] =	vst v63  }
0x80: {  	p1 =	sne.s32 s26, $0x5C00;
	_ =	swait.ge [sflag:s20], $0x3200  }
0x81: {  	[sflag:s20] =	ssyncset.done $0x0  }
0x82: {  	s26 =	sadd.s32 $0x1C00, s25;
	[sflag:s20] =	ssyncadd.s32 $0xFFFFCE00  }
0x83: {  	[spmem:s1] =	stream.indirect.scatter.add.f32 [tilespmem:s18], [sflag:$0x2], $0x80, s26, s17, $0xb8;
	[tilespmem:$0x1E000] =	vst v63  }
0x84: {  	_ =	swait.ge [sflag:s15], $0x3200  }
0x85: {  	[sflag:s15] =	ssyncset.done $0x0  }
0x86: {  	s26 =	sadd.s32 $0x100, s25;
	[sflag:s15] =	ssyncadd.s32 $0xFFFFCE00  }
0x87: {  	[tilespmem:s18], [sflag:$0x1] =	stream.indirect.gather [hbm4b:s12+s17], $0x80, s26, s17, $0xb8;
	[tilespmem:$0x1E000] =	vst v63  }
0x88: {  	_ =	swait.ge [sflag:s20], $0x3200  }
.Ltmp1:
0x89: {  	[sflag:s20] =	ssyncset.done $0x0;
	(pc) =	sbr.rel @p1 .LBB2_4-.Ltmp1, $4  }
0x8a: {  	s25 =	sadd.s32 $0x1C80, s25;
	[sflag:s20] =	ssyncadd.s32 $0xFFFFCE00  }
0x8b: {  	[spmem:s1] =	stream.indirect.scatter.add.f32 [tilespmem:s19], [sflag:$0x2], $0x80, s25, s17, $0xb8;
	[tilespmem:$0x1E000] =	vst v63  }
0x8c: {  	_ =	swait.ge [sflag:s15], $0x3200  }
0x8d: {  	s26 =	smov.u32 s30;
	s25 =	sshra.s32 s29, $0x2;
	[sflag:s15] =	ssyncset.done $0x0  }
0x8e: {  	s26 =	sadd.s32 $0x80, s25;
	[sflag:s15] =	ssyncadd.s32 $0xFFFFCE00  }
0x8f: {  	[tilespmem:s19], [sflag:$0x1] =	stream.indirect.gather [hbm4b:s12+s17], $0x80, s26, s17, $0xb8;
	[tilespmem:$0x1E000] =	vst v63  }
0x90: {  	_ =	swait.ge [sflag:s20], $0x3200  }
0x91: {  	[sflag:s20] =	ssyncset.done $0x0  }
0x92: {  	s29 =	sadd.s32 $0x1C00, s25;
	[sflag:s20] =	ssyncadd.s32 $0xFFFFCE00  }
0x93: {  	[spmem:s1] =	stream.indirect.scatter.add.f32 [tilespmem:s18], [sflag:$0x2], $0x80, s29, s17, $0xb8;
	[tilespmem:$0x1E000] =	vst v63  }
0x94: {  	_ =	swait.ge [sflag:s15], $0x3200  }
0x95: {  	[sflag:s15] =	ssyncset.done $0x0  }
0x96: {  	s30 =	sadd.s32 $0x100, s25;
	[sflag:s15] =	ssyncadd.s32 $0xFFFFCE00  }
0x97: {  	[tilespmem:s18], [sflag:$0x1] =	stream.indirect.gather [hbm4b:s12+s17], $0x80, s30, s17, $0xb8;
	[tilespmem:$0x1E000] =	vst v63  }
0x98: {  	_ =	swait.ge [sflag:s20], $0x3200  }
0x99: {  	[sflag:s20] =	ssyncset.done $0x0  }
0x9a: {  	s31 =	sadd.s32 $0x1C80, s25;
	[sflag:s20] =	ssyncadd.s32 $0xFFFFCE00  }
0x9b: {  	[spmem:s1] =	stream.indirect.scatter.add.f32 [tilespmem:s19], [sflag:$0x2], $0x80, s31, s17, $0xb8;
	[tilespmem:$0x1E000] =	vst v63  }
0x9c: {  	_ =	swait.ge [sflag:s15], $0x3200  }
0x9d: {  	s25 =	simm.s32 @p0 $0x64;
	[sflag:s15] =	ssyncset.done $0x0  }
0x9e: {  	s28 =	simm.s32 @p0 $0x6C00;
	s26 =	simm.s32 @p0 $0x1880;
	[sflag:s15] =	ssyncadd.s32 $0xFFFFCE00  }
0x9f: {  	[tilespmem:s28], [sflag:$0x1] =	stream.indirect.gather @p0 [hbm4b:s3+s25], $0x80, s26, s25, $0xb8;
	[tilespmem:$0x1E000] =	vst v63  }
0xa0: {  	s25 =	simm.s32 @!p0 $0x64;
	s26 =	simm.s32 @!p0 $0x1880;
	s28 =	simm.s32 @!p0 $0x6C00  }
0xa1: {  	[tilespmem:s28], [sflag:$0x1] =	stream.indirect.gather @!p0 [hbm4b:s5+s25], $0x80, s26, s25, $0xb8;
	[tilespmem:$0x1E000] =	vst v63  }
0xa2: {  	_ =	swait.ge [sflag:s20], $0x3200  }
0xa3: {  	[sflag:s20] =	ssyncset.done $0x0  }
0xa4: {  	[sflag:s20] =	ssyncadd.s32 $0xFFFFCE00  }
0xa5: {  	[spmem:s1] =	stream.indirect.scatter.add.f32 [tilespmem:s18], [sflag:$0x2], $0x80, s21, s17, $0xb8;
	[tilespmem:$0x1E000] =	vst v63  }
0xa6: {  	_ =	swait.ge [sflag:s15], $0x3200  }
0xa7: {  	[sflag:s15] =	ssyncset.done $0x0  }
0xa8: {  	[sflag:s15] =	ssyncadd.s32 $0xFFFFCE00  }
0xa9: {  	_ =	swait.ge [sflag:s20], $0x3200  }
0xaa: {  	[sflag:s20] =	ssyncset.done $0x0  }
0xab: {  	[sflag:s20] =	ssyncadd.s32 $0xFFFFCE00  }
0xac: {  	[spmem:s1] =	stream.indirect.scatter.add.f32 [tilespmem:s19], [sflag:$0x2], $0x80, s22, s17, $0xb8;
	[tilespmem:$0x1E000] =	vst v63  }
0xad: {  	_ =	swait.ge [sflag:s15], $0x3200  }
0xae: {  	s24 =	sadd.s32 $0x1, s24;
	[sflag:s15] =	ssyncset.done $0x0  }
0xaf: {  	p1 =	sne.s32 s24, s13;
	[sflag:s15] =	ssyncadd.s32 $0xFFFFCE00  }
.Ltmp2:
0xb0: {  	[bflag:$0x0] =	sbarrier.arrive $0xFFFF;
	(pc) =	sbr.rel @p1 .LBB2_1-.Ltmp2, $4  }
0xb1: {  	[hbm:s23], [sflag:s7] =	dma.local [spmem:s14], $0x2800  }
0xb2: {  	_ =	swait.ge [sflag:s15], $0x2800  }
0xb3: {  	[sflag:s15] =	ssyncset.done $0x0  }
0xb4: {  	[sflag:s15] =	ssyncadd.s32 $0xFFFFD800  }
0xb5: {  	_ =	sfence.sel $0x180000  }
0xb6: {  	[bflag:$0x0] =	sbarrier.arrive $0xFFFF  }
0xb7: {  	p0 =	sne.s32 s4, $0x0;
	_ =	strace $0x9000004A  }
0xb8: {  	s0 =	sadd.s32 @!p0 $0x100000, s0;
	[bflag:$0x2] =	sbarrier.arrive $0xFFFF  }
0xb9: {  	[sflag:s0] =	ssyncadd.tile.s32 @!p0 $0x1;
	_ =	shalt  }
.Lfunc_end2:
_tile_overlayer_lowered:
.L_overlay_start_2:
0xba: {  	(tag) =	ssettag $0x2  }
0xbb: {  	s0 =	rddreg [dreg:$0x0];
	s2 =	stileid.u32  }
0xbc: {  	s1 =	rddreg [dreg:$0x1];
	p0 =	sne.s32 s2, $0x0  }
0xbd: {  	s3 =	rddreg [dreg:$0x2];
	[bflag:$0x3] =	sbarrier.arrive $0xFFFF;
	s2 =	simm.s32 @!p0 $0x1C02  }
0xbe: {  	[timem:s3], [sflag:s2] =	dma.local @!p0 [hbm:s0], s1  }
0xbf: {  	s0 =	simm.s32 @!p0 $0x2  }
0xc0: {  	_ =	swait.ge @!p0 [sflag:s0], s1  }
0xc1: {  	s1 =	ssub.s32 @!p0 $0x0, s1;
	[sflag:s0] =	ssyncset.done @!p0 $0x0  }
0xc2: {  	[sflag:s0] =	ssyncadd.s32 @!p0 s1  }
0xc3: {  	[bflag:$0x3] =	sbarrier.arrive $0xFFFF  }
0xc4: {  	_ =	shalt  }

</sc_bundles>
